<compile_context>
chip_gen: v7x
topology: tpu7x:2x2x1
jax: 0.10.2.dev20260603
libtpu: 0.0.44.dev20260713+nightly
codegen_flags: <defaults>
</compile_context>

<pallas_src>
import functools

import jax
import jax.numpy as jnp
from jax import lax
from jax.experimental import pallas as pl
from jax.experimental.pallas import tpu as pltpu
from jax.experimental.pallas import tpu_sc as plsc

_NW = 32
_NB = 8
_LA = 4


def _emb_call(M, S, D, DP):
    m_per_w = M // _NW
    assert m_per_w % _NB == 0 and m_per_w >= 2 * _NB
    mesh = plsc.VectorSubcoreMesh(core_axis_name="c", subcore_axis_name="s")

    @functools.partial(
        pl.kernel,
        mesh=mesh,
        out_type=jax.ShapeDtypeStruct((M, S, DP), jnp.float32),
        scratch_types=[
            pltpu.VMEM((m_per_w, S), jnp.int32),
            pltpu.VMEM((_NB, S, D), jnp.float32),
            [pltpu.SemaphoreType.DMA] * _NB,
            [pltpu.SemaphoreType.DMA] * _NB,
        ],
        compiler_params=pltpu.CompilerParams(use_tc_tiling_on_sc=False),
    )
    def emb(table_hbm, idx_hbm, out_hbm, idx_v, rows_v, gsems, osems):
        wid = lax.axis_index("s") * 2 + lax.axis_index("c")
        base = wid * m_per_w
        pltpu.sync_copy(idx_hbm.at[pl.ds(base, m_per_w)], idx_v)

        def g_fire(j, b):
            pltpu.async_copy(table_hbm.at[idx_v.at[j]], rows_v.at[b], gsems[b])

        def g_wait(j, b):
            pltpu.make_async_copy(
                table_hbm.at[idx_v.at[j]], rows_v.at[b], gsems[b]).wait()

        def o_fire(j, b):
            pltpu.async_copy(
                rows_v.at[b], out_hbm.at[base + j].at[:, pl.ds(0, D)],
                osems[b])

        def o_wait(j, b):
            pltpu.make_async_copy(
                rows_v.at[b], out_hbm.at[base + j].at[:, pl.ds(0, D)],
                osems[b]).wait()

        for b in range(_LA):
            g_fire(b, b)

        def step(j, b, first, last):
            b2 = (b + _LA) % _NB
            g_wait(j, b)
            o_fire(j, b)
            if not first:
                o_wait(j - _LA, b2)
            if not last:
                g_fire(j + _LA, b2)

        for b in range(_NB):
            step(b, b, first=(b < _LA), last=False)

        def group(g, carry):
            j0 = g * _NB
            for b in range(_NB):
                step(j0 + b, b, first=False, last=False)
            return carry

        lax.fori_loop(1, m_per_w // _NB - 1, group, 0)

        j0 = m_per_w - _NB
        for b in range(_NB):
            step(j0 + b, b, first=False, last=(b >= _NB - _LA))

        for j in range(m_per_w - _LA, m_per_w):
            o_wait(j, j % _NB)

    return emb


def kernel(X, E):
    M, S = X.shape
    V, D = E.shape
    out_pad = _emb_call(M, S, D, 128)(E, X)
    return lax.slice(out_pad, (0, 0, 0), (M, S, D))

# --- scband reference (transcript-rebuilt; emitter-appended) ---
"""Pipeline reference for scband-embedding-65094524338904 (READ-ONLY COPY).

The authoritative reference and input builder live on the scoring server;
editing this copy changes nothing except your own understanding.
"""

import jax, jax.numpy as jnp
import numpy as np

VOCAB = 1000000
E_DIM = 32
BATCH = 4096
SEQ = 200

def setup_inputs(seed: int = 0) -> dict:
    key = jax.random.key(seed)
    k1, k2 = jax.random.split(key)
    X = jax.random.randint(k1, (BATCH, SEQ), 0, VOCAB, dtype=jnp.int32)
    E = jax.random.normal(k2, (VOCAB, E_DIM), dtype=jnp.float32)
    return {"X": X, "E": E}

def reference(X, E):
    # Embedding.forward: self._E(X) -> [m, max_num_1d_tokens, d]
    return jnp.take(E, X, axis=0)

if __name__ == "__main__":
    import jax
    _d = setup_inputs()
    print(jax.jit(kernel)(*tuple(_d.values())))

</pallas_src>

<mosaic_0001>
#map = affine_map<(d0, d1) -> (0, 0)>
#map1 = affine_map<(d0, d1) -> (0, 0, 0)>
module attributes {stable_mosaic.version = 14 : i64} {
  func.func @emb(%arg0: i32, %arg1: i32, %arg2: memref<1000000x32xf32, #tpu.memory_space<hbm>>, %arg3: memref<4096x200xi32, #tpu.memory_space<hbm>>, %arg4: memref<4096x200x128xf32, #tpu.memory_space<hbm>>, %arg5: memref<128x200xi32, #tpu.memory_space<vmem>>, %arg6: memref<8x200x32xf32, #tpu.memory_space<vmem>>, %arg7: memref<!tpu.dma_semaphore, #tpu.memory_space<semaphore_mem>>, %arg8: memref<!tpu.dma_semaphore, #tpu.memory_space<semaphore_mem>>, %arg9: memref<!tpu.dma_semaphore, #tpu.memory_space<semaphore_mem>>, %arg10: memref<!tpu.dma_semaphore, #tpu.memory_space<semaphore_mem>>, %arg11: memref<!tpu.dma_semaphore, #tpu.memory_space<semaphore_mem>>, %arg12: memref<!tpu.dma_semaphore, #tpu.memory_space<semaphore_mem>>, %arg13: memref<!tpu.dma_semaphore, #tpu.memory_space<semaphore_mem>>, %arg14: memref<!tpu.dma_semaphore, #tpu.memory_space<semaphore_mem>>, %arg15: memref<!tpu.dma_semaphore, #tpu.memory_space<semaphore_mem>>, %arg16: memref<!tpu.dma_semaphore, #tpu.memory_space<semaphore_mem>>, %arg17: memref<!tpu.dma_semaphore, #tpu.memory_space<semaphore_mem>>, %arg18: memref<!tpu.dma_semaphore, #tpu.memory_space<semaphore_mem>>, %arg19: memref<!tpu.dma_semaphore, #tpu.memory_space<semaphore_mem>>, %arg20: memref<!tpu.dma_semaphore, #tpu.memory_space<semaphore_mem>>, %arg21: memref<!tpu.dma_semaphore, #tpu.memory_space<semaphore_mem>>, %arg22: memref<!tpu.dma_semaphore, #tpu.memory_space<semaphore_mem>>) attributes {dimension_semantics = [#tpu.dimension_semantics<core_parallel>, #tpu.dimension_semantics<subcore_parallel>], iteration_bounds = array<i64: 2, 16>, scalar_prefetch = 0 : i64, scratch_operands = 18 : i64, tpu.core_type = #tpu.core_type<sc_vector_subcore>, window_params = [{transform_indices = #map}, {transform_indices = #map}, {transform_indices = #map1}]} {
    %mul3A = arith.constant 2 : i32
    %mul3A_0 = arith.muli %arg1, %mul3A : i32
    %add3A = arith.addi %mul3A_0, %arg0 : i32
    %mul3A_1 = arith.constant 128 : i32
    %mul3A_2 = arith.muli %add3A, %mul3A_1 : i32
    "tpu.region"() ({
      %run_scoped3A = tpu.sem_alloc : memref<!tpu.dma_semaphore, #tpu.memory_space<semaphore_mem>>
      %dma_start3A_1190 = arith.constant 0 : i32
      %dma_start3A_1191 = tpu.memref_slice %arg3[%mul3A_2, %dma_start3A_1190] : memref<4096x200xi32, #tpu.memory_space<hbm>> -> memref<128x200xi32, #tpu.memory_space<hbm>>
      %dma_start3A_1192 = arith.constant 0 : i32
      %dma_start3A_1193 = tpu.memref_slice %arg3[%mul3A_2, %dma_start3A_1192] : memref<4096x200xi32, #tpu.memory_space<hbm>> -> memref<128x200xi32, #tpu.memory_space<hbm>>
      tpu.enqueue_dma source(%dma_start3A_1193 : memref<128x200xi32, #tpu.memory_space<hbm>>) target(%arg5 : memref<128x200xi32, #tpu.memory_space<vmem>>) target_semaphore(%run_scoped3A : memref<!tpu.dma_semaphore, #tpu.memory_space<semaphore_mem>>)
      %dma_wait3A_1194 = arith.constant 0 : i32
      %dma_wait3A_1195 = tpu.memref_slice %arg3[%mul3A_2, %dma_wait3A_1194] : memref<4096x200xi32, #tpu.memory_space<hbm>> -> memref<128x200xi32, #tpu.memory_space<hbm>>
      %dma_wait3A_1196 = arith.constant 0 : i32
      %dma_wait3A_1197 = tpu.memref_slice %arg3[%mul3A_2, %dma_wait3A_1196] : memref<4096x200xi32, #tpu.memory_space<hbm>> -> memref<128x200xi32, #tpu.memory_space<hbm>>
      tpu.wait_dma2 semaphore(%run_scoped3A : memref<!tpu.dma_semaphore, #tpu.memory_space<semaphore_mem>>) src(%dma_wait3A_1197 : memref<128x200xi32, #tpu.memory_space<hbm>>) dst(%arg5 : memref<128x200xi32, #tpu.memory_space<vmem>>)
      tpu.yield
    }) : () -> ()
    %dma_start3A = arith.constant 0 : i32
    %dma_start3A_3 = arith.constant 0 : i32
    %dma_start3A_4 = arith.constant 0 : i32
    %dma_start3A_5 = arith.constant 0 : i32
    %dma_start3A_6 = tpu.memref_slice %arg6[%dma_start3A_3, %dma_start3A_4, %dma_start3A_5] : memref<8x200x32xf32, #tpu.memory_space<vmem>> -> memref<1x200x32xf32, #tpu.memory_space<vmem>>
    %dma_start3A_7 = tpu.memref_squeeze %dma_start3A_6 : memref<1x200x32xf32, #tpu.memory_space<vmem>> -> memref<200x32xf32, #tpu.memory_space<vmem>>
    %dma_start3A_8 = arith.constant 0 : i32
    %dma_start3A_9 = tpu.memref_slice %arg5[%dma_start3A, %dma_start3A_8] : memref<128x200xi32, #tpu.memory_space<vmem>> -> memref<1x200xi32, #tpu.memory_space<vmem>>
    %dma_start3A_10 = tpu.memref_squeeze %dma_start3A_9 : memref<1x200xi32, #tpu.memory_space<vmem>> -> memref<200xi32, #tpu.memory_space<vmem>>
    %dma_start3A_11 = arith.constant 0 : i32
    %dma_start3A_12 = arith.constant 0 : i32
    %dma_start3A_13 = tpu.memref_slice %arg2[%dma_start3A_11, %dma_start3A_12] : memref<1000000x32xf32, #tpu.memory_space<hbm>> -> memref<1000000x32xf32, #tpu.memory_space<hbm>>
    tpu.enqueue_indirect_dma source(%dma_start3A_13 : memref<1000000x32xf32, #tpu.memory_space<hbm>>) target(%dma_start3A_7 : memref<200x32xf32, #tpu.memory_space<vmem>>) offsets(%dma_start3A_10 : memref<200xi32, #tpu.memory_space<vmem>>) semaphore(%arg7 : memref<!tpu.dma_semaphore, #tpu.memory_space<semaphore_mem>>)
    %dma_start3A_14 = arith.constant 1 : i32
    %dma_start3A_15 = arith.constant 1 : i32
    %dma_start3A_16 = arith.constant 0 : i32
    %dma_start3A_17 = arith.constant 0 : i32
    %dma_start3A_18 = tpu.memref_slice %arg6[%dma_start3A_15, %dma_start3A_16, %dma_start3A_17] : memref<8x200x32xf32, #tpu.memory_space<vmem>> -> memref<1x200x32xf32, #tpu.memory_space<vmem>>
    %dma_start3A_19 = tpu.memref_squeeze %dma_start3A_18 : memref<1x200x32xf32, #tpu.memory_space<vmem>> -> memref<200x32xf32, #tpu.memory_space<vmem>>
    %dma_start3A_20 = arith.constant 0 : i32
    %dma_start3A_21 = tpu.memref_slice %arg5[%dma_start3A_14, %dma_start3A_20] : memref<128x200xi32, #tpu.memory_space<vmem>> -> memref<1x200xi32, #tpu.memory_space<vmem>>
    %dma_start3A_22 = tpu.memref_squeeze %dma_start3A_21 : memref<1x200xi32, #tpu.memory_space<vmem>> -> memref<200xi32, #tpu.memory_space<vmem>>
    %dma_start3A_23 = arith.constant 0 : i32
    %dma_start3A_24 = arith.constant 0 : i32
    %dma_start3A_25 = tpu.memref_slice %arg2[%dma_start3A_23, %dma_start3A_24] : memref<1000000x32xf32, #tpu.memory_space<hbm>> -> memref<1000000x32xf32, #tpu.memory_space<hbm>>
    tpu.enqueue_indirect_dma source(%dma_start3A_25 : memref<1000000x32xf32, #tpu.memory_space<hbm>>) target(%dma_start3A_19 : memref<200x32xf32, #tpu.memory_space<vmem>>) offsets(%dma_start3A_22 : memref<200xi32, #tpu.memory_space<vmem>>) semaphore(%arg8 : memref<!tpu.dma_semaphore, #tpu.memory_space<semaphore_mem>>)
    %dma_start3A_26 = arith.constant 2 : i32
    %dma_start3A_27 = arith.constant 2 : i32
    %dma_start3A_28 = arith.constant 0 : i32
    %dma_start3A_29 = arith.constant 0 : i32
    %dma_start3A_30 = tpu.memref_slice %arg6[%dma_start3A_27, %dma_start3A_28, %dma_start3A_29] : memref<8x200x32xf32, #tpu.memory_space<vmem>> -> memref<1x200x32xf32, #tpu.memory_space<vmem>>
    %dma_start3A_31 = tpu.memref_squeeze %dma_start3A_30 : memref<1x200x32xf32, #tpu.memory_space<vmem>> -> memref<200x32xf32, #tpu.memory_space<vmem>>
    %dma_start3A_32 = arith.constant 0 : i32
    %dma_start3A_33 = tpu.memref_slice %arg5[%dma_start3A_26, %dma_start3A_32] : memref<128x200xi32, #tpu.memory_space<vmem>> -> memref<1x200xi32, #tpu.memory_space<vmem>>
    %dma_start3A_34 = tpu.memref_squeeze %dma_start3A_33 : memref<1x200xi32, #tpu.memory_space<vmem>> -> memref<200xi32, #tpu.memory_space<vmem>>
    %dma_start3A_35 = arith.constant 0 : i32
    %dma_start3A_36 = arith.constant 0 : i32
    %dma_start3A_37 = tpu.memref_slice %arg2[%dma_start3A_35, %dma_start3A_36] : memref<1000000x32xf32, #tpu.memory_space<hbm>> -> memref<1000000x32xf32, #tpu.memory_space<hbm>>
    tpu.enqueue_indirect_dma source(%dma_start3A_37 : memref<1000000x32xf32, #tpu.memory_space<hbm>>) target(%dma_start3A_31 : memref<200x32xf32, #tpu.memory_space<vmem>>) offsets(%dma_start3A_34 : memref<200xi32, #tpu.memory_space<vmem>>) semaphore(%arg9 : memref<!tpu.dma_semaphore, #tpu.memory_space<semaphore_mem>>)
    %dma_start3A_38 = arith.constant 3 : i32
    %dma_start3A_39 = arith.constant 3 : i32
    %dma_start3A_40 = arith.constant 0 : i32
    %dma_start3A_41 = arith.constant 0 : i32
    %dma_start3A_42 = tpu.memref_slice %arg6[%dma_start3A_39, %dma_start3A_40, %dma_start3A_41] : memref<8x200x32xf32, #tpu.memory_space<vmem>> -> memref<1x200x32xf32, #tpu.memory_space<vmem>>
    %dma_start3A_43 = tpu.memref_squeeze %dma_start3A_42 : memref<1x200x32xf32, #tpu.memory_space<vmem>> -> memref<200x32xf32, #tpu.memory_space<vmem>>
    %dma_start3A_44 = arith.constant 0 : i32
    %dma_start3A_45 = tpu.memref_slice %arg5[%dma_start3A_38, %dma_start3A_44] : memref<128x200xi32, #tpu.memory_space<vmem>> -> memref<1x200xi32, #tpu.memory_space<vmem>>
    %dma_start3A_46 = tpu.memref_squeeze %dma_start3A_45 : memref<1x200xi32, #tpu.memory_space<vmem>> -> memref<200xi32, #tpu.memory_space<vmem>>
    %dma_start3A_47 = arith.constant 0 : i32
    %dma_start3A_48 = arith.constant 0 : i32
    %dma_start3A_49 = tpu.memref_slice %arg2[%dma_start3A_47, %dma_start3A_48] : memref<1000000x32xf32, #tpu.memory_space<hbm>> -> memref<1000000x32xf32, #tpu.memory_space<hbm>>
    tpu.enqueue_indirect_dma source(%dma_start3A_49 : memref<1000000x32xf32, #tpu.memory_space<hbm>>) target(%dma_start3A_43 : memref<200x32xf32, #tpu.memory_space<vmem>>) offsets(%dma_start3A_46 : memref<200xi32, #tpu.memory_space<vmem>>) semaphore(%arg10 : memref<!tpu.dma_semaphore, #tpu.memory_space<semaphore_mem>>)
    %dma_wait3A = arith.constant 0 : i32
    %dma_wait3A_50 = arith.constant 0 : i32
    %dma_wait3A_51 = arith.constant 0 : i32
    %dma_wait3A_52 = arith.constant 0 : i32
    %dma_wait3A_53 = tpu.memref_slice %arg6[%dma_wait3A_50, %dma_wait3A_51, %dma_wait3A_52] : memref<8x200x32xf32, #tpu.memory_space<vmem>> -> memref<1x200x32xf32, #tpu.memory_space<vmem>>
    %dma_wait3A_54 = tpu.memref_squeeze %dma_wait3A_53 : memref<1x200x32xf32, #tpu.memory_space<vmem>> -> memref<200x32xf32, #tpu.memory_space<vmem>>
    %dma_wait3A_55 = arith.constant 0 : i32
    %dma_wait3A_56 = tpu.memref_slice %arg5[%dma_wait3A, %dma_wait3A_55] : memref<128x200xi32, #tpu.memory_space<vmem>> -> memref<1x200xi32, #tpu.memory_space<vmem>>
    %dma_wait3A_57 = tpu.memref_squeeze %dma_wait3A_56 : memref<1x200xi32, #tpu.memory_space<vmem>> -> memref<200xi32, #tpu.memory_space<vmem>>
    %dma_wait3A_58 = arith.constant 0 : i32
    %dma_wait3A_59 = arith.constant 0 : i32
    %dma_wait3A_60 = tpu.memref_slice %arg2[%dma_wait3A_58, %dma_wait3A_59] : memref<1000000x32xf32, #tpu.memory_space<hbm>> -> memref<1000000x32xf32, #tpu.memory_space<hbm>>
    tpu.wait_indirect_dma semaphore(%arg7 : memref<!tpu.dma_semaphore, #tpu.memory_space<semaphore_mem>>) src(%dma_wait3A_60 : memref<1000000x32xf32, #tpu.memory_space<hbm>>) dst(%dma_wait3A_54 : memref<200x32xf32, #tpu.memory_space<vmem>>)
    %add3A_61 = arith.constant 0 : i32
    %add3A_62 = arith.addi %mul3A_2, %add3A_61 : i32
    %dma_start3A_63 = arith.constant 0 : i32
    %dma_start3A_64 = arith.constant 0 : i32
    %dma_start3A_65 = arith.constant 0 : i32
    %dma_start3A_66 = tpu.memref_slice %arg6[%dma_start3A_63, %dma_start3A_64, %dma_start3A_65] : memref<8x200x32xf32, #tpu.memory_space<vmem>> -> memref<1x200x32xf32, #tpu.memory_space<vmem>>
    %dma_start3A_67 = tpu.memref_squeeze %dma_start3A_66 : memref<1x200x32xf32, #tpu.memory_space<vmem>> -> memref<200x32xf32, #tpu.memory_space<vmem>>
    %dma_start3A_68 = arith.constant 0 : i32
    %dma_start3A_69 = arith.constant 0 : i32
    %dma_start3A_70 = tpu.memref_slice %arg4[%add3A_62, %dma_start3A_68, %dma_start3A_69] : memref<4096x200x128xf32, #tpu.memory_space<hbm>> -> memref<1x200x128xf32, #tpu.memory_space<hbm>>
    %dma_start3A_71 = tpu.memref_squeeze %dma_start3A_70 : memref<1x200x128xf32, #tpu.memory_space<hbm>> -> memref<200x128xf32, #tpu.memory_space<hbm>>
    %dma_start3A_72 = arith.constant 0 : i32
    %dma_start3A_73 = arith.constant 0 : i32
    %dma_start3A_74 = tpu.memref_slice %dma_start3A_71[%dma_start3A_72, %dma_start3A_73] : memref<200x128xf32, #tpu.memory_space<hbm>> -> memref<200x32xf32, #tpu.memory_space<hbm>>
    %dma_start3A_75 = arith.constant 0 : i32
    %dma_start3A_76 = arith.constant 0 : i32
    %dma_start3A_77 = tpu.memref_slice %arg4[%add3A_62, %dma_start3A_75, %dma_start3A_76] : memref<4096x200x128xf32, #tpu.memory_space<hbm>> -> memref<1x200x128xf32, #tpu.memory_space<hbm>>
    %dma_start3A_78 = tpu.memref_squeeze %dma_start3A_77 : memref<1x200x128xf32, #tpu.memory_space<hbm>> -> memref<200x128xf32, #tpu.memory_space<hbm>>
    %dma_start3A_79 = arith.constant 0 : i32
    %dma_start3A_80 = arith.constant 0 : i32
    %dma_start3A_81 = tpu.memref_slice %dma_start3A_78[%dma_start3A_79, %dma_start3A_80] : memref<200x128xf32, #tpu.memory_space<hbm>> -> memref<200x32xf32, #tpu.memory_space<hbm>>
    %dma_start3A_82 = arith.constant 0 : i32
    %dma_start3A_83 = arith.constant 0 : i32
    %dma_start3A_84 = tpu.memref_slice %arg6[%dma_start3A_63, %dma_start3A_82, %dma_start3A_83] : memref<8x200x32xf32, #tpu.memory_space<vmem>> -> memref<1x200x32xf32, #tpu.memory_space<vmem>>
    %dma_start3A_85 = tpu.memref_squeeze %dma_start3A_84 : memref<1x200x32xf32, #tpu.memory_space<vmem>> -> memref<200x32xf32, #tpu.memory_space<vmem>>
    tpu.enqueue_dma source(%dma_start3A_85 : memref<200x32xf32, #tpu.memory_space<vmem>>) target(%dma_start3A_81 : memref<200x32xf32, #tpu.memory_space<hbm>>) target_semaphore(%arg15 : memref<!tpu.dma_semaphore, #tpu.memory_space<semaphore_mem>>)
    %dma_start3A_86 = arith.constant 4 : i32
    %dma_start3A_87 = arith.constant 4 : i32
    %dma_start3A_88 = arith.constant 0 : i32
    %dma_start3A_89 = arith.constant 0 : i32
    %dma_start3A_90 = tpu.memref_slice %arg6[%dma_start3A_87, %dma_start3A_88, %dma_start3A_89] : memref<8x200x32xf32, #tpu.memory_space<vmem>> -> memref<1x200x32xf32, #tpu.memory_space<vmem>>
    %dma_start3A_91 = tpu.memref_squeeze %dma_start3A_90 : memref<1x200x32xf32, #tpu.memory_space<vmem>> -> memref<200x32xf32, #tpu.memory_space<vmem>>
    %dma_start3A_92 = arith.constant 0 : i32
    %dma_start3A_93 = tpu.memref_slice %arg5[%dma_start3A_86, %dma_start3A_92] : memref<128x200xi32, #tpu.memory_space<vmem>> -> memref<1x200xi32, #tpu.memory_space<vmem>>
    %dma_start3A_94 = tpu.memref_squeeze %dma_start3A_93 : memref<1x200xi32, #tpu.memory_space<vmem>> -> memref<200xi32, #tpu.memory_space<vmem>>
    %dma_start3A_95 = arith.constant 0 : i32
    %dma_start3A_96 = arith.constant 0 : i32
    %dma_start3A_97 = tpu.memref_slice %arg2[%dma_start3A_95, %dma_start3A_96] : memref<1000000x32xf32, #tpu.memory_space<hbm>> -> memref<1000000x32xf32, #tpu.memory_space<hbm>>
    tpu.enqueue_indirect_dma source(%dma_start3A_97 : memref<1000000x32xf32, #tpu.memory_space<hbm>>) target(%dma_start3A_91 : memref<200x32xf32, #tpu.memory_space<vmem>>) offsets(%dma_start3A_94 : memref<200xi32, #tpu.memory_space<vmem>>) semaphore(%arg11 : memref<!tpu.dma_semaphore, #tpu.memory_space<semaphore_mem>>)
    %dma_wait3A_98 = arith.constant 1 : i32
    %dma_wait3A_99 = arith.constant 1 : i32
    %dma_wait3A_100 = arith.constant 0 : i32
    %dma_wait3A_101 = arith.constant 0 : i32
    %dma_wait3A_102 = tpu.memref_slice %arg6[%dma_wait3A_99, %dma_wait3A_100, %dma_wait3A_101] : memref<8x200x32xf32, #tpu.memory_space<vmem>> -> memref<1x200x32xf32, #tpu.memory_space<vmem>>
    %dma_wait3A_103 = tpu.memref_squeeze %dma_wait3A_102 : memref<1x200x32xf32, #tpu.memory_space<vmem>> -> memref<200x32xf32, #tpu.memory_space<vmem>>
    %dma_wait3A_104 = arith.constant 0 : i32
    %dma_wait3A_105 = tpu.memref_slice %arg5[%dma_wait3A_98, %dma_wait3A_104] : memref<128x200xi32, #tpu.memory_space<vmem>> -> memref<1x200xi32, #tpu.memory_space<vmem>>
    %dma_wait3A_106 = tpu.memref_squeeze %dma_wait3A_105 : memref<1x200xi32, #tpu.memory_space<vmem>> -> memref<200xi32, #tpu.memory_space<vmem>>
    %dma_wait3A_107 = arith.constant 0 : i32
    %dma_wait3A_108 = arith.constant 0 : i32
    %dma_wait3A_109 = tpu.memref_slice %arg2[%dma_wait3A_107, %dma_wait3A_108] : memref<1000000x32xf32, #tpu.memory_space<hbm>> -> memref<1000000x32xf32, #tpu.memory_space<hbm>>
    tpu.wait_indirect_dma semaphore(%arg8 : memref<!tpu.dma_semaphore, #tpu.memory_space<semaphore_mem>>) src(%dma_wait3A_109 : memref<1000000x32xf32, #tpu.memory_space<hbm>>) dst(%dma_wait3A_103 : memref<200x32xf32, #tpu.memory_space<vmem>>)
    %add3A_110 = arith.constant 1 : i32
    %add3A_111 = arith.addi %mul3A_2, %add3A_110 : i32
    %dma_start3A_112 = arith.constant 1 : i32
    %dma_start3A_113 = arith.constant 0 : i32
    %dma_start3A_114 = arith.constant 0 : i32
    %dma_start3A_115 = tpu.memref_slice %arg6[%dma_start3A_112, %dma_start3A_113, %dma_start3A_114] : memref<8x200x32xf32, #tpu.memory_space<vmem>> -> memref<1x200x32xf32, #tpu.memory_space<vmem>>
    %dma_start3A_116 = tpu.memref_squeeze %dma_start3A_115 : memref<1x200x32xf32, #tpu.memory_space<vmem>> -> memref<200x32xf32, #tpu.memory_space<vmem>>
    %dma_start3A_117 = arith.constant 0 : i32
    %dma_start3A_118 = arith.constant 0 : i32
    %dma_start3A_119 = tpu.memref_slice %arg4[%add3A_111, %dma_start3A_117, %dma_start3A_118] : memref<4096x200x128xf32, #tpu.memory_space<hbm>> -> memref<1x200x128xf32, #tpu.memory_space<hbm>>
    %dma_start3A_120 = tpu.memref_squeeze %dma_start3A_119 : memref<1x200x128xf32, #tpu.memory_space<hbm>> -> memref<200x128xf32, #tpu.memory_space<hbm>>
    %dma_start3A_121 = arith.constant 0 : i32
    %dma_start3A_122 = arith.constant 0 : i32
    %dma_start3A_123 = tpu.memref_slice %dma_start3A_120[%dma_start3A_121, %dma_start3A_122] : memref<200x128xf32, #tpu.memory_space<hbm>> -> memref<200x32xf32, #tpu.memory_space<hbm>>
    %dma_start3A_124 = arith.constant 0 : i32
    %dma_start3A_125 = arith.constant 0 : i32
    %dma_start3A_126 = tpu.memref_slice %arg4[%add3A_111, %dma_start3A_124, %dma_start3A_125] : memref<4096x200x128xf32, #tpu.memory_space<hbm>> -> memref<1x200x128xf32, #tpu.memory_space<hbm>>
    %dma_start3A_127 = tpu.memref_squeeze %dma_start3A_126 : memref<1x200x128xf32, #tpu.memory_space<hbm>> -> memref<200x128xf32, #tpu.memory_space<hbm>>
    %dma_start3A_128 = arith.constant 0 : i32
    %dma_start3A_129 = arith.constant 0 : i32
    %dma_start3A_130 = tpu.memref_slice %dma_start3A_127[%dma_start3A_128, %dma_start3A_129] : memref<200x128xf32, #tpu.memory_space<hbm>> -> memref<200x32xf32, #tpu.memory_space<hbm>>
    %dma_start3A_131 = arith.constant 0 : i32
    %dma_start3A_132 = arith.constant 0 : i32
    %dma_start3A_133 = tpu.memref_slice %arg6[%dma_start3A_112, %dma_start3A_131, %dma_start3A_132] : memref<8x200x32xf32, #tpu.memory_space<vmem>> -> memref<1x200x32xf32, #tpu.memory_space<vmem>>
    %dma_start3A_134 = tpu.memref_squeeze %dma_start3A_133 : memref<1x200x32xf32, #tpu.memory_space<vmem>> -> memref<200x32xf32, #tpu.memory_space<vmem>>
    tpu.enqueue_dma source(%dma_start3A_134 : memref<200x32xf32, #tpu.memory_space<vmem>>) target(%dma_start3A_130 : memref<200x32xf32, #tpu.memory_space<hbm>>) target_semaphore(%arg16 : memref<!tpu.dma_semaphore, #tpu.memory_space<semaphore_mem>>)
    %dma_start3A_135 = arith.constant 5 : i32
    %dma_start3A_136 = arith.constant 5 : i32
    %dma_start3A_137 = arith.constant 0 : i32
    %dma_start3A_138 = arith.constant 0 : i32
    %dma_start3A_139 = tpu.memref_slice %arg6[%dma_start3A_136, %dma_start3A_137, %dma_start3A_138] : memref<8x200x32xf32, #tpu.memory_space<vmem>> -> memref<1x200x32xf32, #tpu.memory_space<vmem>>
    %dma_start3A_140 = tpu.memref_squeeze %dma_start3A_139 : memref<1x200x32xf32, #tpu.memory_space<vmem>> -> memref<200x32xf32, #tpu.memory_space<vmem>>
    %dma_start3A_141 = arith.constant 0 : i32
    %dma_start3A_142 = tpu.memref_slice %arg5[%dma_start3A_135, %dma_start3A_141] : memref<128x200xi32, #tpu.memory_space<vmem>> -> memref<1x200xi32, #tpu.memory_space<vmem>>
    %dma_start3A_143 = tpu.memref_squeeze %dma_start3A_142 : memref<1x200xi32, #tpu.memory_space<vmem>> -> memref<200xi32, #tpu.memory_space<vmem>>
    %dma_start3A_144 = arith.constant 0 : i32
    %dma_start3A_145 = arith.constant 0 : i32
    %dma_start3A_146 = tpu.memref_slice %arg2[%dma_start3A_144, %dma_start3A_145] : memref<1000000x32xf32, #tpu.memory_space<hbm>> -> memref<1000000x32xf32, #tpu.memory_space<hbm>>
    tpu.enqueue_indirect_dma source(%dma_start3A_146 : memref<1000000x32xf32, #tpu.memory_space<hbm>>) target(%dma_start3A_140 : memref<200x32xf32, #tpu.memory_space<vmem>>) offsets(%dma_start3A_143 : memref<200xi32, #tpu.memory_space<vmem>>) semaphore(%arg12 : memref<!tpu.dma_semaphore, #tpu.memory_space<semaphore_mem>>)
    %dma_wait3A_147 = arith.constant 2 : i32
    %dma_wait3A_148 = arith.constant 2 : i32
    %dma_wait3A_149 = arith.constant 0 : i32
    %dma_wait3A_150 = arith.constant 0 : i32
    %dma_wait3A_151 = tpu.memref_slice %arg6[%dma_wait3A_148, %dma_wait3A_149, %dma_wait3A_150] : memref<8x200x32xf32, #tpu.memory_space<vmem>> -> memref<1x200x32xf32, #tpu.memory_space<vmem>>
    %dma_wait3A_152 = tpu.memref_squeeze %dma_wait3A_151 : memref<1x200x32xf32, #tpu.memory_space<vmem>> -> memref<200x32xf32, #tpu.memory_space<vmem>>
    %dma_wait3A_153 = arith.constant 0 : i32
    %dma_wait3A_154 = tpu.memref_slice %arg5[%dma_wait3A_147, %dma_wait3A_153] : memref<128x200xi32, #tpu.memory_space<vmem>> -> memref<1x200xi32, #tpu.memory_space<vmem>>
    %dma_wait3A_155 = tpu.memref_squeeze %dma_wait3A_154 : memref<1x200xi32, #tpu.memory_space<vmem>> -> memref<200xi32, #tpu.memory_space<vmem>>
    %dma_wait3A_156 = arith.constant 0 : i32
    %dma_wait3A_157 = arith.constant 0 : i32
    %dma_wait3A_158 = tpu.memref_slice %arg2[%dma_wait3A_156, %dma_wait3A_157] : memref<1000000x32xf32, #tpu.memory_space<hbm>> -> memref<1000000x32xf32, #tpu.memory_space<hbm>>
    tpu.wait_indirect_dma semaphore(%arg9 : memref<!tpu.dma_semaphore, #tpu.memory_space<semaphore_mem>>) src(%dma_wait3A_158 : memref<1000000x32xf32, #tpu.memory_space<hbm>>) dst(%dma_wait3A_152 : memref<200x32xf32, #tpu.memory_space<vmem>>)
    %add3A_159 = arith.constant 2 : i32
    %add3A_160 = arith.addi %mul3A_2, %add3A_159 : i32
    %dma_start3A_161 = arith.constant 2 : i32
    %dma_start3A_162 = arith.constant 0 : i32
    %dma_start3A_163 = arith.constant 0 : i32
    %dma_start3A_164 = tpu.memref_slice %arg6[%dma_start3A_161, %dma_start3A_162, %dma_start3A_163] : memref<8x200x32xf32, #tpu.memory_space<vmem>> -> memref<1x200x32xf32, #tpu.memory_space<vmem>>
    %dma_start3A_165 = tpu.memref_squeeze %dma_start3A_164 : memref<1x200x32xf32, #tpu.memory_space<vmem>> -> memref<200x32xf32, #tpu.memory_space<vmem>>
    %dma_start3A_166 = arith.constant 0 : i32
    %dma_start3A_167 = arith.constant 0 : i32
    %dma_start3A_168 = tpu.memref_slice %arg4[%add3A_160, %dma_start3A_166, %dma_start3A_167] : memref<4096x200x128xf32, #tpu.memory_space<hbm>> -> memref<1x200x128xf32, #tpu.memory_space<hbm>>
    %dma_start3A_169 = tpu.memref_squeeze %dma_start3A_168 : memref<1x200x128xf32, #tpu.memory_space<hbm>> -> memref<200x128xf32, #tpu.memory_space<hbm>>
    %dma_start3A_170 = arith.constant 0 : i32
    %dma_start3A_171 = arith.constant 0 : i32
    %dma_start3A_172 = tpu.memref_slice %dma_start3A_169[%dma_start3A_170, %dma_start3A_171] : memref<200x128xf32, #tpu.memory_space<hbm>> -> memref<200x32xf32, #tpu.memory_space<hbm>>
    %dma_start3A_173 = arith.constant 0 : i32
    %dma_start3A_174 = arith.constant 0 : i32
    %dma_start3A_175 = tpu.memref_slice %arg4[%add3A_160, %dma_start3A_173, %dma_start3A_174] : memref<4096x200x128xf32, #tpu.memory_space<hbm>> -> memref<1x200x128xf32, #tpu.memory_space<hbm>>
    %dma_start3A_176 = tpu.memref_squeeze %dma_start3A_175 : memref<1x200x128xf32, #tpu.memory_space<hbm>> -> memref<200x128xf32, #tpu.memory_space<hbm>>
    %dma_start3A_177 = arith.constant 0 : i32
    %dma_start3A_178 = arith.constant 0 : i32
    %dma_start3A_179 = tpu.memref_slice %dma_start3A_176[%dma_start3A_177, %dma_start3A_178] : memref<200x128xf32, #tpu.memory_space<hbm>> -> memref<200x32xf32, #tpu.memory_space<hbm>>
    %dma_start3A_180 = arith.constant 0 : i32
    %dma_start3A_181 = arith.constant 0 : i32
    %dma_start3A_182 = tpu.memref_slice %arg6[%dma_start3A_161, %dma_start3A_180, %dma_start3A_181] : memref<8x200x32xf32, #tpu.memory_space<vmem>> -> memref<1x200x32xf32, #tpu.memory_space<vmem>>
    %dma_start3A_183 = tpu.memref_squeeze %dma_start3A_182 : memref<1x200x32xf32, #tpu.memory_space<vmem>> -> memref<200x32xf32, #tpu.memory_space<vmem>>
    tpu.enqueue_dma source(%dma_start3A_183 : memref<200x32xf32, #tpu.memory_space<vmem>>) target(%dma_start3A_179 : memref<200x32xf32, #tpu.memory_space<hbm>>) target_semaphore(%arg17 : memref<!tpu.dma_semaphore, #tpu.memory_space<semaphore_mem>>)
    %dma_start3A_184 = arith.constant 6 : i32
    %dma_start3A_185 = arith.constant 6 : i32
    %dma_start3A_186 = arith.constant 0 : i32
    %dma_start3A_187 = arith.constant 0 : i32
    %dma_start3A_188 = tpu.memref_slice %arg6[%dma_start3A_185, %dma_start3A_186, %dma_start3A_187] : memref<8x200x32xf32, #tpu.memory_space<vmem>> -> memref<1x200x32xf32, #tpu.memory_space<vmem>>
    %dma_start3A_189 = tpu.memref_squeeze %dma_start3A_188 : memref<1x200x32xf32, #tpu.memory_space<vmem>> -> memref<200x32xf32, #tpu.memory_space<vmem>>
    %dma_start3A_190 = arith.constant 0 : i32
    %dma_start3A_191 = tpu.memref_slice %arg5[%dma_start3A_184, %dma_start3A_190] : memref<128x200xi32, #tpu.memory_space<vmem>> -> memref<1x200xi32, #tpu.memory_space<vmem>>
    %dma_start3A_192 = tpu.memref_squeeze %dma_start3A_191 : memref<1x200xi32, #tpu.memory_space<vmem>> -> memref<200xi32, #tpu.memory_space<vmem>>
    %dma_start3A_193 = arith.constant 0 : i32
    %dma_start3A_194 = arith.constant 0 : i32
    %dma_start3A_195 = tpu.memref_slice %arg2[%dma_start3A_193, %dma_start3A_194] : memref<1000000x32xf32, #tpu.memory_space<hbm>> -> memref<1000000x32xf32, #tpu.memory_space<hbm>>
    tpu.enqueue_indirect_dma source(%dma_start3A_195 : memref<1000000x32xf32, #tpu.memory_space<hbm>>) target(%dma_start3A_189 : memref<200x32xf32, #tpu.memory_space<vmem>>) offsets(%dma_start3A_192 : memref<200xi32, #tpu.memory_space<vmem>>) semaphore(%arg13 : memref<!tpu.dma_semaphore, #tpu.memory_space<semaphore_mem>>)
    %dma_wait3A_196 = arith.constant 3 : i32
    %dma_wait3A_197 = arith.constant 3 : i32
    %dma_wait3A_198 = arith.constant 0 : i32
    %dma_wait3A_199 = arith.constant 0 : i32
    %dma_wait3A_200 = tpu.memref_slice %arg6[%dma_wait3A_197, %dma_wait3A_198, %dma_wait3A_199] : memref<8x200x32xf32, #tpu.memory_space<vmem>> -> memref<1x200x32xf32, #tpu.memory_space<vmem>>
    %dma_wait3A_201 = tpu.memref_squeeze %dma_wait3A_200 : memref<1x200x32xf32, #tpu.memory_space<vmem>> -> memref<200x32xf32, #tpu.memory_space<vmem>>
    %dma_wait3A_202 = arith.constant 0 : i32
    %dma_wait3A_203 = tpu.memref_slice %arg5[%dma_wait3A_196, %dma_wait3A_202] : memref<128x200xi32, #tpu.memory_space<vmem>> -> memref<1x200xi32, #tpu.memory_space<vmem>>
    %dma_wait3A_204 = tpu.memref_squeeze %dma_wait3A_203 : memref<1x200xi32, #tpu.memory_space<vmem>> -> memref<200xi32, #tpu.memory_space<vmem>>
    %dma_wait3A_205 = arith.constant 0 : i32
    %dma_wait3A_206 = arith.constant 0 : i32
    %dma_wait3A_207 = tpu.memref_slice %arg2[%dma_wait3A_205, %dma_wait3A_206] : memref<1000000x32xf32, #tpu.memory_space<hbm>> -> memref<1000000x32xf32, #tpu.memory_space<hbm>>
    tpu.wait_indirect_dma semaphore(%arg10 : memref<!tpu.dma_semaphore, #tpu.memory_space<semaphore_mem>>) src(%dma_wait3A_207 : memref<1000000x32xf32, #tpu.memory_space<hbm>>) dst(%dma_wait3A_201 : memref<200x32xf32, #tpu.memory_space<vmem>>)
    %add3A_208 = arith.constant 3 : i32
    %add3A_209 = arith.addi %mul3A_2, %add3A_208 : i32
    %dma_start3A_210 = arith.constant 3 : i32
    %dma_start3A_211 = arith.constant 0 : i32
    %dma_start3A_212 = arith.constant 0 : i32
    %dma_start3A_213 = tpu.memref_slice %arg6[%dma_start3A_210, %dma_start3A_211, %dma_start3A_212] : memref<8x200x32xf32, #tpu.memory_space<vmem>> -> memref<1x200x32xf32, #tpu.memory_space<vmem>>
    %dma_start3A_214 = tpu.memref_squeeze %dma_start3A_213 : memref<1x200x32xf32, #tpu.memory_space<vmem>> -> memref<200x32xf32, #tpu.memory_space<vmem>>
    %dma_start3A_215 = arith.constant 0 : i32
    %dma_start3A_216 = arith.constant 0 : i32
    %dma_start3A_217 = tpu.memref_slice %arg4[%add3A_209, %dma_start3A_215, %dma_start3A_216] : memref<4096x200x128xf32, #tpu.memory_space<hbm>> -> memref<1x200x128xf32, #tpu.memory_space<hbm>>
    %dma_start3A_218 = tpu.memref_squeeze %dma_start3A_217 : memref<1x200x128xf32, #tpu.memory_space<hbm>> -> memref<200x128xf32, #tpu.memory_space<hbm>>
    %dma_start3A_219 = arith.constant 0 : i32
    %dma_start3A_220 = arith.constant 0 : i32
    %dma_start3A_221 = tpu.memref_slice %dma_start3A_218[%dma_start3A_219, %dma_start3A_220] : memref<200x128xf32, #tpu.memory_space<hbm>> -> memref<200x32xf32, #tpu.memory_space<hbm>>
    %dma_start3A_222 = arith.constant 0 : i32
    %dma_start3A_223 = arith.constant 0 : i32
    %dma_start3A_224 = tpu.memref_slice %arg4[%add3A_209, %dma_start3A_222, %dma_start3A_223] : memref<4096x200x128xf32, #tpu.memory_space<hbm>> -> memref<1x200x128xf32, #tpu.memory_space<hbm>>
    %dma_start3A_225 = tpu.memref_squeeze %dma_start3A_224 : memref<1x200x128xf32, #tpu.memory_space<hbm>> -> memref<200x128xf32, #tpu.memory_space<hbm>>
    %dma_start3A_226 = arith.constant 0 : i32
    %dma_start3A_227 = arith.constant 0 : i32
    %dma_start3A_228 = tpu.memref_slice %dma_start3A_225[%dma_start3A_226, %dma_start3A_227] : memref<200x128xf32, #tpu.memory_space<hbm>> -> memref<200x32xf32, #tpu.memory_space<hbm>>
    %dma_start3A_229 = arith.constant 0 : i32
    %dma_start3A_230 = arith.constant 0 : i32
    %dma_start3A_231 = tpu.memref_slice %arg6[%dma_start3A_210, %dma_start3A_229, %dma_start3A_230] : memref<8x200x32xf32, #tpu.memory_space<vmem>> -> memref<1x200x32xf32, #tpu.memory_space<vmem>>
    %dma_start3A_232 = tpu.memref_squeeze %dma_start3A_231 : memref<1x200x32xf32, #tpu.memory_space<vmem>> -> memref<200x32xf32, #tpu.memory_space<vmem>>
    tpu.enqueue_dma source(%dma_start3A_232 : memref<200x32xf32, #tpu.memory_space<vmem>>) target(%dma_start3A_228 : memref<200x32xf32, #tpu.memory_space<hbm>>) target_semaphore(%arg18 : memref<!tpu.dma_semaphore, #tpu.memory_space<semaphore_mem>>)
    %dma_start3A_233 = arith.constant 7 : i32
    %dma_start3A_234 = arith.constant 7 : i32
    %dma_start3A_235 = arith.constant 0 : i32
    %dma_start3A_236 = arith.constant 0 : i32
    %dma_start3A_237 = tpu.memref_slice %arg6[%dma_start3A_234, %dma_start3A_235, %dma_start3A_236] : memref<8x200x32xf32, #tpu.memory_space<vmem>> -> memref<1x200x32xf32, #tpu.memory_space<vmem>>
    %dma_start3A_238 = tpu.memref_squeeze %dma_start3A_237 : memref<1x200x32xf32, #tpu.memory_space<vmem>> -> memref<200x32xf32, #tpu.memory_space<vmem>>
    %dma_start3A_239 = arith.constant 0 : i32
    %dma_start3A_240 = tpu.memref_slice %arg5[%dma_start3A_233, %dma_start3A_239] : memref<128x200xi32, #tpu.memory_space<vmem>> -> memref<1x200xi32, #tpu.memory_space<vmem>>
    %dma_start3A_241 = tpu.memref_squeeze %dma_start3A_240 : memref<1x200xi32, #tpu.memory_space<vmem>> -> memref<200xi32, #tpu.memory_space<vmem>>
    %dma_start3A_242 = arith.constant 0 : i32
    %dma_start3A_243 = arith.constant 0 : i32
    %dma_start3A_244 = tpu.memref_slice %arg2[%dma_start3A_242, %dma_start3A_243] : memref<1000000x32xf32, #tpu.memory_space<hbm>> -> memref<1000000x32xf32, #tpu.memory_space<hbm>>
    tpu.enqueue_indirect_dma source(%dma_start3A_244 : memref<1000000x32xf32, #tpu.memory_space<hbm>>) target(%dma_start3A_238 : memref<200x32xf32, #tpu.memory_space<vmem>>) offsets(%dma_start3A_241 : memref<200xi32, #tpu.memory_space<vmem>>) semaphore(%arg14 : memref<!tpu.dma_semaphore, #tpu.memory_space<semaphore_mem>>)
    %dma_wait3A_245 = arith.constant 4 : i32
    %dma_wait3A_246 = arith.constant 4 : i32
    %dma_wait3A_247 = arith.constant 0 : i32
    %dma_wait3A_248 = arith.constant 0 : i32
    %dma_wait3A_249 = tpu.memref_slice %arg6[%dma_wait3A_246, %dma_wait3A_247, %dma_wait3A_248] : memref<8x200x32xf32, #tpu.memory_space<vmem>> -> memref<1x200x32xf32, #tpu.memory_space<vmem>>
    %dma_wait3A_250 = tpu.memref_squeeze %dma_wait3A_249 : memref<1x200x32xf32, #tpu.memory_space<vmem>> -> memref<200x32xf32, #tpu.memory_space<vmem>>
    %dma_wait3A_251 = arith.constant 0 : i32
    %dma_wait3A_252 = tpu.memref_slice %arg5[%dma_wait3A_245, %dma_wait3A_251] : memref<128x200xi32, #tpu.memory_space<vmem>> -> memref<1x200xi32, #tpu.memory_space<vmem>>
    %dma_wait3A_253 = tpu.memref_squeeze %dma_wait3A_252 : memref<1x200xi32, #tpu.memory_space<vmem>> -> memref<200xi32, #tpu.memory_space<vmem>>
    %dma_wait3A_254 = arith.constant 0 : i32
    %dma_wait3A_255 = arith.constant 0 : i32
    %dma_wait3A_256 = tpu.memref_slice %arg2[%dma_wait3A_254, %dma_wait3A_255] : memref<1000000x32xf32, #tpu.memory_space<hbm>> -> memref<1000000x32xf32, #tpu.memory_space<hbm>>
    tpu.wait_indirect_dma semaphore(%arg11 : memref<!tpu.dma_semaphore, #tpu.memory_space<semaphore_mem>>) src(%dma_wait3A_256 : memref<1000000x32xf32, #tpu.memory_space<hbm>>) dst(%dma_wait3A_250 : memref<200x32xf32, #tpu.memory_space<vmem>>)
    %add3A_257 = arith.constant 4 : i32
    %add3A_258 = arith.addi %mul3A_2, %add3A_257 : i32
    %dma_start3A_259 = arith.constant 4 : i32
    %dma_start3A_260 = arith.constant 0 : i32
    %dma_start3A_261 = arith.constant 0 : i32
    %dma_start3A_262 = tpu.memref_slice %arg6[%dma_start3A_259, %dma_start3A_260, %dma_start3A_261] : memref<8x200x32xf32, #tpu.memory_space<vmem>> -> memref<1x200x32xf32, #tpu.memory_space<vmem>>
    %dma_start3A_263 = tpu.memref_squeeze %dma_start3A_262 : memref<1x200x32xf32, #tpu.memory_space<vmem>> -> memref<200x32xf32, #tpu.memory_space<vmem>>
    %dma_start3A_264 = arith.constant 0 : i32
    %dma_start3A_265 = arith.constant 0 : i32
    %dma_start3A_266 = tpu.memref_slice %arg4[%add3A_258, %dma_start3A_264, %dma_start3A_265] : memref<4096x200x128xf32, #tpu.memory_space<hbm>> -> memref<1x200x128xf32, #tpu.memory_space<hbm>>
    %dma_start3A_267 = tpu.memref_squeeze %dma_start3A_266 : memref<1x200x128xf32, #tpu.memory_space<hbm>> -> memref<200x128xf32, #tpu.memory_space<hbm>>
    %dma_start3A_268 = arith.constant 0 : i32
    %dma_start3A_269 = arith.constant 0 : i32
    %dma_start3A_270 = tpu.memref_slice %dma_start3A_267[%dma_start3A_268, %dma_start3A_269] : memref<200x128xf32, #tpu.memory_space<hbm>> -> memref<200x32xf32, #tpu.memory_space<hbm>>
    %dma_start3A_271 = arith.constant 0 : i32
    %dma_start3A_272 = arith.constant 0 : i32
    %dma_start3A_273 = tpu.memref_slice %arg4[%add3A_258, %dma_start3A_271, %dma_start3A_272] : memref<4096x200x128xf32, #tpu.memory_space<hbm>> -> memref<1x200x128xf32, #tpu.memory_space<hbm>>
    %dma_start3A_274 = tpu.memref_squeeze %dma_start3A_273 : memref<1x200x128xf32, #tpu.memory_space<hbm>> -> memref<200x128xf32, #tpu.memory_space<hbm>>
    %dma_start3A_275 = arith.constant 0 : i32
    %dma_start3A_276 = arith.constant 0 : i32
    %dma_start3A_277 = tpu.memref_slice %dma_start3A_274[%dma_start3A_275, %dma_start3A_276] : memref<200x128xf32, #tpu.memory_space<hbm>> -> memref<200x32xf32, #tpu.memory_space<hbm>>
    %dma_start3A_278 = arith.constant 0 : i32
    %dma_start3A_279 = arith.constant 0 : i32
    %dma_start3A_280 = tpu.memref_slice %arg6[%dma_start3A_259, %dma_start3A_278, %dma_start3A_279] : memref<8x200x32xf32, #tpu.memory_space<vmem>> -> memref<1x200x32xf32, #tpu.memory_space<vmem>>
    %dma_start3A_281 = tpu.memref_squeeze %dma_start3A_280 : memref<1x200x32xf32, #tpu.memory_space<vmem>> -> memref<200x32xf32, #tpu.memory_space<vmem>>
    tpu.enqueue_dma source(%dma_start3A_281 : memref<200x32xf32, #tpu.memory_space<vmem>>) target(%dma_start3A_277 : memref<200x32xf32, #tpu.memory_space<hbm>>) target_semaphore(%arg19 : memref<!tpu.dma_semaphore, #tpu.memory_space<semaphore_mem>>)
    %add3A_282 = arith.constant 0 : i32
    %add3A_283 = arith.addi %mul3A_2, %add3A_282 : i32
    %dma_wait3A_284 = arith.constant 0 : i32
    %dma_wait3A_285 = arith.constant 0 : i32
    %dma_wait3A_286 = arith.constant 0 : i32
    %dma_wait3A_287 = tpu.memref_slice %arg6[%dma_wait3A_284, %dma_wait3A_285, %dma_wait3A_286] : memref<8x200x32xf32, #tpu.memory_space<vmem>> -> memref<1x200x32xf32, #tpu.memory_space<vmem>>
    %dma_wait3A_288 = tpu.memref_squeeze %dma_wait3A_287 : memref<1x200x32xf32, #tpu.memory_space<vmem>> -> memref<200x32xf32, #tpu.memory_space<vmem>>
    %dma_wait3A_289 = arith.constant 0 : i32
    %dma_wait3A_290 = arith.constant 0 : i32
    %dma_wait3A_291 = tpu.memref_slice %arg4[%add3A_283, %dma_wait3A_289, %dma_wait3A_290] : memref<4096x200x128xf32, #tpu.memory_space<hbm>> -> memref<1x200x128xf32, #tpu.memory_space<hbm>>
    %dma_wait3A_292 = tpu.memref_squeeze %dma_wait3A_291 : memref<1x200x128xf32, #tpu.memory_space<hbm>> -> memref<200x128xf32, #tpu.memory_space<hbm>>
    %dma_wait3A_293 = arith.constant 0 : i32
    %dma_wait3A_294 = arith.constant 0 : i32
    %dma_wait3A_295 = tpu.memref_slice %dma_wait3A_292[%dma_wait3A_293, %dma_wait3A_294] : memref<200x128xf32, #tpu.memory_space<hbm>> -> memref<200x32xf32, #tpu.memory_space<hbm>>
    %dma_wait3A_296 = arith.constant 0 : i32
    %dma_wait3A_297 = arith.constant 0 : i32
    %dma_wait3A_298 = tpu.memref_slice %arg4[%add3A_283, %dma_wait3A_296, %dma_wait3A_297] : memref<4096x200x128xf32, #tpu.memory_space<hbm>> -> memref<1x200x128xf32, #tpu.memory_space<hbm>>
    %dma_wait3A_299 = tpu.memref_squeeze %dma_wait3A_298 : memref<1x200x128xf32, #tpu.memory_space<hbm>> -> memref<200x128xf32, #tpu.memory_space<hbm>>
    %dma_wait3A_300 = arith.constant 0 : i32
    %dma_wait3A_301 = arith.constant 0 : i32
    %dma_wait3A_302 = tpu.memref_slice %dma_wait3A_299[%dma_wait3A_300, %dma_wait3A_301] : memref<200x128xf32, #tpu.memory_space<hbm>> -> memref<200x32xf32, #tpu.memory_space<hbm>>
    %dma_wait3A_303 = arith.constant 0 : i32
    %dma_wait3A_304 = arith.constant 0 : i32
    %dma_wait3A_305 = tpu.memref_slice %arg6[%dma_wait3A_284, %dma_wait3A_303, %dma_wait3A_304] : memref<8x200x32xf32, #tpu.memory_space<vmem>> -> memref<1x200x32xf32, #tpu.memory_space<vmem>>
    %dma_wait3A_306 = tpu.memref_squeeze %dma_wait3A_305 : memref<1x200x32xf32, #tpu.memory_space<vmem>> -> memref<200x32xf32, #tpu.memory_space<vmem>>
    tpu.wait_dma2 semaphore(%arg15 : memref<!tpu.dma_semaphore, #tpu.memory_space<semaphore_mem>>) src(%dma_wait3A_306 : memref<200x32xf32, #tpu.memory_space<vmem>>) dst(%dma_wait3A_302 : memref<200x32xf32, #tpu.memory_space<hbm>>)
    %dma_start3A_307 = arith.constant 8 : i32
    %dma_start3A_308 = arith.constant 0 : i32
    %dma_start3A_309 = arith.constant 0 : i32
    %dma_start3A_310 = arith.constant 0 : i32
    %dma_start3A_311 = tpu.memref_slice %arg6[%dma_start3A_308, %dma_start3A_309, %dma_start3A_310] : memref<8x200x32xf32, #tpu.memory_space<vmem>> -> memref<1x200x32xf32, #tpu.memory_space<vmem>>
    %dma_start3A_312 = tpu.memref_squeeze %dma_start3A_311 : memref<1x200x32xf32, #tpu.memory_space<vmem>> -> memref<200x32xf32, #tpu.memory_space<vmem>>
    %dma_start3A_313 = arith.constant 0 : i32
    %dma_start3A_314 = tpu.memref_slice %arg5[%dma_start3A_307, %dma_start3A_313] : memref<128x200xi32, #tpu.memory_space<vmem>> -> memref<1x200xi32, #tpu.memory_space<vmem>>
    %dma_start3A_315 = tpu.memref_squeeze %dma_start3A_314 : memref<1x200xi32, #tpu.memory_space<vmem>> -> memref<200xi32, #tpu.memory_space<vmem>>
    %dma_start3A_316 = arith.constant 0 : i32
    %dma_start3A_317 = arith.constant 0 : i32
    %dma_start3A_318 = tpu.memref_slice %arg2[%dma_start3A_316, %dma_start3A_317] : memref<1000000x32xf32, #tpu.memory_space<hbm>> -> memref<1000000x32xf32, #tpu.memory_space<hbm>>
    tpu.enqueue_indirect_dma source(%dma_start3A_318 : memref<1000000x32xf32, #tpu.memory_space<hbm>>) target(%dma_start3A_312 : memref<200x32xf32, #tpu.memory_space<vmem>>) offsets(%dma_start3A_315 : memref<200xi32, #tpu.memory_space<vmem>>) semaphore(%arg7 : memref<!tpu.dma_semaphore, #tpu.memory_space<semaphore_mem>>)
    %dma_wait3A_319 = arith.constant 5 : i32
    %dma_wait3A_320 = arith.constant 5 : i32
    %dma_wait3A_321 = arith.constant 0 : i32
    %dma_wait3A_322 = arith.constant 0 : i32
    %dma_wait3A_323 = tpu.memref_slice %arg6[%dma_wait3A_320, %dma_wait3A_321, %dma_wait3A_322] : memref<8x200x32xf32, #tpu.memory_space<vmem>> -> memref<1x200x32xf32, #tpu.memory_space<vmem>>
    %dma_wait3A_324 = tpu.memref_squeeze %dma_wait3A_323 : memref<1x200x32xf32, #tpu.memory_space<vmem>> -> memref<200x32xf32, #tpu.memory_space<vmem>>
    %dma_wait3A_325 = arith.constant 0 : i32
    %dma_wait3A_326 = tpu.memref_slice %arg5[%dma_wait3A_319, %dma_wait3A_325] : memref<128x200xi32, #tpu.memory_space<vmem>> -> memref<1x200xi32, #tpu.memory_space<vmem>>
    %dma_wait3A_327 = tpu.memref_squeeze %dma_wait3A_326 : memref<1x200xi32, #tpu.memory_space<vmem>> -> memref<200xi32, #tpu.memory_space<vmem>>
    %dma_wait3A_328 = arith.constant 0 : i32
    %dma_wait3A_329 = arith.constant 0 : i32
    %dma_wait3A_330 = tpu.memref_slice %arg2[%dma_wait3A_328, %dma_wait3A_329] : memref<1000000x32xf32, #tpu.memory_space<hbm>> -> memref<1000000x32xf32, #tpu.memory_space<hbm>>
    tpu.wait_indirect_dma semaphore(%arg12 : memref<!tpu.dma_semaphore, #tpu.memory_space<semaphore_mem>>) src(%dma_wait3A_330 : memref<1000000x32xf32, #tpu.memory_space<hbm>>) dst(%dma_wait3A_324 : memref<200x32xf32, #tpu.memory_space<vmem>>)
    %add3A_331 = arith.constant 5 : i32
    %add3A_332 = arith.addi %mul3A_2, %add3A_331 : i32
    %dma_start3A_333 = arith.constant 5 : i32
    %dma_start3A_334 = arith.constant 0 : i32
    %dma_start3A_335 = arith.constant 0 : i32
    %dma_start3A_336 = tpu.memref_slice %arg6[%dma_start3A_333, %dma_start3A_334, %dma_start3A_335] : memref<8x200x32xf32, #tpu.memory_space<vmem>> -> memref<1x200x32xf32, #tpu.memory_space<vmem>>
    %dma_start3A_337 = tpu.memref_squeeze %dma_start3A_336 : memref<1x200x32xf32, #tpu.memory_space<vmem>> -> memref<200x32xf32, #tpu.memory_space<vmem>>
    %dma_start3A_338 = arith.constant 0 : i32
    %dma_start3A_339 = arith.constant 0 : i32
    %dma_start3A_340 = tpu.memref_slice %arg4[%add3A_332, %dma_start3A_338, %dma_start3A_339] : memref<4096x200x128xf32, #tpu.memory_space<hbm>> -> memref<1x200x128xf32, #tpu.memory_space<hbm>>
    %dma_start3A_341 = tpu.memref_squeeze %dma_start3A_340 : memref<1x200x128xf32, #tpu.memory_space<hbm>> -> memref<200x128xf32, #tpu.memory_space<hbm>>
    %dma_start3A_342 = arith.constant 0 : i32
    %dma_start3A_343 = arith.constant 0 : i32
    %dma_start3A_344 = tpu.memref_slice %dma_start3A_341[%dma_start3A_342, %dma_start3A_343] : memref<200x128xf32, #tpu.memory_space<hbm>> -> memref<200x32xf32, #tpu.memory_space<hbm>>
    %dma_start3A_345 = arith.constant 0 : i32
    %dma_start3A_346 = arith.constant 0 : i32
    %dma_start3A_347 = tpu.memref_slice %arg4[%add3A_332, %dma_start3A_345, %dma_start3A_346] : memref<4096x200x128xf32, #tpu.memory_space<hbm>> -> memref<1x200x128xf32, #tpu.memory_space<hbm>>
    %dma_start3A_348 = tpu.memref_squeeze %dma_start3A_347 : memref<1x200x128xf32, #tpu.memory_space<hbm>> -> memref<200x128xf32, #tpu.memory_space<hbm>>
    %dma_start3A_349 = arith.constant 0 : i32
    %dma_start3A_350 = arith.constant 0 : i32
    %dma_start3A_351 = tpu.memref_slice %dma_start3A_348[%dma_start3A_349, %dma_start3A_350] : memref<200x128xf32, #tpu.memory_space<hbm>> -> memref<200x32xf32, #tpu.memory_space<hbm>>
    %dma_start3A_352 = arith.constant 0 : i32
    %dma_start3A_353 = arith.constant 0 : i32
    %dma_start3A_354 = tpu.memref_slice %arg6[%dma_start3A_333, %dma_start3A_352, %dma_start3A_353] : memref<8x200x32xf32, #tpu.memory_space<vmem>> -> memref<1x200x32xf32, #tpu.memory_space<vmem>>
    %dma_start3A_355 = tpu.memref_squeeze %dma_start3A_354 : memref<1x200x32xf32, #tpu.memory_space<vmem>> -> memref<200x32xf32, #tpu.memory_space<vmem>>
    tpu.enqueue_dma source(%dma_start3A_355 : memref<200x32xf32, #tpu.memory_space<vmem>>) target(%dma_start3A_351 : memref<200x32xf32, #tpu.memory_space<hbm>>) target_semaphore(%arg20 : memref<!tpu.dma_semaphore, #tpu.memory_space<semaphore_mem>>)
    %add3A_356 = arith.constant 1 : i32
    %add3A_357 = arith.addi %mul3A_2, %add3A_356 : i32
    %dma_wait3A_358 = arith.constant 1 : i32
    %dma_wait3A_359 = arith.constant 0 : i32
    %dma_wait3A_360 = arith.constant 0 : i32
    %dma_wait3A_361 = tpu.memref_slice %arg6[%dma_wait3A_358, %dma_wait3A_359, %dma_wait3A_360] : memref<8x200x32xf32, #tpu.memory_space<vmem>> -> memref<1x200x32xf32, #tpu.memory_space<vmem>>
    %dma_wait3A_362 = tpu.memref_squeeze %dma_wait3A_361 : memref<1x200x32xf32, #tpu.memory_space<vmem>> -> memref<200x32xf32, #tpu.memory_space<vmem>>
    %dma_wait3A_363 = arith.constant 0 : i32
    %dma_wait3A_364 = arith.constant 0 : i32
    %dma_wait3A_365 = tpu.memref_slice %arg4[%add3A_357, %dma_wait3A_363, %dma_wait3A_364] : memref<4096x200x128xf32, #tpu.memory_space<hbm>> -> memref<1x200x128xf32, #tpu.memory_space<hbm>>
    %dma_wait3A_366 = tpu.memref_squeeze %dma_wait3A_365 : memref<1x200x128xf32, #tpu.memory_space<hbm>> -> memref<200x128xf32, #tpu.memory_space<hbm>>
    %dma_wait3A_367 = arith.constant 0 : i32
    %dma_wait3A_368 = arith.constant 0 : i32
    %dma_wait3A_369 = tpu.memref_slice %dma_wait3A_366[%dma_wait3A_367, %dma_wait3A_368] : memref<200x128xf32, #tpu.memory_space<hbm>> -> memref<200x32xf32, #tpu.memory_space<hbm>>
    %dma_wait3A_370 = arith.constant 0 : i32
    %dma_wait3A_371 = arith.constant 0 : i32
    %dma_wait3A_372 = tpu.memref_slice %arg4[%add3A_357, %dma_wait3A_370, %dma_wait3A_371] : memref<4096x200x128xf32, #tpu.memory_space<hbm>> -> memref<1x200x128xf32, #tpu.memory_space<hbm>>
    %dma_wait3A_373 = tpu.memref_squeeze %dma_wait3A_372 : memref<1x200x128xf32, #tpu.memory_space<hbm>> -> memref<200x128xf32, #tpu.memory_space<hbm>>
    %dma_wait3A_374 = arith.constant 0 : i32
    %dma_wait3A_375 = arith.constant 0 : i32
    %dma_wait3A_376 = tpu.memref_slice %dma_wait3A_373[%dma_wait3A_374, %dma_wait3A_375] : memref<200x128xf32, #tpu.memory_space<hbm>> -> memref<200x32xf32, #tpu.memory_space<hbm>>
    %dma_wait3A_377 = arith.constant 0 : i32
    %dma_wait3A_378 = arith.constant 0 : i32
    %dma_wait3A_379 = tpu.memref_slice %arg6[%dma_wait3A_358, %dma_wait3A_377, %dma_wait3A_378] : memref<8x200x32xf32, #tpu.memory_space<vmem>> -> memref<1x200x32xf32, #tpu.memory_space<vmem>>
    %dma_wait3A_380 = tpu.memref_squeeze %dma_wait3A_379 : memref<1x200x32xf32, #tpu.memory_space<vmem>> -> memref<200x32xf32, #tpu.memory_space<vmem>>
    tpu.wait_dma2 semaphore(%arg16 : memref<!tpu.dma_semaphore, #tpu.memory_space<semaphore_mem>>) src(%dma_wait3A_380 : memref<200x32xf32, #tpu.memory_space<vmem>>) dst(%dma_wait3A_376 : memref<200x32xf32, #tpu.memory_space<hbm>>)
    %dma_start3A_381 = arith.constant 9 : i32
    %dma_start3A_382 = arith.constant 1 : i32
    %dma_start3A_383 = arith.constant 0 : i32
    %dma_start3A_384 = arith.constant 0 : i32
    %dma_start3A_385 = tpu.memref_slice %arg6[%dma_start3A_382, %dma_start3A_383, %dma_start3A_384] : memref<8x200x32xf32, #tpu.memory_space<vmem>> -> memref<1x200x32xf32, #tpu.memory_space<vmem>>
    %dma_start3A_386 = tpu.memref_squeeze %dma_start3A_385 : memref<1x200x32xf32, #tpu.memory_space<vmem>> -> memref<200x32xf32, #tpu.memory_space<vmem>>
    %dma_start3A_387 = arith.constant 0 : i32
    %dma_start3A_388 = tpu.memref_slice %arg5[%dma_start3A_381, %dma_start3A_387] : memref<128x200xi32, #tpu.memory_space<vmem>> -> memref<1x200xi32, #tpu.memory_space<vmem>>
    %dma_start3A_389 = tpu.memref_squeeze %dma_start3A_388 : memref<1x200xi32, #tpu.memory_space<vmem>> -> memref<200xi32, #tpu.memory_space<vmem>>
    %dma_start3A_390 = arith.constant 0 : i32
    %dma_start3A_391 = arith.constant 0 : i32
    %dma_start3A_392 = tpu.memref_slice %arg2[%dma_start3A_390, %dma_start3A_391] : memref<1000000x32xf32, #tpu.memory_space<hbm>> -> memref<1000000x32xf32, #tpu.memory_space<hbm>>
    tpu.enqueue_indirect_dma source(%dma_start3A_392 : memref<1000000x32xf32, #tpu.memory_space<hbm>>) target(%dma_start3A_386 : memref<200x32xf32, #tpu.memory_space<vmem>>) offsets(%dma_start3A_389 : memref<200xi32, #tpu.memory_space<vmem>>) semaphore(%arg8 : memref<!tpu.dma_semaphore, #tpu.memory_space<semaphore_mem>>)
    %dma_wait3A_393 = arith.constant 6 : i32
    %dma_wait3A_394 = arith.constant 6 : i32
    %dma_wait3A_395 = arith.constant 0 : i32
    %dma_wait3A_396 = arith.constant 0 : i32
    %dma_wait3A_397 = tpu.memref_slice %arg6[%dma_wait3A_394, %dma_wait3A_395, %dma_wait3A_396] : memref<8x200x32xf32, #tpu.memory_space<vmem>> -> memref<1x200x32xf32, #tpu.memory_space<vmem>>
    %dma_wait3A_398 = tpu.memref_squeeze %dma_wait3A_397 : memref<1x200x32xf32, #tpu.memory_space<vmem>> -> memref<200x32xf32, #tpu.memory_space<vmem>>
    %dma_wait3A_399 = arith.constant 0 : i32
    %dma_wait3A_400 = tpu.memref_slice %arg5[%dma_wait3A_393, %dma_wait3A_399] : memref<128x200xi32, #tpu.memory_space<vmem>> -> memref<1x200xi32, #tpu.memory_space<vmem>>
    %dma_wait3A_401 = tpu.memref_squeeze %dma_wait3A_400 : memref<1x200xi32, #tpu.memory_space<vmem>> -> memref<200xi32, #tpu.memory_space<vmem>>
    %dma_wait3A_402 = arith.constant 0 : i32
    %dma_wait3A_403 = arith.constant 0 : i32
    %dma_wait3A_404 = tpu.memref_slice %arg2[%dma_wait3A_402, %dma_wait3A_403] : memref<1000000x32xf32, #tpu.memory_space<hbm>> -> memref<1000000x32xf32, #tpu.memory_space<hbm>>
    tpu.wait_indirect_dma semaphore(%arg13 : memref<!tpu.dma_semaphore, #tpu.memory_space<semaphore_mem>>) src(%dma_wait3A_404 : memref<1000000x32xf32, #tpu.memory_space<hbm>>) dst(%dma_wait3A_398 : memref<200x32xf32, #tpu.memory_space<vmem>>)
    %add3A_405 = arith.constant 6 : i32
    %add3A_406 = arith.addi %mul3A_2, %add3A_405 : i32
    %dma_start3A_407 = arith.constant 6 : i32
    %dma_start3A_408 = arith.constant 0 : i32
    %dma_start3A_409 = arith.constant 0 : i32
    %dma_start3A_410 = tpu.memref_slice %arg6[%dma_start3A_407, %dma_start3A_408, %dma_start3A_409] : memref<8x200x32xf32, #tpu.memory_space<vmem>> -> memref<1x200x32xf32, #tpu.memory_space<vmem>>
    %dma_start3A_411 = tpu.memref_squeeze %dma_start3A_410 : memref<1x200x32xf32, #tpu.memory_space<vmem>> -> memref<200x32xf32, #tpu.memory_space<vmem>>
    %dma_start3A_412 = arith.constant 0 : i32
    %dma_start3A_413 = arith.constant 0 : i32
    %dma_start3A_414 = tpu.memref_slice %arg4[%add3A_406, %dma_start3A_412, %dma_start3A_413] : memref<4096x200x128xf32, #tpu.memory_space<hbm>> -> memref<1x200x128xf32, #tpu.memory_space<hbm>>
    %dma_start3A_415 = tpu.memref_squeeze %dma_start3A_414 : memref<1x200x128xf32, #tpu.memory_space<hbm>> -> memref<200x128xf32, #tpu.memory_space<hbm>>
    %dma_start3A_416 = arith.constant 0 : i32
    %dma_start3A_417 = arith.constant 0 : i32
    %dma_start3A_418 = tpu.memref_slice %dma_start3A_415[%dma_start3A_416, %dma_start3A_417] : memref<200x128xf32, #tpu.memory_space<hbm>> -> memref<200x32xf32, #tpu.memory_space<hbm>>
    %dma_start3A_419 = arith.constant 0 : i32
    %dma_start3A_420 = arith.constant 0 : i32
    %dma_start3A_421 = tpu.memref_slice %arg4[%add3A_406, %dma_start3A_419, %dma_start3A_420] : memref<4096x200x128xf32, #tpu.memory_space<hbm>> -> memref<1x200x128xf32, #tpu.memory_space<hbm>>
    %dma_start3A_422 = tpu.memref_squeeze %dma_start3A_421 : memref<1x200x128xf32, #tpu.memory_space<hbm>> -> memref<200x128xf32, #tpu.memory_space<hbm>>
    %dma_start3A_423 = arith.constant 0 : i32
    %dma_start3A_424 = arith.constant 0 : i32
    %dma_start3A_425 = tpu.memref_slice %dma_start3A_422[%dma_start3A_423, %dma_start3A_424] : memref<200x128xf32, #tpu.memory_space<hbm>> -> memref<200x32xf32, #tpu.memory_space<hbm>>
    %dma_start3A_426 = arith.constant 0 : i32
    %dma_start3A_427 = arith.constant 0 : i32
    %dma_start3A_428 = tpu.memref_slice %arg6[%dma_start3A_407, %dma_start3A_426, %dma_start3A_427] : memref<8x200x32xf32, #tpu.memory_space<vmem>> -> memref<1x200x32xf32, #tpu.memory_space<vmem>>
    %dma_start3A_429 = tpu.memref_squeeze %dma_start3A_428 : memref<1x200x32xf32, #tpu.memory_space<vmem>> -> memref<200x32xf32, #tpu.memory_space<vmem>>
    tpu.enqueue_dma source(%dma_start3A_429 : memref<200x32xf32, #tpu.memory_space<vmem>>) target(%dma_start3A_425 : memref<200x32xf32, #tpu.memory_space<hbm>>) target_semaphore(%arg21 : memref<!tpu.dma_semaphore, #tpu.memory_space<semaphore_mem>>)
    %add3A_430 = arith.constant 2 : i32
    %add3A_431 = arith.addi %mul3A_2, %add3A_430 : i32
    %dma_wait3A_432 = arith.constant 2 : i32
    %dma_wait3A_433 = arith.constant 0 : i32
    %dma_wait3A_434 = arith.constant 0 : i32
    %dma_wait3A_435 = tpu.memref_slice %arg6[%dma_wait3A_432, %dma_wait3A_433, %dma_wait3A_434] : memref<8x200x32xf32, #tpu.memory_space<vmem>> -> memref<1x200x32xf32, #tpu.memory_space<vmem>>
    %dma_wait3A_436 = tpu.memref_squeeze %dma_wait3A_435 : memref<1x200x32xf32, #tpu.memory_space<vmem>> -> memref<200x32xf32, #tpu.memory_space<vmem>>
    %dma_wait3A_437 = arith.constant 0 : i32
    %dma_wait3A_438 = arith.constant 0 : i32
    %dma_wait3A_439 = tpu.memref_slice %arg4[%add3A_431, %dma_wait3A_437, %dma_wait3A_438] : memref<4096x200x128xf32, #tpu.memory_space<hbm>> -> memref<1x200x128xf32, #tpu.memory_space<hbm>>
    %dma_wait3A_440 = tpu.memref_squeeze %dma_wait3A_439 : memref<1x200x128xf32, #tpu.memory_space<hbm>> -> memref<200x128xf32, #tpu.memory_space<hbm>>
    %dma_wait3A_441 = arith.constant 0 : i32
    %dma_wait3A_442 = arith.constant 0 : i32
    %dma_wait3A_443 = tpu.memref_slice %dma_wait3A_440[%dma_wait3A_441, %dma_wait3A_442] : memref<200x128xf32, #tpu.memory_space<hbm>> -> memref<200x32xf32, #tpu.memory_space<hbm>>
    %dma_wait3A_444 = arith.constant 0 : i32
    %dma_wait3A_445 = arith.constant 0 : i32
    %dma_wait3A_446 = tpu.memref_slice %arg4[%add3A_431, %dma_wait3A_444, %dma_wait3A_445] : memref<4096x200x128xf32, #tpu.memory_space<hbm>> -> memref<1x200x128xf32, #tpu.memory_space<hbm>>
    %dma_wait3A_447 = tpu.memref_squeeze %dma_wait3A_446 : memref<1x200x128xf32, #tpu.memory_space<hbm>> -> memref<200x128xf32, #tpu.memory_space<hbm>>
    %dma_wait3A_448 = arith.constant 0 : i32
    %dma_wait3A_449 = arith.constant 0 : i32
    %dma_wait3A_450 = tpu.memref_slice %dma_wait3A_447[%dma_wait3A_448, %dma_wait3A_449] : memref<200x128xf32, #tpu.memory_space<hbm>> -> memref<200x32xf32, #tpu.memory_space<hbm>>
    %dma_wait3A_451 = arith.constant 0 : i32
    %dma_wait3A_452 = arith.constant 0 : i32
    %dma_wait3A_453 = tpu.memref_slice %arg6[%dma_wait3A_432, %dma_wait3A_451, %dma_wait3A_452] : memref<8x200x32xf32, #tpu.memory_space<vmem>> -> memref<1x200x32xf32, #tpu.memory_space<vmem>>
    %dma_wait3A_454 = tpu.memref_squeeze %dma_wait3A_453 : memref<1x200x32xf32, #tpu.memory_space<vmem>> -> memref<200x32xf32, #tpu.memory_space<vmem>>
    tpu.wait_dma2 semaphore(%arg17 : memref<!tpu.dma_semaphore, #tpu.memory_space<semaphore_mem>>) src(%dma_wait3A_454 : memref<200x32xf32, #tpu.memory_space<vmem>>) dst(%dma_wait3A_450 : memref<200x32xf32, #tpu.memory_space<hbm>>)
    %dma_start3A_455 = arith.constant 10 : i32
    %dma_start3A_456 = arith.constant 2 : i32
    %dma_start3A_457 = arith.constant 0 : i32
    %dma_start3A_458 = arith.constant 0 : i32
    %dma_start3A_459 = tpu.memref_slice %arg6[%dma_start3A_456, %dma_start3A_457, %dma_start3A_458] : memref<8x200x32xf32, #tpu.memory_space<vmem>> -> memref<1x200x32xf32, #tpu.memory_space<vmem>>
    %dma_start3A_460 = tpu.memref_squeeze %dma_start3A_459 : memref<1x200x32xf32, #tpu.memory_space<vmem>> -> memref<200x32xf32, #tpu.memory_space<vmem>>
    %dma_start3A_461 = arith.constant 0 : i32
    %dma_start3A_462 = tpu.memref_slice %arg5[%dma_start3A_455, %dma_start3A_461] : memref<128x200xi32, #tpu.memory_space<vmem>> -> memref<1x200xi32, #tpu.memory_space<vmem>>
    %dma_start3A_463 = tpu.memref_squeeze %dma_start3A_462 : memref<1x200xi32, #tpu.memory_space<vmem>> -> memref<200xi32, #tpu.memory_space<vmem>>
    %dma_start3A_464 = arith.constant 0 : i32
    %dma_start3A_465 = arith.constant 0 : i32
    %dma_start3A_466 = tpu.memref_slice %arg2[%dma_start3A_464, %dma_start3A_465] : memref<1000000x32xf32, #tpu.memory_space<hbm>> -> memref<1000000x32xf32, #tpu.memory_space<hbm>>
    tpu.enqueue_indirect_dma source(%dma_start3A_466 : memref<1000000x32xf32, #tpu.memory_space<hbm>>) target(%dma_start3A_460 : memref<200x32xf32, #tpu.memory_space<vmem>>) offsets(%dma_start3A_463 : memref<200xi32, #tpu.memory_space<vmem>>) semaphore(%arg9 : memref<!tpu.dma_semaphore, #tpu.memory_space<semaphore_mem>>)
    %dma_wait3A_467 = arith.constant 7 : i32
    %dma_wait3A_468 = arith.constant 7 : i32
    %dma_wait3A_469 = arith.constant 0 : i32
    %dma_wait3A_470 = arith.constant 0 : i32
    %dma_wait3A_471 = tpu.memref_slice %arg6[%dma_wait3A_468, %dma_wait3A_469, %dma_wait3A_470] : memref<8x200x32xf32, #tpu.memory_space<vmem>> -> memref<1x200x32xf32, #tpu.memory_space<vmem>>
    %dma_wait3A_472 = tpu.memref_squeeze %dma_wait3A_471 : memref<1x200x32xf32, #tpu.memory_space<vmem>> -> memref<200x32xf32, #tpu.memory_space<vmem>>
    %dma_wait3A_473 = arith.constant 0 : i32
    %dma_wait3A_474 = tpu.memref_slice %arg5[%dma_wait3A_467, %dma_wait3A_473] : memref<128x200xi32, #tpu.memory_space<vmem>> -> memref<1x200xi32, #tpu.memory_space<vmem>>
    %dma_wait3A_475 = tpu.memref_squeeze %dma_wait3A_474 : memref<1x200xi32, #tpu.memory_space<vmem>> -> memref<200xi32, #tpu.memory_space<vmem>>
    %dma_wait3A_476 = arith.constant 0 : i32
    %dma_wait3A_477 = arith.constant 0 : i32
    %dma_wait3A_478 = tpu.memref_slice %arg2[%dma_wait3A_476, %dma_wait3A_477] : memref<1000000x32xf32, #tpu.memory_space<hbm>> -> memref<1000000x32xf32, #tpu.memory_space<hbm>>
    tpu.wait_indirect_dma semaphore(%arg14 : memref<!tpu.dma_semaphore, #tpu.memory_space<semaphore_mem>>) src(%dma_wait3A_478 : memref<1000000x32xf32, #tpu.memory_space<hbm>>) dst(%dma_wait3A_472 : memref<200x32xf32, #tpu.memory_space<vmem>>)
    %add3A_479 = arith.constant 7 : i32
    %add3A_480 = arith.addi %mul3A_2, %add3A_479 : i32
    %dma_start3A_481 = arith.constant 7 : i32
    %dma_start3A_482 = arith.constant 0 : i32
    %dma_start3A_483 = arith.constant 0 : i32
    %dma_start3A_484 = tpu.memref_slice %arg6[%dma_start3A_481, %dma_start3A_482, %dma_start3A_483] : memref<8x200x32xf32, #tpu.memory_space<vmem>> -> memref<1x200x32xf32, #tpu.memory_space<vmem>>
    %dma_start3A_485 = tpu.memref_squeeze %dma_start3A_484 : memref<1x200x32xf32, #tpu.memory_space<vmem>> -> memref<200x32xf32, #tpu.memory_space<vmem>>
    %dma_start3A_486 = arith.constant 0 : i32
    %dma_start3A_487 = arith.constant 0 : i32
    %dma_start3A_488 = tpu.memref_slice %arg4[%add3A_480, %dma_start3A_486, %dma_start3A_487] : memref<4096x200x128xf32, #tpu.memory_space<hbm>> -> memref<1x200x128xf32, #tpu.memory_space<hbm>>
    %dma_start3A_489 = tpu.memref_squeeze %dma_start3A_488 : memref<1x200x128xf32, #tpu.memory_space<hbm>> -> memref<200x128xf32, #tpu.memory_space<hbm>>
    %dma_start3A_490 = arith.constant 0 : i32
    %dma_start3A_491 = arith.constant 0 : i32
    %dma_start3A_492 = tpu.memref_slice %dma_start3A_489[%dma_start3A_490, %dma_start3A_491] : memref<200x128xf32, #tpu.memory_space<hbm>> -> memref<200x32xf32, #tpu.memory_space<hbm>>
    %dma_start3A_493 = arith.constant 0 : i32
    %dma_start3A_494 = arith.constant 0 : i32
    %dma_start3A_495 = tpu.memref_slice %arg4[%add3A_480, %dma_start3A_493, %dma_start3A_494] : memref<4096x200x128xf32, #tpu.memory_space<hbm>> -> memref<1x200x128xf32, #tpu.memory_space<hbm>>
    %dma_start3A_496 = tpu.memref_squeeze %dma_start3A_495 : memref<1x200x128xf32, #tpu.memory_space<hbm>> -> memref<200x128xf32, #tpu.memory_space<hbm>>
    %dma_start3A_497 = arith.constant 0 : i32
    %dma_start3A_498 = arith.constant 0 : i32
    %dma_start3A_499 = tpu.memref_slice %dma_start3A_496[%dma_start3A_497, %dma_start3A_498] : memref<200x128xf32, #tpu.memory_space<hbm>> -> memref<200x32xf32, #tpu.memory_space<hbm>>
    %dma_start3A_500 = arith.constant 0 : i32
    %dma_start3A_501 = arith.constant 0 : i32
    %dma_start3A_502 = tpu.memref_slice %arg6[%dma_start3A_481, %dma_start3A_500, %dma_start3A_501] : memref<8x200x32xf32, #tpu.memory_space<vmem>> -> memref<1x200x32xf32, #tpu.memory_space<vmem>>
    %dma_start3A_503 = tpu.memref_squeeze %dma_start3A_502 : memref<1x200x32xf32, #tpu.memory_space<vmem>> -> memref<200x32xf32, #tpu.memory_space<vmem>>
    tpu.enqueue_dma source(%dma_start3A_503 : memref<200x32xf32, #tpu.memory_space<vmem>>) target(%dma_start3A_499 : memref<200x32xf32, #tpu.memory_space<hbm>>) target_semaphore(%arg22 : memref<!tpu.dma_semaphore, #tpu.memory_space<semaphore_mem>>)
    %add3A_504 = arith.constant 3 : i32
    %add3A_505 = arith.addi %mul3A_2, %add3A_504 : i32
    %dma_wait3A_506 = arith.constant 3 : i32
    %dma_wait3A_507 = arith.constant 0 : i32
    %dma_wait3A_508 = arith.constant 0 : i32
    %dma_wait3A_509 = tpu.memref_slice %arg6[%dma_wait3A_506, %dma_wait3A_507, %dma_wait3A_508] : memref<8x200x32xf32, #tpu.memory_space<vmem>> -> memref<1x200x32xf32, #tpu.memory_space<vmem>>
    %dma_wait3A_510 = tpu.memref_squeeze %dma_wait3A_509 : memref<1x200x32xf32, #tpu.memory_space<vmem>> -> memref<200x32xf32, #tpu.memory_space<vmem>>
    %dma_wait3A_511 = arith.constant 0 : i32
    %dma_wait3A_512 = arith.constant 0 : i32
    %dma_wait3A_513 = tpu.memref_slice %arg4[%add3A_505, %dma_wait3A_511, %dma_wait3A_512] : memref<4096x200x128xf32, #tpu.memory_space<hbm>> -> memref<1x200x128xf32, #tpu.memory_space<hbm>>
    %dma_wait3A_514 = tpu.memref_squeeze %dma_wait3A_513 : memref<1x200x128xf32, #tpu.memory_space<hbm>> -> memref<200x128xf32, #tpu.memory_space<hbm>>
    %dma_wait3A_515 = arith.constant 0 : i32
    %dma_wait3A_516 = arith.constant 0 : i32
    %dma_wait3A_517 = tpu.memref_slice %dma_wait3A_514[%dma_wait3A_515, %dma_wait3A_516] : memref<200x128xf32, #tpu.memory_space<hbm>> -> memref<200x32xf32, #tpu.memory_space<hbm>>
    %dma_wait3A_518 = arith.constant 0 : i32
    %dma_wait3A_519 = arith.constant 0 : i32
    %dma_wait3A_520 = tpu.memref_slice %arg4[%add3A_505, %dma_wait3A_518, %dma_wait3A_519] : memref<4096x200x128xf32, #tpu.memory_space<hbm>> -> memref<1x200x128xf32, #tpu.memory_space<hbm>>
    %dma_wait3A_521 = tpu.memref_squeeze %dma_wait3A_520 : memref<1x200x128xf32, #tpu.memory_space<hbm>> -> memref<200x128xf32, #tpu.memory_space<hbm>>
    %dma_wait3A_522 = arith.constant 0 : i32
    %dma_wait3A_523 = arith.constant 0 : i32
    %dma_wait3A_524 = tpu.memref_slice %dma_wait3A_521[%dma_wait3A_522, %dma_wait3A_523] : memref<200x128xf32, #tpu.memory_space<hbm>> -> memref<200x32xf32, #tpu.memory_space<hbm>>
    %dma_wait3A_525 = arith.constant 0 : i32
    %dma_wait3A_526 = arith.constant 0 : i32
    %dma_wait3A_527 = tpu.memref_slice %arg6[%dma_wait3A_506, %dma_wait3A_525, %dma_wait3A_526] : memref<8x200x32xf32, #tpu.memory_space<vmem>> -> memref<1x200x32xf32, #tpu.memory_space<vmem>>
    %dma_wait3A_528 = tpu.memref_squeeze %dma_wait3A_527 : memref<1x200x32xf32, #tpu.memory_space<vmem>> -> memref<200x32xf32, #tpu.memory_space<vmem>>
    tpu.wait_dma2 semaphore(%arg18 : memref<!tpu.dma_semaphore, #tpu.memory_space<semaphore_mem>>) src(%dma_wait3A_528 : memref<200x32xf32, #tpu.memory_space<vmem>>) dst(%dma_wait3A_524 : memref<200x32xf32, #tpu.memory_space<hbm>>)
    %dma_start3A_529 = arith.constant 11 : i32
    %dma_start3A_530 = arith.constant 3 : i32
    %dma_start3A_531 = arith.constant 0 : i32
    %dma_start3A_532 = arith.constant 0 : i32
    %dma_start3A_533 = tpu.memref_slice %arg6[%dma_start3A_530, %dma_start3A_531, %dma_start3A_532] : memref<8x200x32xf32, #tpu.memory_space<vmem>> -> memref<1x200x32xf32, #tpu.memory_space<vmem>>
    %dma_start3A_534 = tpu.memref_squeeze %dma_start3A_533 : memref<1x200x32xf32, #tpu.memory_space<vmem>> -> memref<200x32xf32, #tpu.memory_space<vmem>>
    %dma_start3A_535 = arith.constant 0 : i32
    %dma_start3A_536 = tpu.memref_slice %arg5[%dma_start3A_529, %dma_start3A_535] : memref<128x200xi32, #tpu.memory_space<vmem>> -> memref<1x200xi32, #tpu.memory_space<vmem>>
    %dma_start3A_537 = tpu.memref_squeeze %dma_start3A_536 : memref<1x200xi32, #tpu.memory_space<vmem>> -> memref<200xi32, #tpu.memory_space<vmem>>
    %dma_start3A_538 = arith.constant 0 : i32
    %dma_start3A_539 = arith.constant 0 : i32
    %dma_start3A_540 = tpu.memref_slice %arg2[%dma_start3A_538, %dma_start3A_539] : memref<1000000x32xf32, #tpu.memory_space<hbm>> -> memref<1000000x32xf32, #tpu.memory_space<hbm>>
    tpu.enqueue_indirect_dma source(%dma_start3A_540 : memref<1000000x32xf32, #tpu.memory_space<hbm>>) target(%dma_start3A_534 : memref<200x32xf32, #tpu.memory_space<vmem>>) offsets(%dma_start3A_537 : memref<200xi32, #tpu.memory_space<vmem>>) semaphore(%arg10 : memref<!tpu.dma_semaphore, #tpu.memory_space<semaphore_mem>>)
    %scan3A = arith.constant 0 : i32
    %scan3A_541 = arith.constant 1 : i32
    %scan3A_542 = arith.constant 14 : i32
    %scan3A_543 = arith.addi %scan3A_541, %scan3A_542 : i32
    %scan3A_544 = arith.constant 1 : i32
    scf.for %scan3A_1190 = %scan3A_541 to %scan3A_543 step %scan3A_544  : i32 {
      %mul3A_1191 = arith.constant 8 : i32
      %mul3A_1192 = arith.muli %scan3A_1190, %mul3A_1191 : i32
      %add3A_1193 = arith.constant 0 : i32
      %add3A_1194 = arith.addi %mul3A_1192, %add3A_1193 : i32
      %dma_wait3A_1195 = arith.constant 0 : i32
      %dma_wait3A_1196 = arith.constant 0 : i32
      %dma_wait3A_1197 = arith.constant 0 : i32
      %dma_wait3A_1198 = tpu.memref_slice %arg6[%dma_wait3A_1195, %dma_wait3A_1196, %dma_wait3A_1197] : memref<8x200x32xf32, #tpu.memory_space<vmem>> -> memref<1x200x32xf32, #tpu.memory_space<vmem>>
      %dma_wait3A_1199 = tpu.memref_squeeze %dma_wait3A_1198 : memref<1x200x32xf32, #tpu.memory_space<vmem>> -> memref<200x32xf32, #tpu.memory_space<vmem>>
      %dma_wait3A_1200 = arith.constant 0 : i32
      %dma_wait3A_1201 = tpu.memref_slice %arg5[%add3A_1194, %dma_wait3A_1200] : memref<128x200xi32, #tpu.memory_space<vmem>> -> memref<1x200xi32, #tpu.memory_space<vmem>>
      %dma_wait3A_1202 = tpu.memref_squeeze %dma_wait3A_1201 : memref<1x200xi32, #tpu.memory_space<vmem>> -> memref<200xi32, #tpu.memory_space<vmem>>
      %dma_wait3A_1203 = arith.constant 0 : i32
      %dma_wait3A_1204 = arith.constant 0 : i32
      %dma_wait3A_1205 = tpu.memref_slice %arg2[%dma_wait3A_1203, %dma_wait3A_1204] : memref<1000000x32xf32, #tpu.memory_space<hbm>> -> memref<1000000x32xf32, #tpu.memory_space<hbm>>
      tpu.wait_indirect_dma semaphore(%arg7 : memref<!tpu.dma_semaphore, #tpu.memory_space<semaphore_mem>>) src(%dma_wait3A_1205 : memref<1000000x32xf32, #tpu.memory_space<hbm>>) dst(%dma_wait3A_1199 : memref<200x32xf32, #tpu.memory_space<vmem>>)
      %add3A_1206 = arith.addi %mul3A_2, %add3A_1194 : i32
      %dma_start3A_1207 = arith.constant 0 : i32
      %dma_start3A_1208 = arith.constant 0 : i32
      %dma_start3A_1209 = arith.constant 0 : i32
      %dma_start3A_1210 = tpu.memref_slice %arg6[%dma_start3A_1207, %dma_start3A_1208, %dma_start3A_1209] : memref<8x200x32xf32, #tpu.memory_space<vmem>> -> memref<1x200x32xf32, #tpu.memory_space<vmem>>
      %dma_start3A_1211 = tpu.memref_squeeze %dma_start3A_1210 : memref<1x200x32xf32, #tpu.memory_space<vmem>> -> memref<200x32xf32, #tpu.memory_space<vmem>>
      %dma_start3A_1212 = arith.constant 0 : i32
      %dma_start3A_1213 = arith.constant 0 : i32
      %dma_start3A_1214 = tpu.memref_slice %arg4[%add3A_1206, %dma_start3A_1212, %dma_start3A_1213] : memref<4096x200x128xf32, #tpu.memory_space<hbm>> -> memref<1x200x128xf32, #tpu.memory_space<hbm>>
      %dma_start3A_1215 = tpu.memref_squeeze %dma_start3A_1214 : memref<1x200x128xf32, #tpu.memory_space<hbm>> -> memref<200x128xf32, #tpu.memory_space<hbm>>
      %dma_start3A_1216 = arith.constant 0 : i32
      %dma_start3A_1217 = arith.constant 0 : i32
      %dma_start3A_1218 = tpu.memref_slice %dma_start3A_1215[%dma_start3A_1216, %dma_start3A_1217] : memref<200x128xf32, #tpu.memory_space<hbm>> -> memref<200x32xf32, #tpu.memory_space<hbm>>
      %dma_start3A_1219 = arith.constant 0 : i32
      %dma_start3A_1220 = arith.constant 0 : i32
      %dma_start3A_1221 = tpu.memref_slice %arg4[%add3A_1206, %dma_start3A_1219, %dma_start3A_1220] : memref<4096x200x128xf32, #tpu.memory_space<hbm>> -> memref<1x200x128xf32, #tpu.memory_space<hbm>>
      %dma_start3A_1222 = tpu.memref_squeeze %dma_start3A_1221 : memref<1x200x128xf32, #tpu.memory_space<hbm>> -> memref<200x128xf32, #tpu.memory_space<hbm>>
      %dma_start3A_1223 = arith.constant 0 : i32
      %dma_start3A_1224 = arith.constant 0 : i32
      %dma_start3A_1225 = tpu.memref_slice %dma_start3A_1222[%dma_start3A_1223, %dma_start3A_1224] : memref<200x128xf32, #tpu.memory_space<hbm>> -> memref<200x32xf32, #tpu.memory_space<hbm>>
      %dma_start3A_1226 = arith.constant 0 : i32
      %dma_start3A_1227 = arith.constant 0 : i32
      %dma_start3A_1228 = tpu.memref_slice %arg6[%dma_start3A_1207, %dma_start3A_1226, %dma_start3A_1227] : memref<8x200x32xf32, #tpu.memory_space<vmem>> -> memref<1x200x32xf32, #tpu.memory_space<vmem>>
      %dma_start3A_1229 = tpu.memref_squeeze %dma_start3A_1228 : memref<1x200x32xf32, #tpu.memory_space<vmem>> -> memref<200x32xf32, #tpu.memory_space<vmem>>
      tpu.enqueue_dma source(%dma_start3A_1229 : memref<200x32xf32, #tpu.memory_space<vmem>>) target(%dma_start3A_1225 : memref<200x32xf32, #tpu.memory_space<hbm>>) target_semaphore(%arg15 : memref<!tpu.dma_semaphore, #tpu.memory_space<semaphore_mem>>)
      %sub3A = arith.constant 4 : i32
      %sub3A_1230 = arith.subi %add3A_1194, %sub3A : i32
      %add3A_1231 = arith.addi %mul3A_2, %sub3A_1230 : i32
      %dma_wait3A_1232 = arith.constant 4 : i32
      %dma_wait3A_1233 = arith.constant 0 : i32
      %dma_wait3A_1234 = arith.constant 0 : i32
      %dma_wait3A_1235 = tpu.memref_slice %arg6[%dma_wait3A_1232, %dma_wait3A_1233, %dma_wait3A_1234] : memref<8x200x32xf32, #tpu.memory_space<vmem>> -> memref<1x200x32xf32, #tpu.memory_space<vmem>>
      %dma_wait3A_1236 = tpu.memref_squeeze %dma_wait3A_1235 : memref<1x200x32xf32, #tpu.memory_space<vmem>> -> memref<200x32xf32, #tpu.memory_space<vmem>>
      %dma_wait3A_1237 = arith.constant 0 : i32
      %dma_wait3A_1238 = arith.constant 0 : i32
      %dma_wait3A_1239 = tpu.memref_slice %arg4[%add3A_1231, %dma_wait3A_1237, %dma_wait3A_1238] : memref<4096x200x128xf32, #tpu.memory_space<hbm>> -> memref<1x200x128xf32, #tpu.memory_space<hbm>>
      %dma_wait3A_1240 = tpu.memref_squeeze %dma_wait3A_1239 : memref<1x200x128xf32, #tpu.memory_space<hbm>> -> memref<200x128xf32, #tpu.memory_space<hbm>>
      %dma_wait3A_1241 = arith.constant 0 : i32
      %dma_wait3A_1242 = arith.constant 0 : i32
      %dma_wait3A_1243 = tpu.memref_slice %dma_wait3A_1240[%dma_wait3A_1241, %dma_wait3A_1242] : memref<200x128xf32, #tpu.memory_space<hbm>> -> memref<200x32xf32, #tpu.memory_space<hbm>>
      %dma_wait3A_1244 = arith.constant 0 : i32
      %dma_wait3A_1245 = arith.constant 0 : i32
      %dma_wait3A_1246 = tpu.memref_slice %arg4[%add3A_1231, %dma_wait3A_1244, %dma_wait3A_1245] : memref<4096x200x128xf32, #tpu.memory_space<hbm>> -> memref<1x200x128xf32, #tpu.memory_space<hbm>>
      %dma_wait3A_1247 = tpu.memref_squeeze %dma_wait3A_1246 : memref<1x200x128xf32, #tpu.memory_space<hbm>> -> memref<200x128xf32, #tpu.memory_space<hbm>>
      %dma_wait3A_1248 = arith.constant 0 : i32
      %dma_wait3A_1249 = arith.constant 0 : i32
      %dma_wait3A_1250 = tpu.memref_slice %dma_wait3A_1247[%dma_wait3A_1248, %dma_wait3A_1249] : memref<200x128xf32, #tpu.memory_space<hbm>> -> memref<200x32xf32, #tpu.memory_space<hbm>>
      %dma_wait3A_1251 = arith.constant 0 : i32
      %dma_wait3A_1252 = arith.constant 0 : i32
      %dma_wait3A_1253 = tpu.memref_slice %arg6[%dma_wait3A_1232, %dma_wait3A_1251, %dma_wait3A_1252] : memref<8x200x32xf32, #tpu.memory_space<vmem>> -> memref<1x200x32xf32, #tpu.memory_space<vmem>>
      %dma_wait3A_1254 = tpu.memref_squeeze %dma_wait3A_1253 : memref<1x200x32xf32, #tpu.memory_space<vmem>> -> memref<200x32xf32, #tpu.memory_space<vmem>>
      tpu.wait_dma2 semaphore(%arg19 : memref<!tpu.dma_semaphore, #tpu.memory_space<semaphore_mem>>) src(%dma_wait3A_1254 : memref<200x32xf32, #tpu.memory_space<vmem>>) dst(%dma_wait3A_1250 : memref<200x32xf32, #tpu.memory_space<hbm>>)
      %add3A_1255 = arith.constant 4 : i32
      %add3A_1256 = arith.addi %add3A_1194, %add3A_1255 : i32
      %dma_start3A_1257 = arith.constant 4 : i32
      %dma_start3A_1258 = arith.constant 0 : i32
      %dma_start3A_1259 = arith.constant 0 : i32
      %dma_start3A_1260 = tpu.memref_slice %arg6[%dma_start3A_1257, %dma_start3A_1258, %dma_start3A_1259] : memref<8x200x32xf32, #tpu.memory_space<vmem>> -> memref<1x200x32xf32, #tpu.memory_space<vmem>>
      %dma_start3A_1261 = tpu.memref_squeeze %dma_start3A_1260 : memref<1x200x32xf32, #tpu.memory_space<vmem>> -> memref<200x32xf32, #tpu.memory_space<vmem>>
      %dma_start3A_1262 = arith.constant 0 : i32
      %dma_start3A_1263 = tpu.memref_slice %arg5[%add3A_1256, %dma_start3A_1262] : memref<128x200xi32, #tpu.memory_space<vmem>> -> memref<1x200xi32, #tpu.memory_space<vmem>>
      %dma_start3A_1264 = tpu.memref_squeeze %dma_start3A_1263 : memref<1x200xi32, #tpu.memory_space<vmem>> -> memref<200xi32, #tpu.memory_space<vmem>>
      %dma_start3A_1265 = arith.constant 0 : i32
      %dma_start3A_1266 = arith.constant 0 : i32
      %dma_start3A_1267 = tpu.memref_slice %arg2[%dma_start3A_1265, %dma_start3A_1266] : memref<1000000x32xf32, #tpu.memory_space<hbm>> -> memref<1000000x32xf32, #tpu.memory_space<hbm>>
      tpu.enqueue_indirect_dma source(%dma_start3A_1267 : memref<1000000x32xf32, #tpu.memory_space<hbm>>) target(%dma_start3A_1261 : memref<200x32xf32, #tpu.memory_space<vmem>>) offsets(%dma_start3A_1264 : memref<200xi32, #tpu.memory_space<vmem>>) semaphore(%arg11 : memref<!tpu.dma_semaphore, #tpu.memory_space<semaphore_mem>>)
      %add3A_1268 = arith.constant 1 : i32
      %add3A_1269 = arith.addi %mul3A_1192, %add3A_1268 : i32
      %dma_wait3A_1270 = arith.constant 1 : i32
      %dma_wait3A_1271 = arith.constant 0 : i32
      %dma_wait3A_1272 = arith.constant 0 : i32
      %dma_wait3A_1273 = tpu.memref_slice %arg6[%dma_wait3A_1270, %dma_wait3A_1271, %dma_wait3A_1272] : memref<8x200x32xf32, #tpu.memory_space<vmem>> -> memref<1x200x32xf32, #tpu.memory_space<vmem>>
      %dma_wait3A_1274 = tpu.memref_squeeze %dma_wait3A_1273 : memref<1x200x32xf32, #tpu.memory_space<vmem>> -> memref<200x32xf32, #tpu.memory_space<vmem>>
      %dma_wait3A_1275 = arith.constant 0 : i32
      %dma_wait3A_1276 = tpu.memref_slice %arg5[%add3A_1269, %dma_wait3A_1275] : memref<128x200xi32, #tpu.memory_space<vmem>> -> memref<1x200xi32, #tpu.memory_space<vmem>>
      %dma_wait3A_1277 = tpu.memref_squeeze %dma_wait3A_1276 : memref<1x200xi32, #tpu.memory_space<vmem>> -> memref<200xi32, #tpu.memory_space<vmem>>
      %dma_wait3A_1278 = arith.constant 0 : i32
      %dma_wait3A_1279 = arith.constant 0 : i32
      %dma_wait3A_1280 = tpu.memref_slice %arg2[%dma_wait3A_1278, %dma_wait3A_1279] : memref<1000000x32xf32, #tpu.memory_space<hbm>> -> memref<1000000x32xf32, #tpu.memory_space<hbm>>
      tpu.wait_indirect_dma semaphore(%arg8 : memref<!tpu.dma_semaphore, #tpu.memory_space<semaphore_mem>>) src(%dma_wait3A_1280 : memref<1000000x32xf32, #tpu.memory_space<hbm>>) dst(%dma_wait3A_1274 : memref<200x32xf32, #tpu.memory_space<vmem>>)
      %add3A_1281 = arith.addi %mul3A_2, %add3A_1269 : i32
      %dma_start3A_1282 = arith.constant 1 : i32
      %dma_start3A_1283 = arith.constant 0 : i32
      %dma_start3A_1284 = arith.constant 0 : i32
      %dma_start3A_1285 = tpu.memref_slice %arg6[%dma_start3A_1282, %dma_start3A_1283, %dma_start3A_1284] : memref<8x200x32xf32, #tpu.memory_space<vmem>> -> memref<1x200x32xf32, #tpu.memory_space<vmem>>
      %dma_start3A_1286 = tpu.memref_squeeze %dma_start3A_1285 : memref<1x200x32xf32, #tpu.memory_space<vmem>> -> memref<200x32xf32, #tpu.memory_space<vmem>>
      %dma_start3A_1287 = arith.constant 0 : i32
      %dma_start3A_1288 = arith.constant 0 : i32
      %dma_start3A_1289 = tpu.memref_slice %arg4[%add3A_1281, %dma_start3A_1287, %dma_start3A_1288] : memref<4096x200x128xf32, #tpu.memory_space<hbm>> -> memref<1x200x128xf32, #tpu.memory_space<hbm>>
      %dma_start3A_1290 = tpu.memref_squeeze %dma_start3A_1289 : memref<1x200x128xf32, #tpu.memory_space<hbm>> -> memref<200x128xf32, #tpu.memory_space<hbm>>
      %dma_start3A_1291 = arith.constant 0 : i32
      %dma_start3A_1292 = arith.constant 0 : i32
      %dma_start3A_1293 = tpu.memref_slice %dma_start3A_1290[%dma_start3A_1291, %dma_start3A_1292] : memref<200x128xf32, #tpu.memory_space<hbm>> -> memref<200x32xf32, #tpu.memory_space<hbm>>
      %dma_start3A_1294 = arith.constant 0 : i32
      %dma_start3A_1295 = arith.constant 0 : i32
      %dma_start3A_1296 = tpu.memref_slice %arg4[%add3A_1281, %dma_start3A_1294, %dma_start3A_1295] : memref<4096x200x128xf32, #tpu.memory_space<hbm>> -> memref<1x200x128xf32, #tpu.memory_space<hbm>>
      %dma_start3A_1297 = tpu.memref_squeeze %dma_start3A_1296 : memref<1x200x128xf32, #tpu.memory_space<hbm>> -> memref<200x128xf32, #tpu.memory_space<hbm>>
      %dma_start3A_1298 = arith.constant 0 : i32
      %dma_start3A_1299 = arith.constant 0 : i32
      %dma_start3A_1300 = tpu.memref_slice %dma_start3A_1297[%dma_start3A_1298, %dma_start3A_1299] : memref<200x128xf32, #tpu.memory_space<hbm>> -> memref<200x32xf32, #tpu.memory_space<hbm>>
      %dma_start3A_1301 = arith.constant 0 : i32
      %dma_start3A_1302 = arith.constant 0 : i32
      %dma_start3A_1303 = tpu.memref_slice %arg6[%dma_start3A_1282, %dma_start3A_1301, %dma_start3A_1302] : memref<8x200x32xf32, #tpu.memory_space<vmem>> -> memref<1x200x32xf32, #tpu.memory_space<vmem>>
      %dma_start3A_1304 = tpu.memref_squeeze %dma_start3A_1303 : memref<1x200x32xf32, #tpu.memory_space<vmem>> -> memref<200x32xf32, #tpu.memory_space<vmem>>
      tpu.enqueue_dma source(%dma_start3A_1304 : memref<200x32xf32, #tpu.memory_space<vmem>>) target(%dma_start3A_1300 : memref<200x32xf32, #tpu.memory_space<hbm>>) target_semaphore(%arg16 : memref<!tpu.dma_semaphore, #tpu.memory_space<semaphore_mem>>)
      %sub3A_1305 = arith.constant 4 : i32
      %sub3A_1306 = arith.subi %add3A_1269, %sub3A_1305 : i32
      %add3A_1307 = arith.addi %mul3A_2, %sub3A_1306 : i32
      %dma_wait3A_1308 = arith.constant 5 : i32
      %dma_wait3A_1309 = arith.constant 0 : i32
      %dma_wait3A_1310 = arith.constant 0 : i32
      %dma_wait3A_1311 = tpu.memref_slice %arg6[%dma_wait3A_1308, %dma_wait3A_1309, %dma_wait3A_1310] : memref<8x200x32xf32, #tpu.memory_space<vmem>> -> memref<1x200x32xf32, #tpu.memory_space<vmem>>
      %dma_wait3A_1312 = tpu.memref_squeeze %dma_wait3A_1311 : memref<1x200x32xf32, #tpu.memory_space<vmem>> -> memref<200x32xf32, #tpu.memory_space<vmem>>
      %dma_wait3A_1313 = arith.constant 0 : i32
      %dma_wait3A_1314 = arith.constant 0 : i32
      %dma_wait3A_1315 = tpu.memref_slice %arg4[%add3A_1307, %dma_wait3A_1313, %dma_wait3A_1314] : memref<4096x200x128xf32, #tpu.memory_space<hbm>> -> memref<1x200x128xf32, #tpu.memory_space<hbm>>
      %dma_wait3A_1316 = tpu.memref_squeeze %dma_wait3A_1315 : memref<1x200x128xf32, #tpu.memory_space<hbm>> -> memref<200x128xf32, #tpu.memory_space<hbm>>
      %dma_wait3A_1317 = arith.constant 0 : i32
      %dma_wait3A_1318 = arith.constant 0 : i32
      %dma_wait3A_1319 = tpu.memref_slice %dma_wait3A_1316[%dma_wait3A_1317, %dma_wait3A_1318] : memref<200x128xf32, #tpu.memory_space<hbm>> -> memref<200x32xf32, #tpu.memory_space<hbm>>
      %dma_wait3A_1320 = arith.constant 0 : i32
      %dma_wait3A_1321 = arith.constant 0 : i32
      %dma_wait3A_1322 = tpu.memref_slice %arg4[%add3A_1307, %dma_wait3A_1320, %dma_wait3A_1321] : memref<4096x200x128xf32, #tpu.memory_space<hbm>> -> memref<1x200x128xf32, #tpu.memory_space<hbm>>
      %dma_wait3A_1323 = tpu.memref_squeeze %dma_wait3A_1322 : memref<1x200x128xf32, #tpu.memory_space<hbm>> -> memref<200x128xf32, #tpu.memory_space<hbm>>
      %dma_wait3A_1324 = arith.constant 0 : i32
      %dma_wait3A_1325 = arith.constant 0 : i32
      %dma_wait3A_1326 = tpu.memref_slice %dma_wait3A_1323[%dma_wait3A_1324, %dma_wait3A_1325] : memref<200x128xf32, #tpu.memory_space<hbm>> -> memref<200x32xf32, #tpu.memory_space<hbm>>
      %dma_wait3A_1327 = arith.constant 0 : i32
      %dma_wait3A_1328 = arith.constant 0 : i32
      %dma_wait3A_1329 = tpu.memref_slice %arg6[%dma_wait3A_1308, %dma_wait3A_1327, %dma_wait3A_1328] : memref<8x200x32xf32, #tpu.memory_space<vmem>> -> memref<1x200x32xf32, #tpu.memory_space<vmem>>
      %dma_wait3A_1330 = tpu.memref_squeeze %dma_wait3A_1329 : memref<1x200x32xf32, #tpu.memory_space<vmem>> -> memref<200x32xf32, #tpu.memory_space<vmem>>
      tpu.wait_dma2 semaphore(%arg20 : memref<!tpu.dma_semaphore, #tpu.memory_space<semaphore_mem>>) src(%dma_wait3A_1330 : memref<200x32xf32, #tpu.memory_space<vmem>>) dst(%dma_wait3A_1326 : memref<200x32xf32, #tpu.memory_space<hbm>>)
      %add3A_1331 = arith.constant 4 : i32
      %add3A_1332 = arith.addi %add3A_1269, %add3A_1331 : i32
      %dma_start3A_1333 = arith.constant 5 : i32
      %dma_start3A_1334 = arith.constant 0 : i32
      %dma_start3A_1335 = arith.constant 0 : i32
      %dma_start3A_1336 = tpu.memref_slice %arg6[%dma_start3A_1333, %dma_start3A_1334, %dma_start3A_1335] : memref<8x200x32xf32, #tpu.memory_space<vmem>> -> memref<1x200x32xf32, #tpu.memory_space<vmem>>
      %dma_start3A_1337 = tpu.memref_squeeze %dma_start3A_1336 : memref<1x200x32xf32, #tpu.memory_space<vmem>> -> memref<200x32xf32, #tpu.memory_space<vmem>>
      %dma_start3A_1338 = arith.constant 0 : i32
      %dma_start3A_1339 = tpu.memref_slice %arg5[%add3A_1332, %dma_start3A_1338] : memref<128x200xi32, #tpu.memory_space<vmem>> -> memref<1x200xi32, #tpu.memory_space<vmem>>
      %dma_start3A_1340 = tpu.memref_squeeze %dma_start3A_1339 : memref<1x200xi32, #tpu.memory_space<vmem>> -> memref<200xi32, #tpu.memory_space<vmem>>
      %dma_start3A_1341 = arith.constant 0 : i32
      %dma_start3A_1342 = arith.constant 0 : i32
      %dma_start3A_1343 = tpu.memref_slice %arg2[%dma_start3A_1341, %dma_start3A_1342] : memref<1000000x32xf32, #tpu.memory_space<hbm>> -> memref<1000000x32xf32, #tpu.memory_space<hbm>>
      tpu.enqueue_indirect_dma source(%dma_start3A_1343 : memref<1000000x32xf32, #tpu.memory_space<hbm>>) target(%dma_start3A_1337 : memref<200x32xf32, #tpu.memory_space<vmem>>) offsets(%dma_start3A_1340 : memref<200xi32, #tpu.memory_space<vmem>>) semaphore(%arg12 : memref<!tpu.dma_semaphore, #tpu.memory_space<semaphore_mem>>)
      %add3A_1344 = arith.constant 2 : i32
      %add3A_1345 = arith.addi %mul3A_1192, %add3A_1344 : i32
      %dma_wait3A_1346 = arith.constant 2 : i32
      %dma_wait3A_1347 = arith.constant 0 : i32
      %dma_wait3A_1348 = arith.constant 0 : i32
      %dma_wait3A_1349 = tpu.memref_slice %arg6[%dma_wait3A_1346, %dma_wait3A_1347, %dma_wait3A_1348] : memref<8x200x32xf32, #tpu.memory_space<vmem>> -> memref<1x200x32xf32, #tpu.memory_space<vmem>>
      %dma_wait3A_1350 = tpu.memref_squeeze %dma_wait3A_1349 : memref<1x200x32xf32, #tpu.memory_space<vmem>> -> memref<200x32xf32, #tpu.memory_space<vmem>>
      %dma_wait3A_1351 = arith.constant 0 : i32
      %dma_wait3A_1352 = tpu.memref_slice %arg5[%add3A_1345, %dma_wait3A_1351] : memref<128x200xi32, #tpu.memory_space<vmem>> -> memref<1x200xi32, #tpu.memory_space<vmem>>
      %dma_wait3A_1353 = tpu.memref_squeeze %dma_wait3A_1352 : memref<1x200xi32, #tpu.memory_space<vmem>> -> memref<200xi32, #tpu.memory_space<vmem>>
      %dma_wait3A_1354 = arith.constant 0 : i32
      %dma_wait3A_1355 = arith.constant 0 : i32
      %dma_wait3A_1356 = tpu.memref_slice %arg2[%dma_wait3A_1354, %dma_wait3A_1355] : memref<1000000x32xf32, #tpu.memory_space<hbm>> -> memref<1000000x32xf32, #tpu.memory_space<hbm>>
      tpu.wait_indirect_dma semaphore(%arg9 : memref<!tpu.dma_semaphore, #tpu.memory_space<semaphore_mem>>) src(%dma_wait3A_1356 : memref<1000000x32xf32, #tpu.memory_space<hbm>>) dst(%dma_wait3A_1350 : memref<200x32xf32, #tpu.memory_space<vmem>>)
      %add3A_1357 = arith.addi %mul3A_2, %add3A_1345 : i32
      %dma_start3A_1358 = arith.constant 2 : i32
      %dma_start3A_1359 = arith.constant 0 : i32
      %dma_start3A_1360 = arith.constant 0 : i32
      %dma_start3A_1361 = tpu.memref_slice %arg6[%dma_start3A_1358, %dma_start3A_1359, %dma_start3A_1360] : memref<8x200x32xf32, #tpu.memory_space<vmem>> -> memref<1x200x32xf32, #tpu.memory_space<vmem>>
      %dma_start3A_1362 = tpu.memref_squeeze %dma_start3A_1361 : memref<1x200x32xf32, #tpu.memory_space<vmem>> -> memref<200x32xf32, #tpu.memory_space<vmem>>
      %dma_start3A_1363 = arith.constant 0 : i32
      %dma_start3A_1364 = arith.constant 0 : i32
      %dma_start3A_1365 = tpu.memref_slice %arg4[%add3A_1357, %dma_start3A_1363, %dma_start3A_1364] : memref<4096x200x128xf32, #tpu.memory_space<hbm>> -> memref<1x200x128xf32, #tpu.memory_space<hbm>>
      %dma_start3A_1366 = tpu.memref_squeeze %dma_start3A_1365 : memref<1x200x128xf32, #tpu.memory_space<hbm>> -> memref<200x128xf32, #tpu.memory_space<hbm>>
      %dma_start3A_1367 = arith.constant 0 : i32
      %dma_start3A_1368 = arith.constant 0 : i32
      %dma_start3A_1369 = tpu.memref_slice %dma_start3A_1366[%dma_start3A_1367, %dma_start3A_1368] : memref<200x128xf32, #tpu.memory_space<hbm>> -> memref<200x32xf32, #tpu.memory_space<hbm>>
      %dma_start3A_1370 = arith.constant 0 : i32
      %dma_start3A_1371 = arith.constant 0 : i32
      %dma_start3A_1372 = tpu.memref_slice %arg4[%add3A_1357, %dma_start3A_1370, %dma_start3A_1371] : memref<4096x200x128xf32, #tpu.memory_space<hbm>> -> memref<1x200x128xf32, #tpu.memory_space<hbm>>
      %dma_start3A_1373 = tpu.memref_squeeze %dma_start3A_1372 : memref<1x200x128xf32, #tpu.memory_space<hbm>> -> memref<200x128xf32, #tpu.memory_space<hbm>>
      %dma_start3A_1374 = arith.constant 0 : i32
      %dma_start3A_1375 = arith.constant 0 : i32
      %dma_start3A_1376 = tpu.memref_slice %dma_start3A_1373[%dma_start3A_1374, %dma_start3A_1375] : memref<200x128xf32, #tpu.memory_space<hbm>> -> memref<200x32xf32, #tpu.memory_space<hbm>>
      %dma_start3A_1377 = arith.constant 0 : i32
      %dma_start3A_1378 = arith.constant 0 : i32
      %dma_start3A_1379 = tpu.memref_slice %arg6[%dma_start3A_1358, %dma_start3A_1377, %dma_start3A_1378] : memref<8x200x32xf32, #tpu.memory_space<vmem>> -> memref<1x200x32xf32, #tpu.memory_space<vmem>>
      %dma_start3A_1380 = tpu.memref_squeeze %dma_start3A_1379 : memref<1x200x32xf32, #tpu.memory_space<vmem>> -> memref<200x32xf32, #tpu.memory_space<vmem>>
      tpu.enqueue_dma source(%dma_start3A_1380 : memref<200x32xf32, #tpu.memory_space<vmem>>) target(%dma_start3A_1376 : memref<200x32xf32, #tpu.memory_space<hbm>>) target_semaphore(%arg17 : memref<!tpu.dma_semaphore, #tpu.memory_space<semaphore_mem>>)
      %sub3A_1381 = arith.constant 4 : i32
      %sub3A_1382 = arith.subi %add3A_1345, %sub3A_1381 : i32
      %add3A_1383 = arith.addi %mul3A_2, %sub3A_1382 : i32
      %dma_wait3A_1384 = arith.constant 6 : i32
      %dma_wait3A_1385 = arith.constant 0 : i32
      %dma_wait3A_1386 = arith.constant 0 : i32
      %dma_wait3A_1387 = tpu.memref_slice %arg6[%dma_wait3A_1384, %dma_wait3A_1385, %dma_wait3A_1386] : memref<8x200x32xf32, #tpu.memory_space<vmem>> -> memref<1x200x32xf32, #tpu.memory_space<vmem>>
      %dma_wait3A_1388 = tpu.memref_squeeze %dma_wait3A_1387 : memref<1x200x32xf32, #tpu.memory_space<vmem>> -> memref<200x32xf32, #tpu.memory_space<vmem>>
      %dma_wait3A_1389 = arith.constant 0 : i32
      %dma_wait3A_1390 = arith.constant 0 : i32
      %dma_wait3A_1391 = tpu.memref_slice %arg4[%add3A_1383, %dma_wait3A_1389, %dma_wait3A_1390] : memref<4096x200x128xf32, #tpu.memory_space<hbm>> -> memref<1x200x128xf32, #tpu.memory_space<hbm>>
      %dma_wait3A_1392 = tpu.memref_squeeze %dma_wait3A_1391 : memref<1x200x128xf32, #tpu.memory_space<hbm>> -> memref<200x128xf32, #tpu.memory_space<hbm>>
      %dma_wait3A_1393 = arith.constant 0 : i32
      %dma_wait3A_1394 = arith.constant 0 : i32
      %dma_wait3A_1395 = tpu.memref_slice %dma_wait3A_1392[%dma_wait3A_1393, %dma_wait3A_1394] : memref<200x128xf32, #tpu.memory_space<hbm>> -> memref<200x32xf32, #tpu.memory_space<hbm>>
      %dma_wait3A_1396 = arith.constant 0 : i32
      %dma_wait3A_1397 = arith.constant 0 : i32
      %dma_wait3A_1398 = tpu.memref_slice %arg4[%add3A_1383, %dma_wait3A_1396, %dma_wait3A_1397] : memref<4096x200x128xf32, #tpu.memory_space<hbm>> -> memref<1x200x128xf32, #tpu.memory_space<hbm>>
      %dma_wait3A_1399 = tpu.memref_squeeze %dma_wait3A_1398 : memref<1x200x128xf32, #tpu.memory_space<hbm>> -> memref<200x128xf32, #tpu.memory_space<hbm>>
      %dma_wait3A_1400 = arith.constant 0 : i32
      %dma_wait3A_1401 = arith.constant 0 : i32
      %dma_wait3A_1402 = tpu.memref_slice %dma_wait3A_1399[%dma_wait3A_1400, %dma_wait3A_1401] : memref<200x128xf32, #tpu.memory_space<hbm>> -> memref<200x32xf32, #tpu.memory_space<hbm>>
      %dma_wait3A_1403 = arith.constant 0 : i32
      %dma_wait3A_1404 = arith.constant 0 : i32
      %dma_wait3A_1405 = tpu.memref_slice %arg6[%dma_wait3A_1384, %dma_wait3A_1403, %dma_wait3A_1404] : memref<8x200x32xf32, #tpu.memory_space<vmem>> -> memref<1x200x32xf32, #tpu.memory_space<vmem>>
      %dma_wait3A_1406 = tpu.memref_squeeze %dma_wait3A_1405 : memref<1x200x32xf32, #tpu.memory_space<vmem>> -> memref<200x32xf32, #tpu.memory_space<vmem>>
      tpu.wait_dma2 semaphore(%arg21 : memref<!tpu.dma_semaphore, #tpu.memory_space<semaphore_mem>>) src(%dma_wait3A_1406 : memref<200x32xf32, #tpu.memory_space<vmem>>) dst(%dma_wait3A_1402 : memref<200x32xf32, #tpu.memory_space<hbm>>)
      %add3A_1407 = arith.constant 4 : i32
      %add3A_1408 = arith.addi %add3A_1345, %add3A_1407 : i32
      %dma_start3A_1409 = arith.constant 6 : i32
      %dma_start3A_1410 = arith.constant 0 : i32
      %dma_start3A_1411 = arith.constant 0 : i32
      %dma_start3A_1412 = tpu.memref_slice %arg6[%dma_start3A_1409, %dma_start3A_1410, %dma_start3A_1411] : memref<8x200x32xf32, #tpu.memory_space<vmem>> -> memref<1x200x32xf32, #tpu.memory_space<vmem>>
      %dma_start3A_1413 = tpu.memref_squeeze %dma_start3A_1412 : memref<1x200x32xf32, #tpu.memory_space<vmem>> -> memref<200x32xf32, #tpu.memory_space<vmem>>
      %dma_start3A_1414 = arith.constant 0 : i32
      %dma_start3A_1415 = tpu.memref_slice %arg5[%add3A_1408, %dma_start3A_1414] : memref<128x200xi32, #tpu.memory_space<vmem>> -> memref<1x200xi32, #tpu.memory_space<vmem>>
      %dma_start3A_1416 = tpu.memref_squeeze %dma_start3A_1415 : memref<1x200xi32, #tpu.memory_space<vmem>> -> memref<200xi32, #tpu.memory_space<vmem>>
      %dma_start3A_1417 = arith.constant 0 : i32
      %dma_start3A_1418 = arith.constant 0 : i32
      %dma_start3A_1419 = tpu.memref_slice %arg2[%dma_start3A_1417, %dma_start3A_1418] : memref<1000000x32xf32, #tpu.memory_space<hbm>> -> memref<1000000x32xf32, #tpu.memory_space<hbm>>
      tpu.enqueue_indirect_dma source(%dma_start3A_1419 : memref<1000000x32xf32, #tpu.memory_space<hbm>>) target(%dma_start3A_1413 : memref<200x32xf32, #tpu.memory_space<vmem>>) offsets(%dma_start3A_1416 : memref<200xi32, #tpu.memory_space<vmem>>) semaphore(%arg13 : memref<!tpu.dma_semaphore, #tpu.memory_space<semaphore_mem>>)
      %add3A_1420 = arith.constant 3 : i32
      %add3A_1421 = arith.addi %mul3A_1192, %add3A_1420 : i32
      %dma_wait3A_1422 = arith.constant 3 : i32
      %dma_wait3A_1423 = arith.constant 0 : i32
      %dma_wait3A_1424 = arith.constant 0 : i32
      %dma_wait3A_1425 = tpu.memref_slice %arg6[%dma_wait3A_1422, %dma_wait3A_1423, %dma_wait3A_1424] : memref<8x200x32xf32, #tpu.memory_space<vmem>> -> memref<1x200x32xf32, #tpu.memory_space<vmem>>
      %dma_wait3A_1426 = tpu.memref_squeeze %dma_wait3A_1425 : memref<1x200x32xf32, #tpu.memory_space<vmem>> -> memref<200x32xf32, #tpu.memory_space<vmem>>
      %dma_wait3A_1427 = arith.constant 0 : i32
      %dma_wait3A_1428 = tpu.memref_slice %arg5[%add3A_1421, %dma_wait3A_1427] : memref<128x200xi32, #tpu.memory_space<vmem>> -> memref<1x200xi32, #tpu.memory_space<vmem>>
      %dma_wait3A_1429 = tpu.memref_squeeze %dma_wait3A_1428 : memref<1x200xi32, #tpu.memory_space<vmem>> -> memref<200xi32, #tpu.memory_space<vmem>>
      %dma_wait3A_1430 = arith.constant 0 : i32
      %dma_wait3A_1431 = arith.constant 0 : i32
      %dma_wait3A_1432 = tpu.memref_slice %arg2[%dma_wait3A_1430, %dma_wait3A_1431] : memref<1000000x32xf32, #tpu.memory_space<hbm>> -> memref<1000000x32xf32, #tpu.memory_space<hbm>>
      tpu.wait_indirect_dma semaphore(%arg10 : memref<!tpu.dma_semaphore, #tpu.memory_space<semaphore_mem>>) src(%dma_wait3A_1432 : memref<1000000x32xf32, #tpu.memory_space<hbm>>) dst(%dma_wait3A_1426 : memref<200x32xf32, #tpu.memory_space<vmem>>)
      %add3A_1433 = arith.addi %mul3A_2, %add3A_1421 : i32
      %dma_start3A_1434 = arith.constant 3 : i32
      %dma_start3A_1435 = arith.constant 0 : i32
      %dma_start3A_1436 = arith.constant 0 : i32
      %dma_start3A_1437 = tpu.memref_slice %arg6[%dma_start3A_1434, %dma_start3A_1435, %dma_start3A_1436] : memref<8x200x32xf32, #tpu.memory_space<vmem>> -> memref<1x200x32xf32, #tpu.memory_space<vmem>>
      %dma_start3A_1438 = tpu.memref_squeeze %dma_start3A_1437 : memref<1x200x32xf32, #tpu.memory_space<vmem>> -> memref<200x32xf32, #tpu.memory_space<vmem>>
      %dma_start3A_1439 = arith.constant 0 : i32
      %dma_start3A_1440 = arith.constant 0 : i32
      %dma_start3A_1441 = tpu.memref_slice %arg4[%add3A_1433, %dma_start3A_1439, %dma_start3A_1440] : memref<4096x200x128xf32, #tpu.memory_space<hbm>> -> memref<1x200x128xf32, #tpu.memory_space<hbm>>
      %dma_start3A_1442 = tpu.memref_squeeze %dma_start3A_1441 : memref<1x200x128xf32, #tpu.memory_space<hbm>> -> memref<200x128xf32, #tpu.memory_space<hbm>>
      %dma_start3A_1443 = arith.constant 0 : i32
      %dma_start3A_1444 = arith.constant 0 : i32
      %dma_start3A_1445 = tpu.memref_slice %dma_start3A_1442[%dma_start3A_1443, %dma_start3A_1444] : memref<200x128xf32, #tpu.memory_space<hbm>> -> memref<200x32xf32, #tpu.memory_space<hbm>>
      %dma_start3A_1446 = arith.constant 0 : i32
      %dma_start3A_1447 = arith.constant 0 : i32
      %dma_start3A_1448 = tpu.memref_slice %arg4[%add3A_1433, %dma_start3A_1446, %dma_start3A_1447] : memref<4096x200x128xf32, #tpu.memory_space<hbm>> -> memref<1x200x128xf32, #tpu.memory_space<hbm>>
      %dma_start3A_1449 = tpu.memref_squeeze %dma_start3A_1448 : memref<1x200x128xf32, #tpu.memory_space<hbm>> -> memref<200x128xf32, #tpu.memory_space<hbm>>
      %dma_start3A_1450 = arith.constant 0 : i32
      %dma_start3A_1451 = arith.constant 0 : i32
      %dma_start3A_1452 = tpu.memref_slice %dma_start3A_1449[%dma_start3A_1450, %dma_start3A_1451] : memref<200x128xf32, #tpu.memory_space<hbm>> -> memref<200x32xf32, #tpu.memory_space<hbm>>
      %dma_start3A_1453 = arith.constant 0 : i32
      %dma_start3A_1454 = arith.constant 0 : i32
      %dma_start3A_1455 = tpu.memref_slice %arg6[%dma_start3A_1434, %dma_start3A_1453, %dma_start3A_1454] : memref<8x200x32xf32, #tpu.memory_space<vmem>> -> memref<1x200x32xf32, #tpu.memory_space<vmem>>
      %dma_start3A_1456 = tpu.memref_squeeze %dma_start3A_1455 : memref<1x200x32xf32, #tpu.memory_space<vmem>> -> memref<200x32xf32, #tpu.memory_space<vmem>>
      tpu.enqueue_dma source(%dma_start3A_1456 : memref<200x32xf32, #tpu.memory_space<vmem>>) target(%dma_start3A_1452 : memref<200x32xf32, #tpu.memory_space<hbm>>) target_semaphore(%arg18 : memref<!tpu.dma_semaphore, #tpu.memory_space<semaphore_mem>>)
      %sub3A_1457 = arith.constant 4 : i32
      %sub3A_1458 = arith.subi %add3A_1421, %sub3A_1457 : i32
      %add3A_1459 = arith.addi %mul3A_2, %sub3A_1458 : i32
      %dma_wait3A_1460 = arith.constant 7 : i32
      %dma_wait3A_1461 = arith.constant 0 : i32
      %dma_wait3A_1462 = arith.constant 0 : i32
      %dma_wait3A_1463 = tpu.memref_slice %arg6[%dma_wait3A_1460, %dma_wait3A_1461, %dma_wait3A_1462] : memref<8x200x32xf32, #tpu.memory_space<vmem>> -> memref<1x200x32xf32, #tpu.memory_space<vmem>>
      %dma_wait3A_1464 = tpu.memref_squeeze %dma_wait3A_1463 : memref<1x200x32xf32, #tpu.memory_space<vmem>> -> memref<200x32xf32, #tpu.memory_space<vmem>>
      %dma_wait3A_1465 = arith.constant 0 : i32
      %dma_wait3A_1466 = arith.constant 0 : i32
      %dma_wait3A_1467 = tpu.memref_slice %arg4[%add3A_1459, %dma_wait3A_1465, %dma_wait3A_1466] : memref<4096x200x128xf32, #tpu.memory_space<hbm>> -> memref<1x200x128xf32, #tpu.memory_space<hbm>>
      %dma_wait3A_1468 = tpu.memref_squeeze %dma_wait3A_1467 : memref<1x200x128xf32, #tpu.memory_space<hbm>> -> memref<200x128xf32, #tpu.memory_space<hbm>>
      %dma_wait3A_1469 = arith.constant 0 : i32
      %dma_wait3A_1470 = arith.constant 0 : i32
      %dma_wait3A_1471 = tpu.memref_slice %dma_wait3A_1468[%dma_wait3A_1469, %dma_wait3A_1470] : memref<200x128xf32, #tpu.memory_space<hbm>> -> memref<200x32xf32, #tpu.memory_space<hbm>>
      %dma_wait3A_1472 = arith.constant 0 : i32
      %dma_wait3A_1473 = arith.constant 0 : i32
      %dma_wait3A_1474 = tpu.memref_slice %arg4[%add3A_1459, %dma_wait3A_1472, %dma_wait3A_1473] : memref<4096x200x128xf32, #tpu.memory_space<hbm>> -> memref<1x200x128xf32, #tpu.memory_space<hbm>>
      %dma_wait3A_1475 = tpu.memref_squeeze %dma_wait3A_1474 : memref<1x200x128xf32, #tpu.memory_space<hbm>> -> memref<200x128xf32, #tpu.memory_space<hbm>>
      %dma_wait3A_1476 = arith.constant 0 : i32
      %dma_wait3A_1477 = arith.constant 0 : i32
      %dma_wait3A_1478 = tpu.memref_slice %dma_wait3A_1475[%dma_wait3A_1476, %dma_wait3A_1477] : memref<200x128xf32, #tpu.memory_space<hbm>> -> memref<200x32xf32, #tpu.memory_space<hbm>>
      %dma_wait3A_1479 = arith.constant 0 : i32
      %dma_wait3A_1480 = arith.constant 0 : i32
      %dma_wait3A_1481 = tpu.memref_slice %arg6[%dma_wait3A_1460, %dma_wait3A_1479, %dma_wait3A_1480] : memref<8x200x32xf32, #tpu.memory_space<vmem>> -> memref<1x200x32xf32, #tpu.memory_space<vmem>>
      %dma_wait3A_1482 = tpu.memref_squeeze %dma_wait3A_1481 : memref<1x200x32xf32, #tpu.memory_space<vmem>> -> memref<200x32xf32, #tpu.memory_space<vmem>>
      tpu.wait_dma2 semaphore(%arg22 : memref<!tpu.dma_semaphore, #tpu.memory_space<semaphore_mem>>) src(%dma_wait3A_1482 : memref<200x32xf32, #tpu.memory_space<vmem>>) dst(%dma_wait3A_1478 : memref<200x32xf32, #tpu.memory_space<hbm>>)
      %add3A_1483 = arith.constant 4 : i32
      %add3A_1484 = arith.addi %add3A_1421, %add3A_1483 : i32
      %dma_start3A_1485 = arith.constant 7 : i32
      %dma_start3A_1486 = arith.constant 0 : i32
      %dma_start3A_1487 = arith.constant 0 : i32
      %dma_start3A_1488 = tpu.memref_slice %arg6[%dma_start3A_1485, %dma_start3A_1486, %dma_start3A_1487] : memref<8x200x32xf32, #tpu.memory_space<vmem>> -> memref<1x200x32xf32, #tpu.memory_space<vmem>>
      %dma_start3A_1489 = tpu.memref_squeeze %dma_start3A_1488 : memref<1x200x32xf32, #tpu.memory_space<vmem>> -> memref<200x32xf32, #tpu.memory_space<vmem>>
      %dma_start3A_1490 = arith.constant 0 : i32
      %dma_start3A_1491 = tpu.memref_slice %arg5[%add3A_1484, %dma_start3A_1490] : memref<128x200xi32, #tpu.memory_space<vmem>> -> memref<1x200xi32, #tpu.memory_space<vmem>>
      %dma_start3A_1492 = tpu.memref_squeeze %dma_start3A_1491 : memref<1x200xi32, #tpu.memory_space<vmem>> -> memref<200xi32, #tpu.memory_space<vmem>>
      %dma_start3A_1493 = arith.constant 0 : i32
      %dma_start3A_1494 = arith.constant 0 : i32
      %dma_start3A_1495 = tpu.memref_slice %arg2[%dma_start3A_1493, %dma_start3A_1494] : memref<1000000x32xf32, #tpu.memory_space<hbm>> -> memref<1000000x32xf32, #tpu.memory_space<hbm>>
      tpu.enqueue_indirect_dma source(%dma_start3A_1495 : memref<1000000x32xf32, #tpu.memory_space<hbm>>) target(%dma_start3A_1489 : memref<200x32xf32, #tpu.memory_space<vmem>>) offsets(%dma_start3A_1492 : memref<200xi32, #tpu.memory_space<vmem>>) semaphore(%arg14 : memref<!tpu.dma_semaphore, #tpu.memory_space<semaphore_mem>>)
      %add3A_1496 = arith.constant 4 : i32
      %add3A_1497 = arith.addi %mul3A_1192, %add3A_1496 : i32
      %dma_wait3A_1498 = arith.constant 4 : i32
      %dma_wait3A_1499 = arith.constant 0 : i32
      %dma_wait3A_1500 = arith.constant 0 : i32
      %dma_wait3A_1501 = tpu.memref_slice %arg6[%dma_wait3A_1498, %dma_wait3A_1499, %dma_wait3A_1500] : memref<8x200x32xf32, #tpu.memory_space<vmem>> -> memref<1x200x32xf32, #tpu.memory_space<vmem>>
      %dma_wait3A_1502 = tpu.memref_squeeze %dma_wait3A_1501 : memref<1x200x32xf32, #tpu.memory_space<vmem>> -> memref<200x32xf32, #tpu.memory_space<vmem>>
      %dma_wait3A_1503 = arith.constant 0 : i32
      %dma_wait3A_1504 = tpu.memref_slice %arg5[%add3A_1497, %dma_wait3A_1503] : memref<128x200xi32, #tpu.memory_space<vmem>> -> memref<1x200xi32, #tpu.memory_space<vmem>>
      %dma_wait3A_1505 = tpu.memref_squeeze %dma_wait3A_1504 : memref<1x200xi32, #tpu.memory_space<vmem>> -> memref<200xi32, #tpu.memory_space<vmem>>
      %dma_wait3A_1506 = arith.constant 0 : i32
      %dma_wait3A_1507 = arith.constant 0 : i32
      %dma_wait3A_1508 = tpu.memref_slice %arg2[%dma_wait3A_1506, %dma_wait3A_1507] : memref<1000000x32xf32, #tpu.memory_space<hbm>> -> memref<1000000x32xf32, #tpu.memory_space<hbm>>
      tpu.wait_indirect_dma semaphore(%arg11 : memref<!tpu.dma_semaphore, #tpu.memory_space<semaphore_mem>>) src(%dma_wait3A_1508 : memref<1000000x32xf32, #tpu.memory_space<hbm>>) dst(%dma_wait3A_1502 : memref<200x32xf32, #tpu.memory_space<vmem>>)
      %add3A_1509 = arith.addi %mul3A_2, %add3A_1497 : i32
      %dma_start3A_1510 = arith.constant 4 : i32
      %dma_start3A_1511 = arith.constant 0 : i32
      %dma_start3A_1512 = arith.constant 0 : i32
      %dma_start3A_1513 = tpu.memref_slice %arg6[%dma_start3A_1510, %dma_start3A_1511, %dma_start3A_1512] : memref<8x200x32xf32, #tpu.memory_space<vmem>> -> memref<1x200x32xf32, #tpu.memory_space<vmem>>
      %dma_start3A_1514 = tpu.memref_squeeze %dma_start3A_1513 : memref<1x200x32xf32, #tpu.memory_space<vmem>> -> memref<200x32xf32, #tpu.memory_space<vmem>>
      %dma_start3A_1515 = arith.constant 0 : i32
      %dma_start3A_1516 = arith.constant 0 : i32
      %dma_start3A_1517 = tpu.memref_slice %arg4[%add3A_1509, %dma_start3A_1515, %dma_start3A_1516] : memref<4096x200x128xf32, #tpu.memory_space<hbm>> -> memref<1x200x128xf32, #tpu.memory_space<hbm>>
      %dma_start3A_1518 = tpu.memref_squeeze %dma_start3A_1517 : memref<1x200x128xf32, #tpu.memory_space<hbm>> -> memref<200x128xf32, #tpu.memory_space<hbm>>
      %dma_start3A_1519 = arith.constant 0 : i32
      %dma_start3A_1520 = arith.constant 0 : i32
      %dma_start3A_1521 = tpu.memref_slice %dma_start3A_1518[%dma_start3A_1519, %dma_start3A_1520] : memref<200x128xf32, #tpu.memory_space<hbm>> -> memref<200x32xf32, #tpu.memory_space<hbm>>
      %dma_start3A_1522 = arith.constant 0 : i32
      %dma_start3A_1523 = arith.constant 0 : i32
      %dma_start3A_1524 = tpu.memref_slice %arg4[%add3A_1509, %dma_start3A_1522, %dma_start3A_1523] : memref<4096x200x128xf32, #tpu.memory_space<hbm>> -> memref<1x200x128xf32, #tpu.memory_space<hbm>>
      %dma_start3A_1525 = tpu.memref_squeeze %dma_start3A_1524 : memref<1x200x128xf32, #tpu.memory_space<hbm>> -> memref<200x128xf32, #tpu.memory_space<hbm>>
      %dma_start3A_1526 = arith.constant 0 : i32
      %dma_start3A_1527 = arith.constant 0 : i32
      %dma_start3A_1528 = tpu.memref_slice %dma_start3A_1525[%dma_start3A_1526, %dma_start3A_1527] : memref<200x128xf32, #tpu.memory_space<hbm>> -> memref<200x32xf32, #tpu.memory_space<hbm>>
      %dma_start3A_1529 = arith.constant 0 : i32
      %dma_start3A_1530 = arith.constant 0 : i32
      %dma_start3A_1531 = tpu.memref_slice %arg6[%dma_start3A_1510, %dma_start3A_1529, %dma_start3A_1530] : memref<8x200x32xf32, #tpu.memory_space<vmem>> -> memref<1x200x32xf32, #tpu.memory_space<vmem>>
      %dma_start3A_1532 = tpu.memref_squeeze %dma_start3A_1531 : memref<1x200x32xf32, #tpu.memory_space<vmem>> -> memref<200x32xf32, #tpu.memory_space<vmem>>
      tpu.enqueue_dma source(%dma_start3A_1532 : memref<200x32xf32, #tpu.memory_space<vmem>>) target(%dma_start3A_1528 : memref<200x32xf32, #tpu.memory_space<hbm>>) target_semaphore(%arg19 : memref<!tpu.dma_semaphore, #tpu.memory_space<semaphore_mem>>)
      %sub3A_1533 = arith.constant 4 : i32
      %sub3A_1534 = arith.subi %add3A_1497, %sub3A_1533 : i32
      %add3A_1535 = arith.addi %mul3A_2, %sub3A_1534 : i32
      %dma_wait3A_1536 = arith.constant 0 : i32
      %dma_wait3A_1537 = arith.constant 0 : i32
      %dma_wait3A_1538 = arith.constant 0 : i32
      %dma_wait3A_1539 = tpu.memref_slice %arg6[%dma_wait3A_1536, %dma_wait3A_1537, %dma_wait3A_1538] : memref<8x200x32xf32, #tpu.memory_space<vmem>> -> memref<1x200x32xf32, #tpu.memory_space<vmem>>
      %dma_wait3A_1540 = tpu.memref_squeeze %dma_wait3A_1539 : memref<1x200x32xf32, #tpu.memory_space<vmem>> -> memref<200x32xf32, #tpu.memory_space<vmem>>
      %dma_wait3A_1541 = arith.constant 0 : i32
      %dma_wait3A_1542 = arith.constant 0 : i32
      %dma_wait3A_1543 = tpu.memref_slice %arg4[%add3A_1535, %dma_wait3A_1541, %dma_wait3A_1542] : memref<4096x200x128xf32, #tpu.memory_space<hbm>> -> memref<1x200x128xf32, #tpu.memory_space<hbm>>
      %dma_wait3A_1544 = tpu.memref_squeeze %dma_wait3A_1543 : memref<1x200x128xf32, #tpu.memory_space<hbm>> -> memref<200x128xf32, #tpu.memory_space<hbm>>
      %dma_wait3A_1545 = arith.constant 0 : i32
      %dma_wait3A_1546 = arith.constant 0 : i32
      %dma_wait3A_1547 = tpu.memref_slice %dma_wait3A_1544[%dma_wait3A_1545, %dma_wait3A_1546] : memref<200x128xf32, #tpu.memory_space<hbm>> -> memref<200x32xf32, #tpu.memory_space<hbm>>
      %dma_wait3A_1548 = arith.constant 0 : i32
      %dma_wait3A_1549 = arith.constant 0 : i32
      %dma_wait3A_1550 = tpu.memref_slice %arg4[%add3A_1535, %dma_wait3A_1548, %dma_wait3A_1549] : memref<4096x200x128xf32, #tpu.memory_space<hbm>> -> memref<1x200x128xf32, #tpu.memory_space<hbm>>
      %dma_wait3A_1551 = tpu.memref_squeeze %dma_wait3A_1550 : memref<1x200x128xf32, #tpu.memory_space<hbm>> -> memref<200x128xf32, #tpu.memory_space<hbm>>
      %dma_wait3A_1552 = arith.constant 0 : i32
      %dma_wait3A_1553 = arith.constant 0 : i32
      %dma_wait3A_1554 = tpu.memref_slice %dma_wait3A_1551[%dma_wait3A_1552, %dma_wait3A_1553] : memref<200x128xf32, #tpu.memory_space<hbm>> -> memref<200x32xf32, #tpu.memory_space<hbm>>
      %dma_wait3A_1555 = arith.constant 0 : i32
      %dma_wait3A_1556 = arith.constant 0 : i32
      %dma_wait3A_1557 = tpu.memref_slice %arg6[%dma_wait3A_1536, %dma_wait3A_1555, %dma_wait3A_1556] : memref<8x200x32xf32, #tpu.memory_space<vmem>> -> memref<1x200x32xf32, #tpu.memory_space<vmem>>
      %dma_wait3A_1558 = tpu.memref_squeeze %dma_wait3A_1557 : memref<1x200x32xf32, #tpu.memory_space<vmem>> -> memref<200x32xf32, #tpu.memory_space<vmem>>
      tpu.wait_dma2 semaphore(%arg15 : memref<!tpu.dma_semaphore, #tpu.memory_space<semaphore_mem>>) src(%dma_wait3A_1558 : memref<200x32xf32, #tpu.memory_space<vmem>>) dst(%dma_wait3A_1554 : memref<200x32xf32, #tpu.memory_space<hbm>>)
      %add3A_1559 = arith.constant 4 : i32
      %add3A_1560 = arith.addi %add3A_1497, %add3A_1559 : i32
      %dma_start3A_1561 = arith.constant 0 : i32
      %dma_start3A_1562 = arith.constant 0 : i32
      %dma_start3A_1563 = arith.constant 0 : i32
      %dma_start3A_1564 = tpu.memref_slice %arg6[%dma_start3A_1561, %dma_start3A_1562, %dma_start3A_1563] : memref<8x200x32xf32, #tpu.memory_space<vmem>> -> memref<1x200x32xf32, #tpu.memory_space<vmem>>
      %dma_start3A_1565 = tpu.memref_squeeze %dma_start3A_1564 : memref<1x200x32xf32, #tpu.memory_space<vmem>> -> memref<200x32xf32, #tpu.memory_space<vmem>>
      %dma_start3A_1566 = arith.constant 0 : i32
      %dma_start3A_1567 = tpu.memref_slice %arg5[%add3A_1560, %dma_start3A_1566] : memref<128x200xi32, #tpu.memory_space<vmem>> -> memref<1x200xi32, #tpu.memory_space<vmem>>
      %dma_start3A_1568 = tpu.memref_squeeze %dma_start3A_1567 : memref<1x200xi32, #tpu.memory_space<vmem>> -> memref<200xi32, #tpu.memory_space<vmem>>
      %dma_start3A_1569 = arith.constant 0 : i32
      %dma_start3A_1570 = arith.constant 0 : i32
      %dma_start3A_1571 = tpu.memref_slice %arg2[%dma_start3A_1569, %dma_start3A_1570] : memref<1000000x32xf32, #tpu.memory_space<hbm>> -> memref<1000000x32xf32, #tpu.memory_space<hbm>>
      tpu.enqueue_indirect_dma source(%dma_start3A_1571 : memref<1000000x32xf32, #tpu.memory_space<hbm>>) target(%dma_start3A_1565 : memref<200x32xf32, #tpu.memory_space<vmem>>) offsets(%dma_start3A_1568 : memref<200xi32, #tpu.memory_space<vmem>>) semaphore(%arg7 : memref<!tpu.dma_semaphore, #tpu.memory_space<semaphore_mem>>)
      %add3A_1572 = arith.constant 5 : i32
      %add3A_1573 = arith.addi %mul3A_1192, %add3A_1572 : i32
      %dma_wait3A_1574 = arith.constant 5 : i32
      %dma_wait3A_1575 = arith.constant 0 : i32
      %dma_wait3A_1576 = arith.constant 0 : i32
      %dma_wait3A_1577 = tpu.memref_slice %arg6[%dma_wait3A_1574, %dma_wait3A_1575, %dma_wait3A_1576] : memref<8x200x32xf32, #tpu.memory_space<vmem>> -> memref<1x200x32xf32, #tpu.memory_space<vmem>>
      %dma_wait3A_1578 = tpu.memref_squeeze %dma_wait3A_1577 : memref<1x200x32xf32, #tpu.memory_space<vmem>> -> memref<200x32xf32, #tpu.memory_space<vmem>>
      %dma_wait3A_1579 = arith.constant 0 : i32
      %dma_wait3A_1580 = tpu.memref_slice %arg5[%add3A_1573, %dma_wait3A_1579] : memref<128x200xi32, #tpu.memory_space<vmem>> -> memref<1x200xi32, #tpu.memory_space<vmem>>
      %dma_wait3A_1581 = tpu.memref_squeeze %dma_wait3A_1580 : memref<1x200xi32, #tpu.memory_space<vmem>> -> memref<200xi32, #tpu.memory_space<vmem>>
      %dma_wait3A_1582 = arith.constant 0 : i32
      %dma_wait3A_1583 = arith.constant 0 : i32
      %dma_wait3A_1584 = tpu.memref_slice %arg2[%dma_wait3A_1582, %dma_wait3A_1583] : memref<1000000x32xf32, #tpu.memory_space<hbm>> -> memref<1000000x32xf32, #tpu.memory_space<hbm>>
      tpu.wait_indirect_dma semaphore(%arg12 : memref<!tpu.dma_semaphore, #tpu.memory_space<semaphore_mem>>) src(%dma_wait3A_1584 : memref<1000000x32xf32, #tpu.memory_space<hbm>>) dst(%dma_wait3A_1578 : memref<200x32xf32, #tpu.memory_space<vmem>>)
      %add3A_1585 = arith.addi %mul3A_2, %add3A_1573 : i32
      %dma_start3A_1586 = arith.constant 5 : i32
      %dma_start3A_1587 = arith.constant 0 : i32
      %dma_start3A_1588 = arith.constant 0 : i32
      %dma_start3A_1589 = tpu.memref_slice %arg6[%dma_start3A_1586, %dma_start3A_1587, %dma_start3A_1588] : memref<8x200x32xf32, #tpu.memory_space<vmem>> -> memref<1x200x32xf32, #tpu.memory_space<vmem>>
      %dma_start3A_1590 = tpu.memref_squeeze %dma_start3A_1589 : memref<1x200x32xf32, #tpu.memory_space<vmem>> -> memref<200x32xf32, #tpu.memory_space<vmem>>
      %dma_start3A_1591 = arith.constant 0 : i32
      %dma_start3A_1592 = arith.constant 0 : i32
      %dma_start3A_1593 = tpu.memref_slice %arg4[%add3A_1585, %dma_start3A_1591, %dma_start3A_1592] : memref<4096x200x128xf32, #tpu.memory_space<hbm>> -> memref<1x200x128xf32, #tpu.memory_space<hbm>>
      %dma_start3A_1594 = tpu.memref_squeeze %dma_start3A_1593 : memref<1x200x128xf32, #tpu.memory_space<hbm>> -> memref<200x128xf32, #tpu.memory_space<hbm>>
      %dma_start3A_1595 = arith.constant 0 : i32
      %dma_start3A_1596 = arith.constant 0 : i32
      %dma_start3A_1597 = tpu.memref_slice %dma_start3A_1594[%dma_start3A_1595, %dma_start3A_1596] : memref<200x128xf32, #tpu.memory_space<hbm>> -> memref<200x32xf32, #tpu.memory_space<hbm>>
      %dma_start3A_1598 = arith.constant 0 : i32
      %dma_start3A_1599 = arith.constant 0 : i32
      %dma_start3A_1600 = tpu.memref_slice %arg4[%add3A_1585, %dma_start3A_1598, %dma_start3A_1599] : memref<4096x200x128xf32, #tpu.memory_space<hbm>> -> memref<1x200x128xf32, #tpu.memory_space<hbm>>
      %dma_start3A_1601 = tpu.memref_squeeze %dma_start3A_1600 : memref<1x200x128xf32, #tpu.memory_space<hbm>> -> memref<200x128xf32, #tpu.memory_space<hbm>>
      %dma_start3A_1602 = arith.constant 0 : i32
      %dma_start3A_1603 = arith.constant 0 : i32
      %dma_start3A_1604 = tpu.memref_slice %dma_start3A_1601[%dma_start3A_1602, %dma_start3A_1603] : memref<200x128xf32, #tpu.memory_space<hbm>> -> memref<200x32xf32, #tpu.memory_space<hbm>>
      %dma_start3A_1605 = arith.constant 0 : i32
      %dma_start3A_1606 = arith.constant 0 : i32
      %dma_start3A_1607 = tpu.memref_slice %arg6[%dma_start3A_1586, %dma_start3A_1605, %dma_start3A_1606] : memref<8x200x32xf32, #tpu.memory_space<vmem>> -> memref<1x200x32xf32, #tpu.memory_space<vmem>>
      %dma_start3A_1608 = tpu.memref_squeeze %dma_start3A_1607 : memref<1x200x32xf32, #tpu.memory_space<vmem>> -> memref<200x32xf32, #tpu.memory_space<vmem>>
      tpu.enqueue_dma source(%dma_start3A_1608 : memref<200x32xf32, #tpu.memory_space<vmem>>) target(%dma_start3A_1604 : memref<200x32xf32, #tpu.memory_space<hbm>>) target_semaphore(%arg20 : memref<!tpu.dma_semaphore, #tpu.memory_space<semaphore_mem>>)
      %sub3A_1609 = arith.constant 4 : i32
      %sub3A_1610 = arith.subi %add3A_1573, %sub3A_1609 : i32
      %add3A_1611 = arith.addi %mul3A_2, %sub3A_1610 : i32
      %dma_wait3A_1612 = arith.constant 1 : i32
      %dma_wait3A_1613 = arith.constant 0 : i32
      %dma_wait3A_1614 = arith.constant 0 : i32
      %dma_wait3A_1615 = tpu.memref_slice %arg6[%dma_wait3A_1612, %dma_wait3A_1613, %dma_wait3A_1614] : memref<8x200x32xf32, #tpu.memory_space<vmem>> -> memref<1x200x32xf32, #tpu.memory_space<vmem>>
      %dma_wait3A_1616 = tpu.memref_squeeze %dma_wait3A_1615 : memref<1x200x32xf32, #tpu.memory_space<vmem>> -> memref<200x32xf32, #tpu.memory_space<vmem>>
      %dma_wait3A_1617 = arith.constant 0 : i32
      %dma_wait3A_1618 = arith.constant 0 : i32
      %dma_wait3A_1619 = tpu.memref_slice %arg4[%add3A_1611, %dma_wait3A_1617, %dma_wait3A_1618] : memref<4096x200x128xf32, #tpu.memory_space<hbm>> -> memref<1x200x128xf32, #tpu.memory_space<hbm>>
      %dma_wait3A_1620 = tpu.memref_squeeze %dma_wait3A_1619 : memref<1x200x128xf32, #tpu.memory_space<hbm>> -> memref<200x128xf32, #tpu.memory_space<hbm>>
      %dma_wait3A_1621 = arith.constant 0 : i32
      %dma_wait3A_1622 = arith.constant 0 : i32
      %dma_wait3A_1623 = tpu.memref_slice %dma_wait3A_1620[%dma_wait3A_1621, %dma_wait3A_1622] : memref<200x128xf32, #tpu.memory_space<hbm>> -> memref<200x32xf32, #tpu.memory_space<hbm>>
      %dma_wait3A_1624 = arith.constant 0 : i32
      %dma_wait3A_1625 = arith.constant 0 : i32
      %dma_wait3A_1626 = tpu.memref_slice %arg4[%add3A_1611, %dma_wait3A_1624, %dma_wait3A_1625] : memref<4096x200x128xf32, #tpu.memory_space<hbm>> -> memref<1x200x128xf32, #tpu.memory_space<hbm>>
      %dma_wait3A_1627 = tpu.memref_squeeze %dma_wait3A_1626 : memref<1x200x128xf32, #tpu.memory_space<hbm>> -> memref<200x128xf32, #tpu.memory_space<hbm>>
      %dma_wait3A_1628 = arith.constant 0 : i32
      %dma_wait3A_1629 = arith.constant 0 : i32
      %dma_wait3A_1630 = tpu.memref_slice %dma_wait3A_1627[%dma_wait3A_1628, %dma_wait3A_1629] : memref<200x128xf32, #tpu.memory_space<hbm>> -> memref<200x32xf32, #tpu.memory_space<hbm>>
      %dma_wait3A_1631 = arith.constant 0 : i32
      %dma_wait3A_1632 = arith.constant 0 : i32
      %dma_wait3A_1633 = tpu.memref_slice %arg6[%dma_wait3A_1612, %dma_wait3A_1631, %dma_wait3A_1632] : memref<8x200x32xf32, #tpu.memory_space<vmem>> -> memref<1x200x32xf32, #tpu.memory_space<vmem>>
      %dma_wait3A_1634 = tpu.memref_squeeze %dma_wait3A_1633 : memref<1x200x32xf32, #tpu.memory_space<vmem>> -> memref<200x32xf32, #tpu.memory_space<vmem>>
      tpu.wait_dma2 semaphore(%arg16 : memref<!tpu.dma_semaphore, #tpu.memory_space<semaphore_mem>>) src(%dma_wait3A_1634 : memref<200x32xf32, #tpu.memory_space<vmem>>) dst(%dma_wait3A_1630 : memref<200x32xf32, #tpu.memory_space<hbm>>)
      %add3A_1635 = arith.constant 4 : i32
      %add3A_1636 = arith.addi %add3A_1573, %add3A_1635 : i32
      %dma_start3A_1637 = arith.constant 1 : i32
      %dma_start3A_1638 = arith.constant 0 : i32
      %dma_start3A_1639 = arith.constant 0 : i32
      %dma_start3A_1640 = tpu.memref_slice %arg6[%dma_start3A_1637, %dma_start3A_1638, %dma_start3A_1639] : memref<8x200x32xf32, #tpu.memory_space<vmem>> -> memref<1x200x32xf32, #tpu.memory_space<vmem>>
      %dma_start3A_1641 = tpu.memref_squeeze %dma_start3A_1640 : memref<1x200x32xf32, #tpu.memory_space<vmem>> -> memref<200x32xf32, #tpu.memory_space<vmem>>
      %dma_start3A_1642 = arith.constant 0 : i32
      %dma_start3A_1643 = tpu.memref_slice %arg5[%add3A_1636, %dma_start3A_1642] : memref<128x200xi32, #tpu.memory_space<vmem>> -> memref<1x200xi32, #tpu.memory_space<vmem>>
      %dma_start3A_1644 = tpu.memref_squeeze %dma_start3A_1643 : memref<1x200xi32, #tpu.memory_space<vmem>> -> memref<200xi32, #tpu.memory_space<vmem>>
      %dma_start3A_1645 = arith.constant 0 : i32
      %dma_start3A_1646 = arith.constant 0 : i32
      %dma_start3A_1647 = tpu.memref_slice %arg2[%dma_start3A_1645, %dma_start3A_1646] : memref<1000000x32xf32, #tpu.memory_space<hbm>> -> memref<1000000x32xf32, #tpu.memory_space<hbm>>
      tpu.enqueue_indirect_dma source(%dma_start3A_1647 : memref<1000000x32xf32, #tpu.memory_space<hbm>>) target(%dma_start3A_1641 : memref<200x32xf32, #tpu.memory_space<vmem>>) offsets(%dma_start3A_1644 : memref<200xi32, #tpu.memory_space<vmem>>) semaphore(%arg8 : memref<!tpu.dma_semaphore, #tpu.memory_space<semaphore_mem>>)
      %add3A_1648 = arith.constant 6 : i32
      %add3A_1649 = arith.addi %mul3A_1192, %add3A_1648 : i32
      %dma_wait3A_1650 = arith.constant 6 : i32
      %dma_wait3A_1651 = arith.constant 0 : i32
      %dma_wait3A_1652 = arith.constant 0 : i32
      %dma_wait3A_1653 = tpu.memref_slice %arg6[%dma_wait3A_1650, %dma_wait3A_1651, %dma_wait3A_1652] : memref<8x200x32xf32, #tpu.memory_space<vmem>> -> memref<1x200x32xf32, #tpu.memory_space<vmem>>
      %dma_wait3A_1654 = tpu.memref_squeeze %dma_wait3A_1653 : memref<1x200x32xf32, #tpu.memory_space<vmem>> -> memref<200x32xf32, #tpu.memory_space<vmem>>
      %dma_wait3A_1655 = arith.constant 0 : i32
      %dma_wait3A_1656 = tpu.memref_slice %arg5[%add3A_1649, %dma_wait3A_1655] : memref<128x200xi32, #tpu.memory_space<vmem>> -> memref<1x200xi32, #tpu.memory_space<vmem>>
      %dma_wait3A_1657 = tpu.memref_squeeze %dma_wait3A_1656 : memref<1x200xi32, #tpu.memory_space<vmem>> -> memref<200xi32, #tpu.memory_space<vmem>>
      %dma_wait3A_1658 = arith.constant 0 : i32
      %dma_wait3A_1659 = arith.constant 0 : i32
      %dma_wait3A_1660 = tpu.memref_slice %arg2[%dma_wait3A_1658, %dma_wait3A_1659] : memref<1000000x32xf32, #tpu.memory_space<hbm>> -> memref<1000000x32xf32, #tpu.memory_space<hbm>>
      tpu.wait_indirect_dma semaphore(%arg13 : memref<!tpu.dma_semaphore, #tpu.memory_space<semaphore_mem>>) src(%dma_wait3A_1660 : memref<1000000x32xf32, #tpu.memory_space<hbm>>) dst(%dma_wait3A_1654 : memref<200x32xf32, #tpu.memory_space<vmem>>)
      %add3A_1661 = arith.addi %mul3A_2, %add3A_1649 : i32
      %dma_start3A_1662 = arith.constant 6 : i32
      %dma_start3A_1663 = arith.constant 0 : i32
      %dma_start3A_1664 = arith.constant 0 : i32
      %dma_start3A_1665 = tpu.memref_slice %arg6[%dma_start3A_1662, %dma_start3A_1663, %dma_start3A_1664] : memref<8x200x32xf32, #tpu.memory_space<vmem>> -> memref<1x200x32xf32, #tpu.memory_space<vmem>>
      %dma_start3A_1666 = tpu.memref_squeeze %dma_start3A_1665 : memref<1x200x32xf32, #tpu.memory_space<vmem>> -> memref<200x32xf32, #tpu.memory_space<vmem>>
      %dma_start3A_1667 = arith.constant 0 : i32
      %dma_start3A_1668 = arith.constant 0 : i32
      %dma_start3A_1669 = tpu.memref_slice %arg4[%add3A_1661, %dma_start3A_1667, %dma_start3A_1668] : memref<4096x200x128xf32, #tpu.memory_space<hbm>> -> memref<1x200x128xf32, #tpu.memory_space<hbm>>
      %dma_start3A_1670 = tpu.memref_squeeze %dma_start3A_1669 : memref<1x200x128xf32, #tpu.memory_space<hbm>> -> memref<200x128xf32, #tpu.memory_space<hbm>>
      %dma_start3A_1671 = arith.constant 0 : i32
      %dma_start3A_1672 = arith.constant 0 : i32
      %dma_start3A_1673 = tpu.memref_slice %dma_start3A_1670[%dma_start3A_1671, %dma_start3A_1672] : memref<200x128xf32, #tpu.memory_space<hbm>> -> memref<200x32xf32, #tpu.memory_space<hbm>>
      %dma_start3A_1674 = arith.constant 0 : i32
      %dma_start3A_1675 = arith.constant 0 : i32
      %dma_start3A_1676 = tpu.memref_slice %arg4[%add3A_1661, %dma_start3A_1674, %dma_start3A_1675] : memref<4096x200x128xf32, #tpu.memory_space<hbm>> -> memref<1x200x128xf32, #tpu.memory_space<hbm>>
      %dma_start3A_1677 = tpu.memref_squeeze %dma_start3A_1676 : memref<1x200x128xf32, #tpu.memory_space<hbm>> -> memref<200x128xf32, #tpu.memory_space<hbm>>
      %dma_start3A_1678 = arith.constant 0 : i32
      %dma_start3A_1679 = arith.constant 0 : i32
      %dma_start3A_1680 = tpu.memref_slice %dma_start3A_1677[%dma_start3A_1678, %dma_start3A_1679] : memref<200x128xf32, #tpu.memory_space<hbm>> -> memref<200x32xf32, #tpu.memory_space<hbm>>
      %dma_start3A_1681 = arith.constant 0 : i32
      %dma_start3A_1682 = arith.constant 0 : i32
      %dma_start3A_1683 = tpu.memref_slice %arg6[%dma_start3A_1662, %dma_start3A_1681, %dma_start3A_1682] : memref<8x200x32xf32, #tpu.memory_space<vmem>> -> memref<1x200x32xf32, #tpu.memory_space<vmem>>
      %dma_start3A_1684 = tpu.memref_squeeze %dma_start3A_1683 : memref<1x200x32xf32, #tpu.memory_space<vmem>> -> memref<200x32xf32, #tpu.memory_space<vmem>>
      tpu.enqueue_dma source(%dma_start3A_1684 : memref<200x32xf32, #tpu.memory_space<vmem>>) target(%dma_start3A_1680 : memref<200x32xf32, #tpu.memory_space<hbm>>) target_semaphore(%arg21 : memref<!tpu.dma_semaphore, #tpu.memory_space<semaphore_mem>>)
      %sub3A_1685 = arith.constant 4 : i32
      %sub3A_1686 = arith.subi %add3A_1649, %sub3A_1685 : i32
      %add3A_1687 = arith.addi %mul3A_2, %sub3A_1686 : i32
      %dma_wait3A_1688 = arith.constant 2 : i32
      %dma_wait3A_1689 = arith.constant 0 : i32
      %dma_wait3A_1690 = arith.constant 0 : i32
      %dma_wait3A_1691 = tpu.memref_slice %arg6[%dma_wait3A_1688, %dma_wait3A_1689, %dma_wait3A_1690] : memref<8x200x32xf32, #tpu.memory_space<vmem>> -> memref<1x200x32xf32, #tpu.memory_space<vmem>>
      %dma_wait3A_1692 = tpu.memref_squeeze %dma_wait3A_1691 : memref<1x200x32xf32, #tpu.memory_space<vmem>> -> memref<200x32xf32, #tpu.memory_space<vmem>>
      %dma_wait3A_1693 = arith.constant 0 : i32
      %dma_wait3A_1694 = arith.constant 0 : i32
      %dma_wait3A_1695 = tpu.memref_slice %arg4[%add3A_1687, %dma_wait3A_1693, %dma_wait3A_1694] : memref<4096x200x128xf32, #tpu.memory_space<hbm>> -> memref<1x200x128xf32, #tpu.memory_space<hbm>>
      %dma_wait3A_1696 = tpu.memref_squeeze %dma_wait3A_1695 : memref<1x200x128xf32, #tpu.memory_space<hbm>> -> memref<200x128xf32, #tpu.memory_space<hbm>>
      %dma_wait3A_1697 = arith.constant 0 : i32
      %dma_wait3A_1698 = arith.constant 0 : i32
      %dma_wait3A_1699 = tpu.memref_slice %dma_wait3A_1696[%dma_wait3A_1697, %dma_wait3A_1698] : memref<200x128xf32, #tpu.memory_space<hbm>> -> memref<200x32xf32, #tpu.memory_space<hbm>>
      %dma_wait3A_1700 = arith.constant 0 : i32
      %dma_wait3A_1701 = arith.constant 0 : i32
      %dma_wait3A_1702 = tpu.memref_slice %arg4[%add3A_1687, %dma_wait3A_1700, %dma_wait3A_1701] : memref<4096x200x128xf32, #tpu.memory_space<hbm>> -> memref<1x200x128xf32, #tpu.memory_space<hbm>>
      %dma_wait3A_1703 = tpu.memref_squeeze %dma_wait3A_1702 : memref<1x200x128xf32, #tpu.memory_space<hbm>> -> memref<200x128xf32, #tpu.memory_space<hbm>>
      %dma_wait3A_1704 = arith.constant 0 : i32
      %dma_wait3A_1705 = arith.constant 0 : i32
      %dma_wait3A_1706 = tpu.memref_slice %dma_wait3A_1703[%dma_wait3A_1704, %dma_wait3A_1705] : memref<200x128xf32, #tpu.memory_space<hbm>> -> memref<200x32xf32, #tpu.memory_space<hbm>>
      %dma_wait3A_1707 = arith.constant 0 : i32
      %dma_wait3A_1708 = arith.constant 0 : i32
      %dma_wait3A_1709 = tpu.memref_slice %arg6[%dma_wait3A_1688, %dma_wait3A_1707, %dma_wait3A_1708] : memref<8x200x32xf32, #tpu.memory_space<vmem>> -> memref<1x200x32xf32, #tpu.memory_space<vmem>>
      %dma_wait3A_1710 = tpu.memref_squeeze %dma_wait3A_1709 : memref<1x200x32xf32, #tpu.memory_space<vmem>> -> memref<200x32xf32, #tpu.memory_space<vmem>>
      tpu.wait_dma2 semaphore(%arg17 : memref<!tpu.dma_semaphore, #tpu.memory_space<semaphore_mem>>) src(%dma_wait3A_1710 : memref<200x32xf32, #tpu.memory_space<vmem>>) dst(%dma_wait3A_1706 : memref<200x32xf32, #tpu.memory_space<hbm>>)
      %add3A_1711 = arith.constant 4 : i32
      %add3A_1712 = arith.addi %add3A_1649, %add3A_1711 : i32
      %dma_start3A_1713 = arith.constant 2 : i32
      %dma_start3A_1714 = arith.constant 0 : i32
      %dma_start3A_1715 = arith.constant 0 : i32
      %dma_start3A_1716 = tpu.memref_slice %arg6[%dma_start3A_1713, %dma_start3A_1714, %dma_start3A_1715] : memref<8x200x32xf32, #tpu.memory_space<vmem>> -> memref<1x200x32xf32, #tpu.memory_space<vmem>>
      %dma_start3A_1717 = tpu.memref_squeeze %dma_start3A_1716 : memref<1x200x32xf32, #tpu.memory_space<vmem>> -> memref<200x32xf32, #tpu.memory_space<vmem>>
      %dma_start3A_1718 = arith.constant 0 : i32
      %dma_start3A_1719 = tpu.memref_slice %arg5[%add3A_1712, %dma_start3A_1718] : memref<128x200xi32, #tpu.memory_space<vmem>> -> memref<1x200xi32, #tpu.memory_space<vmem>>
      %dma_start3A_1720 = tpu.memref_squeeze %dma_start3A_1719 : memref<1x200xi32, #tpu.memory_space<vmem>> -> memref<200xi32, #tpu.memory_space<vmem>>
      %dma_start3A_1721 = arith.constant 0 : i32
      %dma_start3A_1722 = arith.constant 0 : i32
      %dma_start3A_1723 = tpu.memref_slice %arg2[%dma_start3A_1721, %dma_start3A_1722] : memref<1000000x32xf32, #tpu.memory_space<hbm>> -> memref<1000000x32xf32, #tpu.memory_space<hbm>>
      tpu.enqueue_indirect_dma source(%dma_start3A_1723 : memref<1000000x32xf32, #tpu.memory_space<hbm>>) target(%dma_start3A_1717 : memref<200x32xf32, #tpu.memory_space<vmem>>) offsets(%dma_start3A_1720 : memref<200xi32, #tpu.memory_space<vmem>>) semaphore(%arg9 : memref<!tpu.dma_semaphore, #tpu.memory_space<semaphore_mem>>)
      %add3A_1724 = arith.constant 7 : i32
      %add3A_1725 = arith.addi %mul3A_1192, %add3A_1724 : i32
      %dma_wait3A_1726 = arith.constant 7 : i32
      %dma_wait3A_1727 = arith.constant 0 : i32
      %dma_wait3A_1728 = arith.constant 0 : i32
      %dma_wait3A_1729 = tpu.memref_slice %arg6[%dma_wait3A_1726, %dma_wait3A_1727, %dma_wait3A_1728] : memref<8x200x32xf32, #tpu.memory_space<vmem>> -> memref<1x200x32xf32, #tpu.memory_space<vmem>>
      %dma_wait3A_1730 = tpu.memref_squeeze %dma_wait3A_1729 : memref<1x200x32xf32, #tpu.memory_space<vmem>> -> memref<200x32xf32, #tpu.memory_space<vmem>>
      %dma_wait3A_1731 = arith.constant 0 : i32
      %dma_wait3A_1732 = tpu.memref_slice %arg5[%add3A_1725, %dma_wait3A_1731] : memref<128x200xi32, #tpu.memory_space<vmem>> -> memref<1x200xi32, #tpu.memory_space<vmem>>
      %dma_wait3A_1733 = tpu.memref_squeeze %dma_wait3A_1732 : memref<1x200xi32, #tpu.memory_space<vmem>> -> memref<200xi32, #tpu.memory_space<vmem>>
      %dma_wait3A_1734 = arith.constant 0 : i32
      %dma_wait3A_1735 = arith.constant 0 : i32
      %dma_wait3A_1736 = tpu.memref_slice %arg2[%dma_wait3A_1734, %dma_wait3A_1735] : memref<1000000x32xf32, #tpu.memory_space<hbm>> -> memref<1000000x32xf32, #tpu.memory_space<hbm>>
      tpu.wait_indirect_dma semaphore(%arg14 : memref<!tpu.dma_semaphore, #tpu.memory_space<semaphore_mem>>) src(%dma_wait3A_1736 : memref<1000000x32xf32, #tpu.memory_space<hbm>>) dst(%dma_wait3A_1730 : memref<200x32xf32, #tpu.memory_space<vmem>>)
      %add3A_1737 = arith.addi %mul3A_2, %add3A_1725 : i32
      %dma_start3A_1738 = arith.constant 7 : i32
      %dma_start3A_1739 = arith.constant 0 : i32
      %dma_start3A_1740 = arith.constant 0 : i32
      %dma_start3A_1741 = tpu.memref_slice %arg6[%dma_start3A_1738, %dma_start3A_1739, %dma_start3A_1740] : memref<8x200x32xf32, #tpu.memory_space<vmem>> -> memref<1x200x32xf32, #tpu.memory_space<vmem>>
      %dma_start3A_1742 = tpu.memref_squeeze %dma_start3A_1741 : memref<1x200x32xf32, #tpu.memory_space<vmem>> -> memref<200x32xf32, #tpu.memory_space<vmem>>
      %dma_start3A_1743 = arith.constant 0 : i32
      %dma_start3A_1744 = arith.constant 0 : i32
      %dma_start3A_1745 = tpu.memref_slice %arg4[%add3A_1737, %dma_start3A_1743, %dma_start3A_1744] : memref<4096x200x128xf32, #tpu.memory_space<hbm>> -> memref<1x200x128xf32, #tpu.memory_space<hbm>>
      %dma_start3A_1746 = tpu.memref_squeeze %dma_start3A_1745 : memref<1x200x128xf32, #tpu.memory_space<hbm>> -> memref<200x128xf32, #tpu.memory_space<hbm>>
      %dma_start3A_1747 = arith.constant 0 : i32
      %dma_start3A_1748 = arith.constant 0 : i32
      %dma_start3A_1749 = tpu.memref_slice %dma_start3A_1746[%dma_start3A_1747, %dma_start3A_1748] : memref<200x128xf32, #tpu.memory_space<hbm>> -> memref<200x32xf32, #tpu.memory_space<hbm>>
      %dma_start3A_1750 = arith.constant 0 : i32
      %dma_start3A_1751 = arith.constant 0 : i32
      %dma_start3A_1752 = tpu.memref_slice %arg4[%add3A_1737, %dma_start3A_1750, %dma_start3A_1751] : memref<4096x200x128xf32, #tpu.memory_space<hbm>> -> memref<1x200x128xf32, #tpu.memory_space<hbm>>
      %dma_start3A_1753 = tpu.memref_squeeze %dma_start3A_1752 : memref<1x200x128xf32, #tpu.memory_space<hbm>> -> memref<200x128xf32, #tpu.memory_space<hbm>>
      %dma_start3A_1754 = arith.constant 0 : i32
      %dma_start3A_1755 = arith.constant 0 : i32
      %dma_start3A_1756 = tpu.memref_slice %dma_start3A_1753[%dma_start3A_1754, %dma_start3A_1755] : memref<200x128xf32, #tpu.memory_space<hbm>> -> memref<200x32xf32, #tpu.memory_space<hbm>>
      %dma_start3A_1757 = arith.constant 0 : i32
      %dma_start3A_1758 = arith.constant 0 : i32
      %dma_start3A_1759 = tpu.memref_slice %arg6[%dma_start3A_1738, %dma_start3A_1757, %dma_start3A_1758] : memref<8x200x32xf32, #tpu.memory_space<vmem>> -> memref<1x200x32xf32, #tpu.memory_space<vmem>>
      %dma_start3A_1760 = tpu.memref_squeeze %dma_start3A_1759 : memref<1x200x32xf32, #tpu.memory_space<vmem>> -> memref<200x32xf32, #tpu.memory_space<vmem>>
      tpu.enqueue_dma source(%dma_start3A_1760 : memref<200x32xf32, #tpu.memory_space<vmem>>) target(%dma_start3A_1756 : memref<200x32xf32, #tpu.memory_space<hbm>>) target_semaphore(%arg22 : memref<!tpu.dma_semaphore, #tpu.memory_space<semaphore_mem>>)
      %sub3A_1761 = arith.constant 4 : i32
      %sub3A_1762 = arith.subi %add3A_1725, %sub3A_1761 : i32
      %add3A_1763 = arith.addi %mul3A_2, %sub3A_1762 : i32
      %dma_wait3A_1764 = arith.constant 3 : i32
      %dma_wait3A_1765 = arith.constant 0 : i32
      %dma_wait3A_1766 = arith.constant 0 : i32
      %dma_wait3A_1767 = tpu.memref_slice %arg6[%dma_wait3A_1764, %dma_wait3A_1765, %dma_wait3A_1766] : memref<8x200x32xf32, #tpu.memory_space<vmem>> -> memref<1x200x32xf32, #tpu.memory_space<vmem>>
      %dma_wait3A_1768 = tpu.memref_squeeze %dma_wait3A_1767 : memref<1x200x32xf32, #tpu.memory_space<vmem>> -> memref<200x32xf32, #tpu.memory_space<vmem>>
      %dma_wait3A_1769 = arith.constant 0 : i32
      %dma_wait3A_1770 = arith.constant 0 : i32
      %dma_wait3A_1771 = tpu.memref_slice %arg4[%add3A_1763, %dma_wait3A_1769, %dma_wait3A_1770] : memref<4096x200x128xf32, #tpu.memory_space<hbm>> -> memref<1x200x128xf32, #tpu.memory_space<hbm>>
      %dma_wait3A_1772 = tpu.memref_squeeze %dma_wait3A_1771 : memref<1x200x128xf32, #tpu.memory_space<hbm>> -> memref<200x128xf32, #tpu.memory_space<hbm>>
      %dma_wait3A_1773 = arith.constant 0 : i32
      %dma_wait3A_1774 = arith.constant 0 : i32
      %dma_wait3A_1775 = tpu.memref_slice %dma_wait3A_1772[%dma_wait3A_1773, %dma_wait3A_1774] : memref<200x128xf32, #tpu.memory_space<hbm>> -> memref<200x32xf32, #tpu.memory_space<hbm>>
      %dma_wait3A_1776 = arith.constant 0 : i32
      %dma_wait3A_1777 = arith.constant 0 : i32
      %dma_wait3A_1778 = tpu.memref_slice %arg4[%add3A_1763, %dma_wait3A_1776, %dma_wait3A_1777] : memref<4096x200x128xf32, #tpu.memory_space<hbm>> -> memref<1x200x128xf32, #tpu.memory_space<hbm>>
      %dma_wait3A_1779 = tpu.memref_squeeze %dma_wait3A_1778 : memref<1x200x128xf32, #tpu.memory_space<hbm>> -> memref<200x128xf32, #tpu.memory_space<hbm>>
      %dma_wait3A_1780 = arith.constant 0 : i32
      %dma_wait3A_1781 = arith.constant 0 : i32
      %dma_wait3A_1782 = tpu.memref_slice %dma_wait3A_1779[%dma_wait3A_1780, %dma_wait3A_1781] : memref<200x128xf32, #tpu.memory_space<hbm>> -> memref<200x32xf32, #tpu.memory_space<hbm>>
      %dma_wait3A_1783 = arith.constant 0 : i32
      %dma_wait3A_1784 = arith.constant 0 : i32
      %dma_wait3A_1785 = tpu.memref_slice %arg6[%dma_wait3A_1764, %dma_wait3A_1783, %dma_wait3A_1784] : memref<8x200x32xf32, #tpu.memory_space<vmem>> -> memref<1x200x32xf32, #tpu.memory_space<vmem>>
      %dma_wait3A_1786 = tpu.memref_squeeze %dma_wait3A_1785 : memref<1x200x32xf32, #tpu.memory_space<vmem>> -> memref<200x32xf32, #tpu.memory_space<vmem>>
      tpu.wait_dma2 semaphore(%arg18 : memref<!tpu.dma_semaphore, #tpu.memory_space<semaphore_mem>>) src(%dma_wait3A_1786 : memref<200x32xf32, #tpu.memory_space<vmem>>) dst(%dma_wait3A_1782 : memref<200x32xf32, #tpu.memory_space<hbm>>)
      %add3A_1787 = arith.constant 4 : i32
      %add3A_1788 = arith.addi %add3A_1725, %add3A_1787 : i32
      %dma_start3A_1789 = arith.constant 3 : i32
      %dma_start3A_1790 = arith.constant 0 : i32
      %dma_start3A_1791 = arith.constant 0 : i32
      %dma_start3A_1792 = tpu.memref_slice %arg6[%dma_start3A_1789, %dma_start3A_1790, %dma_start3A_1791] : memref<8x200x32xf32, #tpu.memory_space<vmem>> -> memref<1x200x32xf32, #tpu.memory_space<vmem>>
      %dma_start3A_1793 = tpu.memref_squeeze %dma_start3A_1792 : memref<1x200x32xf32, #tpu.memory_space<vmem>> -> memref<200x32xf32, #tpu.memory_space<vmem>>
      %dma_start3A_1794 = arith.constant 0 : i32
      %dma_start3A_1795 = tpu.memref_slice %arg5[%add3A_1788, %dma_start3A_1794] : memref<128x200xi32, #tpu.memory_space<vmem>> -> memref<1x200xi32, #tpu.memory_space<vmem>>
      %dma_start3A_1796 = tpu.memref_squeeze %dma_start3A_1795 : memref<1x200xi32, #tpu.memory_space<vmem>> -> memref<200xi32, #tpu.memory_space<vmem>>
      %dma_start3A_1797 = arith.constant 0 : i32
      %dma_start3A_1798 = arith.constant 0 : i32
      %dma_start3A_1799 = tpu.memref_slice %arg2[%dma_start3A_1797, %dma_start3A_1798] : memref<1000000x32xf32, #tpu.memory_space<hbm>> -> memref<1000000x32xf32, #tpu.memory_space<hbm>>
      tpu.enqueue_indirect_dma source(%dma_start3A_1799 : memref<1000000x32xf32, #tpu.memory_space<hbm>>) target(%dma_start3A_1793 : memref<200x32xf32, #tpu.memory_space<vmem>>) offsets(%dma_start3A_1796 : memref<200xi32, #tpu.memory_space<vmem>>) semaphore(%arg10 : memref<!tpu.dma_semaphore, #tpu.memory_space<semaphore_mem>>)
    }
    %scan3A_545 = arith.constant 14 : i32
    %dma_wait3A_546 = arith.constant 120 : i32
    %dma_wait3A_547 = arith.constant 0 : i32
    %dma_wait3A_548 = arith.constant 0 : i32
    %dma_wait3A_549 = arith.constant 0 : i32
    %dma_wait3A_550 = tpu.memref_slice %arg6[%dma_wait3A_547, %dma_wait3A_548, %dma_wait3A_549] : memref<8x200x32xf32, #tpu.memory_space<vmem>> -> memref<1x200x32xf32, #tpu.memory_space<vmem>>
    %dma_wait3A_551 = tpu.memref_squeeze %dma_wait3A_550 : memref<1x200x32xf32, #tpu.memory_space<vmem>> -> memref<200x32xf32, #tpu.memory_space<vmem>>
    %dma_wait3A_552 = arith.constant 0 : i32
    %dma_wait3A_553 = tpu.memref_slice %arg5[%dma_wait3A_546, %dma_wait3A_552] : memref<128x200xi32, #tpu.memory_space<vmem>> -> memref<1x200xi32, #tpu.memory_space<vmem>>
    %dma_wait3A_554 = tpu.memref_squeeze %dma_wait3A_553 : memref<1x200xi32, #tpu.memory_space<vmem>> -> memref<200xi32, #tpu.memory_space<vmem>>
    %dma_wait3A_555 = arith.constant 0 : i32
    %dma_wait3A_556 = arith.constant 0 : i32
    %dma_wait3A_557 = tpu.memref_slice %arg2[%dma_wait3A_555, %dma_wait3A_556] : memref<1000000x32xf32, #tpu.memory_space<hbm>> -> memref<1000000x32xf32, #tpu.memory_space<hbm>>
    tpu.wait_indirect_dma semaphore(%arg7 : memref<!tpu.dma_semaphore, #tpu.memory_space<semaphore_mem>>) src(%dma_wait3A_557 : memref<1000000x32xf32, #tpu.memory_space<hbm>>) dst(%dma_wait3A_551 : memref<200x32xf32, #tpu.memory_space<vmem>>)
    %add3A_558 = arith.constant 120 : i32
    %add3A_559 = arith.addi %mul3A_2, %add3A_558 : i32
    %dma_start3A_560 = arith.constant 0 : i32
    %dma_start3A_561 = arith.constant 0 : i32
    %dma_start3A_562 = arith.constant 0 : i32
    %dma_start3A_563 = tpu.memref_slice %arg6[%dma_start3A_560, %dma_start3A_561, %dma_start3A_562] : memref<8x200x32xf32, #tpu.memory_space<vmem>> -> memref<1x200x32xf32, #tpu.memory_space<vmem>>
    %dma_start3A_564 = tpu.memref_squeeze %dma_start3A_563 : memref<1x200x32xf32, #tpu.memory_space<vmem>> -> memref<200x32xf32, #tpu.memory_space<vmem>>
    %dma_start3A_565 = arith.constant 0 : i32
    %dma_start3A_566 = arith.constant 0 : i32
    %dma_start3A_567 = tpu.memref_slice %arg4[%add3A_559, %dma_start3A_565, %dma_start3A_566] : memref<4096x200x128xf32, #tpu.memory_space<hbm>> -> memref<1x200x128xf32, #tpu.memory_space<hbm>>
    %dma_start3A_568 = tpu.memref_squeeze %dma_start3A_567 : memref<1x200x128xf32, #tpu.memory_space<hbm>> -> memref<200x128xf32, #tpu.memory_space<hbm>>
    %dma_start3A_569 = arith.constant 0 : i32
    %dma_start3A_570 = arith.constant 0 : i32
    %dma_start3A_571 = tpu.memref_slice %dma_start3A_568[%dma_start3A_569, %dma_start3A_570] : memref<200x128xf32, #tpu.memory_space<hbm>> -> memref<200x32xf32, #tpu.memory_space<hbm>>
    %dma_start3A_572 = arith.constant 0 : i32
    %dma_start3A_573 = arith.constant 0 : i32
    %dma_start3A_574 = tpu.memref_slice %arg4[%add3A_559, %dma_start3A_572, %dma_start3A_573] : memref<4096x200x128xf32, #tpu.memory_space<hbm>> -> memref<1x200x128xf32, #tpu.memory_space<hbm>>
    %dma_start3A_575 = tpu.memref_squeeze %dma_start3A_574 : memref<1x200x128xf32, #tpu.memory_space<hbm>> -> memref<200x128xf32, #tpu.memory_space<hbm>>
    %dma_start3A_576 = arith.constant 0 : i32
    %dma_start3A_577 = arith.constant 0 : i32
    %dma_start3A_578 = tpu.memref_slice %dma_start3A_575[%dma_start3A_576, %dma_start3A_577] : memref<200x128xf32, #tpu.memory_space<hbm>> -> memref<200x32xf32, #tpu.memory_space<hbm>>
    %dma_start3A_579 = arith.constant 0 : i32
    %dma_start3A_580 = arith.constant 0 : i32
    %dma_start3A_581 = tpu.memref_slice %arg6[%dma_start3A_560, %dma_start3A_579, %dma_start3A_580] : memref<8x200x32xf32, #tpu.memory_space<vmem>> -> memref<1x200x32xf32, #tpu.memory_space<vmem>>
    %dma_start3A_582 = tpu.memref_squeeze %dma_start3A_581 : memref<1x200x32xf32, #tpu.memory_space<vmem>> -> memref<200x32xf32, #tpu.memory_space<vmem>>
    tpu.enqueue_dma source(%dma_start3A_582 : memref<200x32xf32, #tpu.memory_space<vmem>>) target(%dma_start3A_578 : memref<200x32xf32, #tpu.memory_space<hbm>>) target_semaphore(%arg15 : memref<!tpu.dma_semaphore, #tpu.memory_space<semaphore_mem>>)
    %add3A_583 = arith.constant 116 : i32
    %add3A_584 = arith.addi %mul3A_2, %add3A_583 : i32
    %dma_wait3A_585 = arith.constant 4 : i32
    %dma_wait3A_586 = arith.constant 0 : i32
    %dma_wait3A_587 = arith.constant 0 : i32
    %dma_wait3A_588 = tpu.memref_slice %arg6[%dma_wait3A_585, %dma_wait3A_586, %dma_wait3A_587] : memref<8x200x32xf32, #tpu.memory_space<vmem>> -> memref<1x200x32xf32, #tpu.memory_space<vmem>>
    %dma_wait3A_589 = tpu.memref_squeeze %dma_wait3A_588 : memref<1x200x32xf32, #tpu.memory_space<vmem>> -> memref<200x32xf32, #tpu.memory_space<vmem>>
    %dma_wait3A_590 = arith.constant 0 : i32
    %dma_wait3A_591 = arith.constant 0 : i32
    %dma_wait3A_592 = tpu.memref_slice %arg4[%add3A_584, %dma_wait3A_590, %dma_wait3A_591] : memref<4096x200x128xf32, #tpu.memory_space<hbm>> -> memref<1x200x128xf32, #tpu.memory_space<hbm>>
    %dma_wait3A_593 = tpu.memref_squeeze %dma_wait3A_592 : memref<1x200x128xf32, #tpu.memory_space<hbm>> -> memref<200x128xf32, #tpu.memory_space<hbm>>
    %dma_wait3A_594 = arith.constant 0 : i32
    %dma_wait3A_595 = arith.constant 0 : i32
    %dma_wait3A_596 = tpu.memref_slice %dma_wait3A_593[%dma_wait3A_594, %dma_wait3A_595] : memref<200x128xf32, #tpu.memory_space<hbm>> -> memref<200x32xf32, #tpu.memory_space<hbm>>
    %dma_wait3A_597 = arith.constant 0 : i32
    %dma_wait3A_598 = arith.constant 0 : i32
    %dma_wait3A_599 = tpu.memref_slice %arg4[%add3A_584, %dma_wait3A_597, %dma_wait3A_598] : memref<4096x200x128xf32, #tpu.memory_space<hbm>> -> memref<1x200x128xf32, #tpu.memory_space<hbm>>
    %dma_wait3A_600 = tpu.memref_squeeze %dma_wait3A_599 : memref<1x200x128xf32, #tpu.memory_space<hbm>> -> memref<200x128xf32, #tpu.memory_space<hbm>>
    %dma_wait3A_601 = arith.constant 0 : i32
    %dma_wait3A_602 = arith.constant 0 : i32
    %dma_wait3A_603 = tpu.memref_slice %dma_wait3A_600[%dma_wait3A_601, %dma_wait3A_602] : memref<200x128xf32, #tpu.memory_space<hbm>> -> memref<200x32xf32, #tpu.memory_space<hbm>>
    %dma_wait3A_604 = arith.constant 0 : i32
    %dma_wait3A_605 = arith.constant 0 : i32
    %dma_wait3A_606 = tpu.memref_slice %arg6[%dma_wait3A_585, %dma_wait3A_604, %dma_wait3A_605] : memref<8x200x32xf32, #tpu.memory_space<vmem>> -> memref<1x200x32xf32, #tpu.memory_space<vmem>>
    %dma_wait3A_607 = tpu.memref_squeeze %dma_wait3A_606 : memref<1x200x32xf32, #tpu.memory_space<vmem>> -> memref<200x32xf32, #tpu.memory_space<vmem>>
    tpu.wait_dma2 semaphore(%arg19 : memref<!tpu.dma_semaphore, #tpu.memory_space<semaphore_mem>>) src(%dma_wait3A_607 : memref<200x32xf32, #tpu.memory_space<vmem>>) dst(%dma_wait3A_603 : memref<200x32xf32, #tpu.memory_space<hbm>>)
    %dma_start3A_608 = arith.constant 124 : i32
    %dma_start3A_609 = arith.constant 4 : i32
    %dma_start3A_610 = arith.constant 0 : i32
    %dma_start3A_611 = arith.constant 0 : i32
    %dma_start3A_612 = tpu.memref_slice %arg6[%dma_start3A_609, %dma_start3A_610, %dma_start3A_611] : memref<8x200x32xf32, #tpu.memory_space<vmem>> -> memref<1x200x32xf32, #tpu.memory_space<vmem>>
    %dma_start3A_613 = tpu.memref_squeeze %dma_start3A_612 : memref<1x200x32xf32, #tpu.memory_space<vmem>> -> memref<200x32xf32, #tpu.memory_space<vmem>>
    %dma_start3A_614 = arith.constant 0 : i32
    %dma_start3A_615 = tpu.memref_slice %arg5[%dma_start3A_608, %dma_start3A_614] : memref<128x200xi32, #tpu.memory_space<vmem>> -> memref<1x200xi32, #tpu.memory_space<vmem>>
    %dma_start3A_616 = tpu.memref_squeeze %dma_start3A_615 : memref<1x200xi32, #tpu.memory_space<vmem>> -> memref<200xi32, #tpu.memory_space<vmem>>
    %dma_start3A_617 = arith.constant 0 : i32
    %dma_start3A_618 = arith.constant 0 : i32
    %dma_start3A_619 = tpu.memref_slice %arg2[%dma_start3A_617, %dma_start3A_618] : memref<1000000x32xf32, #tpu.memory_space<hbm>> -> memref<1000000x32xf32, #tpu.memory_space<hbm>>
    tpu.enqueue_indirect_dma source(%dma_start3A_619 : memref<1000000x32xf32, #tpu.memory_space<hbm>>) target(%dma_start3A_613 : memref<200x32xf32, #tpu.memory_space<vmem>>) offsets(%dma_start3A_616 : memref<200xi32, #tpu.memory_space<vmem>>) semaphore(%arg11 : memref<!tpu.dma_semaphore, #tpu.memory_space<semaphore_mem>>)
    %dma_wait3A_620 = arith.constant 121 : i32
    %dma_wait3A_621 = arith.constant 1 : i32
    %dma_wait3A_622 = arith.constant 0 : i32
    %dma_wait3A_623 = arith.constant 0 : i32
    %dma_wait3A_624 = tpu.memref_slice %arg6[%dma_wait3A_621, %dma_wait3A_622, %dma_wait3A_623] : memref<8x200x32xf32, #tpu.memory_space<vmem>> -> memref<1x200x32xf32, #tpu.memory_space<vmem>>
    %dma_wait3A_625 = tpu.memref_squeeze %dma_wait3A_624 : memref<1x200x32xf32, #tpu.memory_space<vmem>> -> memref<200x32xf32, #tpu.memory_space<vmem>>
    %dma_wait3A_626 = arith.constant 0 : i32
    %dma_wait3A_627 = tpu.memref_slice %arg5[%dma_wait3A_620, %dma_wait3A_626] : memref<128x200xi32, #tpu.memory_space<vmem>> -> memref<1x200xi32, #tpu.memory_space<vmem>>
    %dma_wait3A_628 = tpu.memref_squeeze %dma_wait3A_627 : memref<1x200xi32, #tpu.memory_space<vmem>> -> memref<200xi32, #tpu.memory_space<vmem>>
    %dma_wait3A_629 = arith.constant 0 : i32
    %dma_wait3A_630 = arith.constant 0 : i32
    %dma_wait3A_631 = tpu.memref_slice %arg2[%dma_wait3A_629, %dma_wait3A_630] : memref<1000000x32xf32, #tpu.memory_space<hbm>> -> memref<1000000x32xf32, #tpu.memory_space<hbm>>
    tpu.wait_indirect_dma semaphore(%arg8 : memref<!tpu.dma_semaphore, #tpu.memory_space<semaphore_mem>>) src(%dma_wait3A_631 : memref<1000000x32xf32, #tpu.memory_space<hbm>>) dst(%dma_wait3A_625 : memref<200x32xf32, #tpu.memory_space<vmem>>)
    %add3A_632 = arith.constant 121 : i32
    %add3A_633 = arith.addi %mul3A_2, %add3A_632 : i32
    %dma_start3A_634 = arith.constant 1 : i32
    %dma_start3A_635 = arith.constant 0 : i32
    %dma_start3A_636 = arith.constant 0 : i32
    %dma_start3A_637 = tpu.memref_slice %arg6[%dma_start3A_634, %dma_start3A_635, %dma_start3A_636] : memref<8x200x32xf32, #tpu.memory_space<vmem>> -> memref<1x200x32xf32, #tpu.memory_space<vmem>>
    %dma_start3A_638 = tpu.memref_squeeze %dma_start3A_637 : memref<1x200x32xf32, #tpu.memory_space<vmem>> -> memref<200x32xf32, #tpu.memory_space<vmem>>
    %dma_start3A_639 = arith.constant 0 : i32
    %dma_start3A_640 = arith.constant 0 : i32
    %dma_start3A_641 = tpu.memref_slice %arg4[%add3A_633, %dma_start3A_639, %dma_start3A_640] : memref<4096x200x128xf32, #tpu.memory_space<hbm>> -> memref<1x200x128xf32, #tpu.memory_space<hbm>>
    %dma_start3A_642 = tpu.memref_squeeze %dma_start3A_641 : memref<1x200x128xf32, #tpu.memory_space<hbm>> -> memref<200x128xf32, #tpu.memory_space<hbm>>
    %dma_start3A_643 = arith.constant 0 : i32
    %dma_start3A_644 = arith.constant 0 : i32
    %dma_start3A_645 = tpu.memref_slice %dma_start3A_642[%dma_start3A_643, %dma_start3A_644] : memref<200x128xf32, #tpu.memory_space<hbm>> -> memref<200x32xf32, #tpu.memory_space<hbm>>
    %dma_start3A_646 = arith.constant 0 : i32
    %dma_start3A_647 = arith.constant 0 : i32
    %dma_start3A_648 = tpu.memref_slice %arg4[%add3A_633, %dma_start3A_646, %dma_start3A_647] : memref<4096x200x128xf32, #tpu.memory_space<hbm>> -> memref<1x200x128xf32, #tpu.memory_space<hbm>>
    %dma_start3A_649 = tpu.memref_squeeze %dma_start3A_648 : memref<1x200x128xf32, #tpu.memory_space<hbm>> -> memref<200x128xf32, #tpu.memory_space<hbm>>
    %dma_start3A_650 = arith.constant 0 : i32
    %dma_start3A_651 = arith.constant 0 : i32
    %dma_start3A_652 = tpu.memref_slice %dma_start3A_649[%dma_start3A_650, %dma_start3A_651] : memref<200x128xf32, #tpu.memory_space<hbm>> -> memref<200x32xf32, #tpu.memory_space<hbm>>
    %dma_start3A_653 = arith.constant 0 : i32
    %dma_start3A_654 = arith.constant 0 : i32
    %dma_start3A_655 = tpu.memref_slice %arg6[%dma_start3A_634, %dma_start3A_653, %dma_start3A_654] : memref<8x200x32xf32, #tpu.memory_space<vmem>> -> memref<1x200x32xf32, #tpu.memory_space<vmem>>
    %dma_start3A_656 = tpu.memref_squeeze %dma_start3A_655 : memref<1x200x32xf32, #tpu.memory_space<vmem>> -> memref<200x32xf32, #tpu.memory_space<vmem>>
    tpu.enqueue_dma source(%dma_start3A_656 : memref<200x32xf32, #tpu.memory_space<vmem>>) target(%dma_start3A_652 : memref<200x32xf32, #tpu.memory_space<hbm>>) target_semaphore(%arg16 : memref<!tpu.dma_semaphore, #tpu.memory_space<semaphore_mem>>)
    %add3A_657 = arith.constant 117 : i32
    %add3A_658 = arith.addi %mul3A_2, %add3A_657 : i32
    %dma_wait3A_659 = arith.constant 5 : i32
    %dma_wait3A_660 = arith.constant 0 : i32
    %dma_wait3A_661 = arith.constant 0 : i32
    %dma_wait3A_662 = tpu.memref_slice %arg6[%dma_wait3A_659, %dma_wait3A_660, %dma_wait3A_661] : memref<8x200x32xf32, #tpu.memory_space<vmem>> -> memref<1x200x32xf32, #tpu.memory_space<vmem>>
    %dma_wait3A_663 = tpu.memref_squeeze %dma_wait3A_662 : memref<1x200x32xf32, #tpu.memory_space<vmem>> -> memref<200x32xf32, #tpu.memory_space<vmem>>
    %dma_wait3A_664 = arith.constant 0 : i32
    %dma_wait3A_665 = arith.constant 0 : i32
    %dma_wait3A_666 = tpu.memref_slice %arg4[%add3A_658, %dma_wait3A_664, %dma_wait3A_665] : memref<4096x200x128xf32, #tpu.memory_space<hbm>> -> memref<1x200x128xf32, #tpu.memory_space<hbm>>
    %dma_wait3A_667 = tpu.memref_squeeze %dma_wait3A_666 : memref<1x200x128xf32, #tpu.memory_space<hbm>> -> memref<200x128xf32, #tpu.memory_space<hbm>>
    %dma_wait3A_668 = arith.constant 0 : i32
    %dma_wait3A_669 = arith.constant 0 : i32
    %dma_wait3A_670 = tpu.memref_slice %dma_wait3A_667[%dma_wait3A_668, %dma_wait3A_669] : memref<200x128xf32, #tpu.memory_space<hbm>> -> memref<200x32xf32, #tpu.memory_space<hbm>>
    %dma_wait3A_671 = arith.constant 0 : i32
    %dma_wait3A_672 = arith.constant 0 : i32
    %dma_wait3A_673 = tpu.memref_slice %arg4[%add3A_658, %dma_wait3A_671, %dma_wait3A_672] : memref<4096x200x128xf32, #tpu.memory_space<hbm>> -> memref<1x200x128xf32, #tpu.memory_space<hbm>>
    %dma_wait3A_674 = tpu.memref_squeeze %dma_wait3A_673 : memref<1x200x128xf32, #tpu.memory_space<hbm>> -> memref<200x128xf32, #tpu.memory_space<hbm>>
    %dma_wait3A_675 = arith.constant 0 : i32
    %dma_wait3A_676 = arith.constant 0 : i32
    %dma_wait3A_677 = tpu.memref_slice %dma_wait3A_674[%dma_wait3A_675, %dma_wait3A_676] : memref<200x128xf32, #tpu.memory_space<hbm>> -> memref<200x32xf32, #tpu.memory_space<hbm>>
    %dma_wait3A_678 = arith.constant 0 : i32
    %dma_wait3A_679 = arith.constant 0 : i32
    %dma_wait3A_680 = tpu.memref_slice %arg6[%dma_wait3A_659, %dma_wait3A_678, %dma_wait3A_679] : memref<8x200x32xf32, #tpu.memory_space<vmem>> -> memref<1x200x32xf32, #tpu.memory_space<vmem>>
    %dma_wait3A_681 = tpu.memref_squeeze %dma_wait3A_680 : memref<1x200x32xf32, #tpu.memory_space<vmem>> -> memref<200x32xf32, #tpu.memory_space<vmem>>
    tpu.wait_dma2 semaphore(%arg20 : memref<!tpu.dma_semaphore, #tpu.memory_space<semaphore_mem>>) src(%dma_wait3A_681 : memref<200x32xf32, #tpu.memory_space<vmem>>) dst(%dma_wait3A_677 : memref<200x32xf32, #tpu.memory_space<hbm>>)
    %dma_start3A_682 = arith.constant 125 : i32
    %dma_start3A_683 = arith.constant 5 : i32
    %dma_start3A_684 = arith.constant 0 : i32
    %dma_start3A_685 = arith.constant 0 : i32
    %dma_start3A_686 = tpu.memref_slice %arg6[%dma_start3A_683, %dma_start3A_684, %dma_start3A_685] : memref<8x200x32xf32, #tpu.memory_space<vmem>> -> memref<1x200x32xf32, #tpu.memory_space<vmem>>
    %dma_start3A_687 = tpu.memref_squeeze %dma_start3A_686 : memref<1x200x32xf32, #tpu.memory_space<vmem>> -> memref<200x32xf32, #tpu.memory_space<vmem>>
    %dma_start3A_688 = arith.constant 0 : i32
    %dma_start3A_689 = tpu.memref_slice %arg5[%dma_start3A_682, %dma_start3A_688] : memref<128x200xi32, #tpu.memory_space<vmem>> -> memref<1x200xi32, #tpu.memory_space<vmem>>
    %dma_start3A_690 = tpu.memref_squeeze %dma_start3A_689 : memref<1x200xi32, #tpu.memory_space<vmem>> -> memref<200xi32, #tpu.memory_space<vmem>>
    %dma_start3A_691 = arith.constant 0 : i32
    %dma_start3A_692 = arith.constant 0 : i32
    %dma_start3A_693 = tpu.memref_slice %arg2[%dma_start3A_691, %dma_start3A_692] : memref<1000000x32xf32, #tpu.memory_space<hbm>> -> memref<1000000x32xf32, #tpu.memory_space<hbm>>
    tpu.enqueue_indirect_dma source(%dma_start3A_693 : memref<1000000x32xf32, #tpu.memory_space<hbm>>) target(%dma_start3A_687 : memref<200x32xf32, #tpu.memory_space<vmem>>) offsets(%dma_start3A_690 : memref<200xi32, #tpu.memory_space<vmem>>) semaphore(%arg12 : memref<!tpu.dma_semaphore, #tpu.memory_space<semaphore_mem>>)
    %dma_wait3A_694 = arith.constant 122 : i32
    %dma_wait3A_695 = arith.constant 2 : i32
    %dma_wait3A_696 = arith.constant 0 : i32
    %dma_wait3A_697 = arith.constant 0 : i32
    %dma_wait3A_698 = tpu.memref_slice %arg6[%dma_wait3A_695, %dma_wait3A_696, %dma_wait3A_697] : memref<8x200x32xf32, #tpu.memory_space<vmem>> -> memref<1x200x32xf32, #tpu.memory_space<vmem>>
    %dma_wait3A_699 = tpu.memref_squeeze %dma_wait3A_698 : memref<1x200x32xf32, #tpu.memory_space<vmem>> -> memref<200x32xf32, #tpu.memory_space<vmem>>
    %dma_wait3A_700 = arith.constant 0 : i32
    %dma_wait3A_701 = tpu.memref_slice %arg5[%dma_wait3A_694, %dma_wait3A_700] : memref<128x200xi32, #tpu.memory_space<vmem>> -> memref<1x200xi32, #tpu.memory_space<vmem>>
    %dma_wait3A_702 = tpu.memref_squeeze %dma_wait3A_701 : memref<1x200xi32, #tpu.memory_space<vmem>> -> memref<200xi32, #tpu.memory_space<vmem>>
    %dma_wait3A_703 = arith.constant 0 : i32
    %dma_wait3A_704 = arith.constant 0 : i32
    %dma_wait3A_705 = tpu.memref_slice %arg2[%dma_wait3A_703, %dma_wait3A_704] : memref<1000000x32xf32, #tpu.memory_space<hbm>> -> memref<1000000x32xf32, #tpu.memory_space<hbm>>
    tpu.wait_indirect_dma semaphore(%arg9 : memref<!tpu.dma_semaphore, #tpu.memory_space<semaphore_mem>>) src(%dma_wait3A_705 : memref<1000000x32xf32, #tpu.memory_space<hbm>>) dst(%dma_wait3A_699 : memref<200x32xf32, #tpu.memory_space<vmem>>)
    %add3A_706 = arith.constant 122 : i32
    %add3A_707 = arith.addi %mul3A_2, %add3A_706 : i32
    %dma_start3A_708 = arith.constant 2 : i32
    %dma_start3A_709 = arith.constant 0 : i32
    %dma_start3A_710 = arith.constant 0 : i32
    %dma_start3A_711 = tpu.memref_slice %arg6[%dma_start3A_708, %dma_start3A_709, %dma_start3A_710] : memref<8x200x32xf32, #tpu.memory_space<vmem>> -> memref<1x200x32xf32, #tpu.memory_space<vmem>>
    %dma_start3A_712 = tpu.memref_squeeze %dma_start3A_711 : memref<1x200x32xf32, #tpu.memory_space<vmem>> -> memref<200x32xf32, #tpu.memory_space<vmem>>
    %dma_start3A_713 = arith.constant 0 : i32
    %dma_start3A_714 = arith.constant 0 : i32
    %dma_start3A_715 = tpu.memref_slice %arg4[%add3A_707, %dma_start3A_713, %dma_start3A_714] : memref<4096x200x128xf32, #tpu.memory_space<hbm>> -> memref<1x200x128xf32, #tpu.memory_space<hbm>>
    %dma_start3A_716 = tpu.memref_squeeze %dma_start3A_715 : memref<1x200x128xf32, #tpu.memory_space<hbm>> -> memref<200x128xf32, #tpu.memory_space<hbm>>
    %dma_start3A_717 = arith.constant 0 : i32
    %dma_start3A_718 = arith.constant 0 : i32
    %dma_start3A_719 = tpu.memref_slice %dma_start3A_716[%dma_start3A_717, %dma_start3A_718] : memref<200x128xf32, #tpu.memory_space<hbm>> -> memref<200x32xf32, #tpu.memory_space<hbm>>
    %dma_start3A_720 = arith.constant 0 : i32
    %dma_start3A_721 = arith.constant 0 : i32
    %dma_start3A_722 = tpu.memref_slice %arg4[%add3A_707, %dma_start3A_720, %dma_start3A_721] : memref<4096x200x128xf32, #tpu.memory_space<hbm>> -> memref<1x200x128xf32, #tpu.memory_space<hbm>>
    %dma_start3A_723 = tpu.memref_squeeze %dma_start3A_722 : memref<1x200x128xf32, #tpu.memory_space<hbm>> -> memref<200x128xf32, #tpu.memory_space<hbm>>
    %dma_start3A_724 = arith.constant 0 : i32
    %dma_start3A_725 = arith.constant 0 : i32
    %dma_start3A_726 = tpu.memref_slice %dma_start3A_723[%dma_start3A_724, %dma_start3A_725] : memref<200x128xf32, #tpu.memory_space<hbm>> -> memref<200x32xf32, #tpu.memory_space<hbm>>
    %dma_start3A_727 = arith.constant 0 : i32
    %dma_start3A_728 = arith.constant 0 : i32
    %dma_start3A_729 = tpu.memref_slice %arg6[%dma_start3A_708, %dma_start3A_727, %dma_start3A_728] : memref<8x200x32xf32, #tpu.memory_space<vmem>> -> memref<1x200x32xf32, #tpu.memory_space<vmem>>
    %dma_start3A_730 = tpu.memref_squeeze %dma_start3A_729 : memref<1x200x32xf32, #tpu.memory_space<vmem>> -> memref<200x32xf32, #tpu.memory_space<vmem>>
    tpu.enqueue_dma source(%dma_start3A_730 : memref<200x32xf32, #tpu.memory_space<vmem>>) target(%dma_start3A_726 : memref<200x32xf32, #tpu.memory_space<hbm>>) target_semaphore(%arg17 : memref<!tpu.dma_semaphore, #tpu.memory_space<semaphore_mem>>)
    %add3A_731 = arith.constant 118 : i32
    %add3A_732 = arith.addi %mul3A_2, %add3A_731 : i32
    %dma_wait3A_733 = arith.constant 6 : i32
    %dma_wait3A_734 = arith.constant 0 : i32
    %dma_wait3A_735 = arith.constant 0 : i32
    %dma_wait3A_736 = tpu.memref_slice %arg6[%dma_wait3A_733, %dma_wait3A_734, %dma_wait3A_735] : memref<8x200x32xf32, #tpu.memory_space<vmem>> -> memref<1x200x32xf32, #tpu.memory_space<vmem>>
    %dma_wait3A_737 = tpu.memref_squeeze %dma_wait3A_736 : memref<1x200x32xf32, #tpu.memory_space<vmem>> -> memref<200x32xf32, #tpu.memory_space<vmem>>
    %dma_wait3A_738 = arith.constant 0 : i32
    %dma_wait3A_739 = arith.constant 0 : i32
    %dma_wait3A_740 = tpu.memref_slice %arg4[%add3A_732, %dma_wait3A_738, %dma_wait3A_739] : memref<4096x200x128xf32, #tpu.memory_space<hbm>> -> memref<1x200x128xf32, #tpu.memory_space<hbm>>
    %dma_wait3A_741 = tpu.memref_squeeze %dma_wait3A_740 : memref<1x200x128xf32, #tpu.memory_space<hbm>> -> memref<200x128xf32, #tpu.memory_space<hbm>>
    %dma_wait3A_742 = arith.constant 0 : i32
    %dma_wait3A_743 = arith.constant 0 : i32
    %dma_wait3A_744 = tpu.memref_slice %dma_wait3A_741[%dma_wait3A_742, %dma_wait3A_743] : memref<200x128xf32, #tpu.memory_space<hbm>> -> memref<200x32xf32, #tpu.memory_space<hbm>>
    %dma_wait3A_745 = arith.constant 0 : i32
    %dma_wait3A_746 = arith.constant 0 : i32
    %dma_wait3A_747 = tpu.memref_slice %arg4[%add3A_732, %dma_wait3A_745, %dma_wait3A_746] : memref<4096x200x128xf32, #tpu.memory_space<hbm>> -> memref<1x200x128xf32, #tpu.memory_space<hbm>>
    %dma_wait3A_748 = tpu.memref_squeeze %dma_wait3A_747 : memref<1x200x128xf32, #tpu.memory_space<hbm>> -> memref<200x128xf32, #tpu.memory_space<hbm>>
    %dma_wait3A_749 = arith.constant 0 : i32
    %dma_wait3A_750 = arith.constant 0 : i32
    %dma_wait3A_751 = tpu.memref_slice %dma_wait3A_748[%dma_wait3A_749, %dma_wait3A_750] : memref<200x128xf32, #tpu.memory_space<hbm>> -> memref<200x32xf32, #tpu.memory_space<hbm>>
    %dma_wait3A_752 = arith.constant 0 : i32
    %dma_wait3A_753 = arith.constant 0 : i32
    %dma_wait3A_754 = tpu.memref_slice %arg6[%dma_wait3A_733, %dma_wait3A_752, %dma_wait3A_753] : memref<8x200x32xf32, #tpu.memory_space<vmem>> -> memref<1x200x32xf32, #tpu.memory_space<vmem>>
    %dma_wait3A_755 = tpu.memref_squeeze %dma_wait3A_754 : memref<1x200x32xf32, #tpu.memory_space<vmem>> -> memref<200x32xf32, #tpu.memory_space<vmem>>
    tpu.wait_dma2 semaphore(%arg21 : memref<!tpu.dma_semaphore, #tpu.memory_space<semaphore_mem>>) src(%dma_wait3A_755 : memref<200x32xf32, #tpu.memory_space<vmem>>) dst(%dma_wait3A_751 : memref<200x32xf32, #tpu.memory_space<hbm>>)
    %dma_start3A_756 = arith.constant 126 : i32
    %dma_start3A_757 = arith.constant 6 : i32
    %dma_start3A_758 = arith.constant 0 : i32
    %dma_start3A_759 = arith.constant 0 : i32
    %dma_start3A_760 = tpu.memref_slice %arg6[%dma_start3A_757, %dma_start3A_758, %dma_start3A_759] : memref<8x200x32xf32, #tpu.memory_space<vmem>> -> memref<1x200x32xf32, #tpu.memory_space<vmem>>
    %dma_start3A_761 = tpu.memref_squeeze %dma_start3A_760 : memref<1x200x32xf32, #tpu.memory_space<vmem>> -> memref<200x32xf32, #tpu.memory_space<vmem>>
    %dma_start3A_762 = arith.constant 0 : i32
    %dma_start3A_763 = tpu.memref_slice %arg5[%dma_start3A_756, %dma_start3A_762] : memref<128x200xi32, #tpu.memory_space<vmem>> -> memref<1x200xi32, #tpu.memory_space<vmem>>
    %dma_start3A_764 = tpu.memref_squeeze %dma_start3A_763 : memref<1x200xi32, #tpu.memory_space<vmem>> -> memref<200xi32, #tpu.memory_space<vmem>>
    %dma_start3A_765 = arith.constant 0 : i32
    %dma_start3A_766 = arith.constant 0 : i32
    %dma_start3A_767 = tpu.memref_slice %arg2[%dma_start3A_765, %dma_start3A_766] : memref<1000000x32xf32, #tpu.memory_space<hbm>> -> memref<1000000x32xf32, #tpu.memory_space<hbm>>
    tpu.enqueue_indirect_dma source(%dma_start3A_767 : memref<1000000x32xf32, #tpu.memory_space<hbm>>) target(%dma_start3A_761 : memref<200x32xf32, #tpu.memory_space<vmem>>) offsets(%dma_start3A_764 : memref<200xi32, #tpu.memory_space<vmem>>) semaphore(%arg13 : memref<!tpu.dma_semaphore, #tpu.memory_space<semaphore_mem>>)
    %dma_wait3A_768 = arith.constant 123 : i32
    %dma_wait3A_769 = arith.constant 3 : i32
    %dma_wait3A_770 = arith.constant 0 : i32
    %dma_wait3A_771 = arith.constant 0 : i32
    %dma_wait3A_772 = tpu.memref_slice %arg6[%dma_wait3A_769, %dma_wait3A_770, %dma_wait3A_771] : memref<8x200x32xf32, #tpu.memory_space<vmem>> -> memref<1x200x32xf32, #tpu.memory_space<vmem>>
    %dma_wait3A_773 = tpu.memref_squeeze %dma_wait3A_772 : memref<1x200x32xf32, #tpu.memory_space<vmem>> -> memref<200x32xf32, #tpu.memory_space<vmem>>
    %dma_wait3A_774 = arith.constant 0 : i32
    %dma_wait3A_775 = tpu.memref_slice %arg5[%dma_wait3A_768, %dma_wait3A_774] : memref<128x200xi32, #tpu.memory_space<vmem>> -> memref<1x200xi32, #tpu.memory_space<vmem>>
    %dma_wait3A_776 = tpu.memref_squeeze %dma_wait3A_775 : memref<1x200xi32, #tpu.memory_space<vmem>> -> memref<200xi32, #tpu.memory_space<vmem>>
    %dma_wait3A_777 = arith.constant 0 : i32
    %dma_wait3A_778 = arith.constant 0 : i32
    %dma_wait3A_779 = tpu.memref_slice %arg2[%dma_wait3A_777, %dma_wait3A_778] : memref<1000000x32xf32, #tpu.memory_space<hbm>> -> memref<1000000x32xf32, #tpu.memory_space<hbm>>
    tpu.wait_indirect_dma semaphore(%arg10 : memref<!tpu.dma_semaphore, #tpu.memory_space<semaphore_mem>>) src(%dma_wait3A_779 : memref<1000000x32xf32, #tpu.memory_space<hbm>>) dst(%dma_wait3A_773 : memref<200x32xf32, #tpu.memory_space<vmem>>)
    %add3A_780 = arith.constant 123 : i32
    %add3A_781 = arith.addi %mul3A_2, %add3A_780 : i32
    %dma_start3A_782 = arith.constant 3 : i32
    %dma_start3A_783 = arith.constant 0 : i32
    %dma_start3A_784 = arith.constant 0 : i32
    %dma_start3A_785 = tpu.memref_slice %arg6[%dma_start3A_782, %dma_start3A_783, %dma_start3A_784] : memref<8x200x32xf32, #tpu.memory_space<vmem>> -> memref<1x200x32xf32, #tpu.memory_space<vmem>>
    %dma_start3A_786 = tpu.memref_squeeze %dma_start3A_785 : memref<1x200x32xf32, #tpu.memory_space<vmem>> -> memref<200x32xf32, #tpu.memory_space<vmem>>
    %dma_start3A_787 = arith.constant 0 : i32
    %dma_start3A_788 = arith.constant 0 : i32
    %dma_start3A_789 = tpu.memref_slice %arg4[%add3A_781, %dma_start3A_787, %dma_start3A_788] : memref<4096x200x128xf32, #tpu.memory_space<hbm>> -> memref<1x200x128xf32, #tpu.memory_space<hbm>>
    %dma_start3A_790 = tpu.memref_squeeze %dma_start3A_789 : memref<1x200x128xf32, #tpu.memory_space<hbm>> -> memref<200x128xf32, #tpu.memory_space<hbm>>
    %dma_start3A_791 = arith.constant 0 : i32
    %dma_start3A_792 = arith.constant 0 : i32
    %dma_start3A_793 = tpu.memref_slice %dma_start3A_790[%dma_start3A_791, %dma_start3A_792] : memref<200x128xf32, #tpu.memory_space<hbm>> -> memref<200x32xf32, #tpu.memory_space<hbm>>
    %dma_start3A_794 = arith.constant 0 : i32
    %dma_start3A_795 = arith.constant 0 : i32
    %dma_start3A_796 = tpu.memref_slice %arg4[%add3A_781, %dma_start3A_794, %dma_start3A_795] : memref<4096x200x128xf32, #tpu.memory_space<hbm>> -> memref<1x200x128xf32, #tpu.memory_space<hbm>>
    %dma_start3A_797 = tpu.memref_squeeze %dma_start3A_796 : memref<1x200x128xf32, #tpu.memory_space<hbm>> -> memref<200x128xf32, #tpu.memory_space<hbm>>
    %dma_start3A_798 = arith.constant 0 : i32
    %dma_start3A_799 = arith.constant 0 : i32
    %dma_start3A_800 = tpu.memref_slice %dma_start3A_797[%dma_start3A_798, %dma_start3A_799] : memref<200x128xf32, #tpu.memory_space<hbm>> -> memref<200x32xf32, #tpu.memory_space<hbm>>
    %dma_start3A_801 = arith.constant 0 : i32
    %dma_start3A_802 = arith.constant 0 : i32
    %dma_start3A_803 = tpu.memref_slice %arg6[%dma_start3A_782, %dma_start3A_801, %dma_start3A_802] : memref<8x200x32xf32, #tpu.memory_space<vmem>> -> memref<1x200x32xf32, #tpu.memory_space<vmem>>
    %dma_start3A_804 = tpu.memref_squeeze %dma_start3A_803 : memref<1x200x32xf32, #tpu.memory_space<vmem>> -> memref<200x32xf32, #tpu.memory_space<vmem>>
    tpu.enqueue_dma source(%dma_start3A_804 : memref<200x32xf32, #tpu.memory_space<vmem>>) target(%dma_start3A_800 : memref<200x32xf32, #tpu.memory_space<hbm>>) target_semaphore(%arg18 : memref<!tpu.dma_semaphore, #tpu.memory_space<semaphore_mem>>)
    %add3A_805 = arith.constant 119 : i32
    %add3A_806 = arith.addi %mul3A_2, %add3A_805 : i32
    %dma_wait3A_807 = arith.constant 7 : i32
    %dma_wait3A_808 = arith.constant 0 : i32
    %dma_wait3A_809 = arith.constant 0 : i32
    %dma_wait3A_810 = tpu.memref_slice %arg6[%dma_wait3A_807, %dma_wait3A_808, %dma_wait3A_809] : memref<8x200x32xf32, #tpu.memory_space<vmem>> -> memref<1x200x32xf32, #tpu.memory_space<vmem>>
    %dma_wait3A_811 = tpu.memref_squeeze %dma_wait3A_810 : memref<1x200x32xf32, #tpu.memory_space<vmem>> -> memref<200x32xf32, #tpu.memory_space<vmem>>
    %dma_wait3A_812 = arith.constant 0 : i32
    %dma_wait3A_813 = arith.constant 0 : i32
    %dma_wait3A_814 = tpu.memref_slice %arg4[%add3A_806, %dma_wait3A_812, %dma_wait3A_813] : memref<4096x200x128xf32, #tpu.memory_space<hbm>> -> memref<1x200x128xf32, #tpu.memory_space<hbm>>
    %dma_wait3A_815 = tpu.memref_squeeze %dma_wait3A_814 : memref<1x200x128xf32, #tpu.memory_space<hbm>> -> memref<200x128xf32, #tpu.memory_space<hbm>>
    %dma_wait3A_816 = arith.constant 0 : i32
    %dma_wait3A_817 = arith.constant 0 : i32
    %dma_wait3A_818 = tpu.memref_slice %dma_wait3A_815[%dma_wait3A_816, %dma_wait3A_817] : memref<200x128xf32, #tpu.memory_space<hbm>> -> memref<200x32xf32, #tpu.memory_space<hbm>>
    %dma_wait3A_819 = arith.constant 0 : i32
    %dma_wait3A_820 = arith.constant 0 : i32
    %dma_wait3A_821 = tpu.memref_slice %arg4[%add3A_806, %dma_wait3A_819, %dma_wait3A_820] : memref<4096x200x128xf32, #tpu.memory_space<hbm>> -> memref<1x200x128xf32, #tpu.memory_space<hbm>>
    %dma_wait3A_822 = tpu.memref_squeeze %dma_wait3A_821 : memref<1x200x128xf32, #tpu.memory_space<hbm>> -> memref<200x128xf32, #tpu.memory_space<hbm>>
    %dma_wait3A_823 = arith.constant 0 : i32
    %dma_wait3A_824 = arith.constant 0 : i32
    %dma_wait3A_825 = tpu.memref_slice %dma_wait3A_822[%dma_wait3A_823, %dma_wait3A_824] : memref<200x128xf32, #tpu.memory_space<hbm>> -> memref<200x32xf32, #tpu.memory_space<hbm>>
    %dma_wait3A_826 = arith.constant 0 : i32
    %dma_wait3A_827 = arith.constant 0 : i32
    %dma_wait3A_828 = tpu.memref_slice %arg6[%dma_wait3A_807, %dma_wait3A_826, %dma_wait3A_827] : memref<8x200x32xf32, #tpu.memory_space<vmem>> -> memref<1x200x32xf32, #tpu.memory_space<vmem>>
    %dma_wait3A_829 = tpu.memref_squeeze %dma_wait3A_828 : memref<1x200x32xf32, #tpu.memory_space<vmem>> -> memref<200x32xf32, #tpu.memory_space<vmem>>
    tpu.wait_dma2 semaphore(%arg22 : memref<!tpu.dma_semaphore, #tpu.memory_space<semaphore_mem>>) src(%dma_wait3A_829 : memref<200x32xf32, #tpu.memory_space<vmem>>) dst(%dma_wait3A_825 : memref<200x32xf32, #tpu.memory_space<hbm>>)
    %dma_start3A_830 = arith.constant 127 : i32
    %dma_start3A_831 = arith.constant 7 : i32
    %dma_start3A_832 = arith.constant 0 : i32
    %dma_start3A_833 = arith.constant 0 : i32
    %dma_start3A_834 = tpu.memref_slice %arg6[%dma_start3A_831, %dma_start3A_832, %dma_start3A_833] : memref<8x200x32xf32, #tpu.memory_space<vmem>> -> memref<1x200x32xf32, #tpu.memory_space<vmem>>
    %dma_start3A_835 = tpu.memref_squeeze %dma_start3A_834 : memref<1x200x32xf32, #tpu.memory_space<vmem>> -> memref<200x32xf32, #tpu.memory_space<vmem>>
    %dma_start3A_836 = arith.constant 0 : i32
    %dma_start3A_837 = tpu.memref_slice %arg5[%dma_start3A_830, %dma_start3A_836] : memref<128x200xi32, #tpu.memory_space<vmem>> -> memref<1x200xi32, #tpu.memory_space<vmem>>
    %dma_start3A_838 = tpu.memref_squeeze %dma_start3A_837 : memref<1x200xi32, #tpu.memory_space<vmem>> -> memref<200xi32, #tpu.memory_space<vmem>>
    %dma_start3A_839 = arith.constant 0 : i32
    %dma_start3A_840 = arith.constant 0 : i32
    %dma_start3A_841 = tpu.memref_slice %arg2[%dma_start3A_839, %dma_start3A_840] : memref<1000000x32xf32, #tpu.memory_space<hbm>> -> memref<1000000x32xf32, #tpu.memory_space<hbm>>
    tpu.enqueue_indirect_dma source(%dma_start3A_841 : memref<1000000x32xf32, #tpu.memory_space<hbm>>) target(%dma_start3A_835 : memref<200x32xf32, #tpu.memory_space<vmem>>) offsets(%dma_start3A_838 : memref<200xi32, #tpu.memory_space<vmem>>) semaphore(%arg14 : memref<!tpu.dma_semaphore, #tpu.memory_space<semaphore_mem>>)
    %dma_wait3A_842 = arith.constant 124 : i32
    %dma_wait3A_843 = arith.constant 4 : i32
    %dma_wait3A_844 = arith.constant 0 : i32
    %dma_wait3A_845 = arith.constant 0 : i32
    %dma_wait3A_846 = tpu.memref_slice %arg6[%dma_wait3A_843, %dma_wait3A_844, %dma_wait3A_845] : memref<8x200x32xf32, #tpu.memory_space<vmem>> -> memref<1x200x32xf32, #tpu.memory_space<vmem>>
    %dma_wait3A_847 = tpu.memref_squeeze %dma_wait3A_846 : memref<1x200x32xf32, #tpu.memory_space<vmem>> -> memref<200x32xf32, #tpu.memory_space<vmem>>
    %dma_wait3A_848 = arith.constant 0 : i32
    %dma_wait3A_849 = tpu.memref_slice %arg5[%dma_wait3A_842, %dma_wait3A_848] : memref<128x200xi32, #tpu.memory_space<vmem>> -> memref<1x200xi32, #tpu.memory_space<vmem>>
    %dma_wait3A_850 = tpu.memref_squeeze %dma_wait3A_849 : memref<1x200xi32, #tpu.memory_space<vmem>> -> memref<200xi32, #tpu.memory_space<vmem>>
    %dma_wait3A_851 = arith.constant 0 : i32
    %dma_wait3A_852 = arith.constant 0 : i32
    %dma_wait3A_853 = tpu.memref_slice %arg2[%dma_wait3A_851, %dma_wait3A_852] : memref<1000000x32xf32, #tpu.memory_space<hbm>> -> memref<1000000x32xf32, #tpu.memory_space<hbm>>
    tpu.wait_indirect_dma semaphore(%arg11 : memref<!tpu.dma_semaphore, #tpu.memory_space<semaphore_mem>>) src(%dma_wait3A_853 : memref<1000000x32xf32, #tpu.memory_space<hbm>>) dst(%dma_wait3A_847 : memref<200x32xf32, #tpu.memory_space<vmem>>)
    %add3A_854 = arith.constant 124 : i32
    %add3A_855 = arith.addi %mul3A_2, %add3A_854 : i32
    %dma_start3A_856 = arith.constant 4 : i32
    %dma_start3A_857 = arith.constant 0 : i32
    %dma_start3A_858 = arith.constant 0 : i32
    %dma_start3A_859 = tpu.memref_slice %arg6[%dma_start3A_856, %dma_start3A_857, %dma_start3A_858] : memref<8x200x32xf32, #tpu.memory_space<vmem>> -> memref<1x200x32xf32, #tpu.memory_space<vmem>>
    %dma_start3A_860 = tpu.memref_squeeze %dma_start3A_859 : memref<1x200x32xf32, #tpu.memory_space<vmem>> -> memref<200x32xf32, #tpu.memory_space<vmem>>
    %dma_start3A_861 = arith.constant 0 : i32
    %dma_start3A_862 = arith.constant 0 : i32
    %dma_start3A_863 = tpu.memref_slice %arg4[%add3A_855, %dma_start3A_861, %dma_start3A_862] : memref<4096x200x128xf32, #tpu.memory_space<hbm>> -> memref<1x200x128xf32, #tpu.memory_space<hbm>>
    %dma_start3A_864 = tpu.memref_squeeze %dma_start3A_863 : memref<1x200x128xf32, #tpu.memory_space<hbm>> -> memref<200x128xf32, #tpu.memory_space<hbm>>
    %dma_start3A_865 = arith.constant 0 : i32
    %dma_start3A_866 = arith.constant 0 : i32
    %dma_start3A_867 = tpu.memref_slice %dma_start3A_864[%dma_start3A_865, %dma_start3A_866] : memref<200x128xf32, #tpu.memory_space<hbm>> -> memref<200x32xf32, #tpu.memory_space<hbm>>
    %dma_start3A_868 = arith.constant 0 : i32
    %dma_start3A_869 = arith.constant 0 : i32
    %dma_start3A_870 = tpu.memref_slice %arg4[%add3A_855, %dma_start3A_868, %dma_start3A_869] : memref<4096x200x128xf32, #tpu.memory_space<hbm>> -> memref<1x200x128xf32, #tpu.memory_space<hbm>>
    %dma_start3A_871 = tpu.memref_squeeze %dma_start3A_870 : memref<1x200x128xf32, #tpu.memory_space<hbm>> -> memref<200x128xf32, #tpu.memory_space<hbm>>
    %dma_start3A_872 = arith.constant 0 : i32
    %dma_start3A_873 = arith.constant 0 : i32
    %dma_start3A_874 = tpu.memref_slice %dma_start3A_871[%dma_start3A_872, %dma_start3A_873] : memref<200x128xf32, #tpu.memory_space<hbm>> -> memref<200x32xf32, #tpu.memory_space<hbm>>
    %dma_start3A_875 = arith.constant 0 : i32
    %dma_start3A_876 = arith.constant 0 : i32
    %dma_start3A_877 = tpu.memref_slice %arg6[%dma_start3A_856, %dma_start3A_875, %dma_start3A_876] : memref<8x200x32xf32, #tpu.memory_space<vmem>> -> memref<1x200x32xf32, #tpu.memory_space<vmem>>
    %dma_start3A_878 = tpu.memref_squeeze %dma_start3A_877 : memref<1x200x32xf32, #tpu.memory_space<vmem>> -> memref<200x32xf32, #tpu.memory_space<vmem>>
    tpu.enqueue_dma source(%dma_start3A_878 : memref<200x32xf32, #tpu.memory_space<vmem>>) target(%dma_start3A_874 : memref<200x32xf32, #tpu.memory_space<hbm>>) target_semaphore(%arg19 : memref<!tpu.dma_semaphore, #tpu.memory_space<semaphore_mem>>)
    %add3A_879 = arith.constant 120 : i32
    %add3A_880 = arith.addi %mul3A_2, %add3A_879 : i32
    %dma_wait3A_881 = arith.constant 0 : i32
    %dma_wait3A_882 = arith.constant 0 : i32
    %dma_wait3A_883 = arith.constant 0 : i32
    %dma_wait3A_884 = tpu.memref_slice %arg6[%dma_wait3A_881, %dma_wait3A_882, %dma_wait3A_883] : memref<8x200x32xf32, #tpu.memory_space<vmem>> -> memref<1x200x32xf32, #tpu.memory_space<vmem>>
    %dma_wait3A_885 = tpu.memref_squeeze %dma_wait3A_884 : memref<1x200x32xf32, #tpu.memory_space<vmem>> -> memref<200x32xf32, #tpu.memory_space<vmem>>
    %dma_wait3A_886 = arith.constant 0 : i32
    %dma_wait3A_887 = arith.constant 0 : i32
    %dma_wait3A_888 = tpu.memref_slice %arg4[%add3A_880, %dma_wait3A_886, %dma_wait3A_887] : memref<4096x200x128xf32, #tpu.memory_space<hbm>> -> memref<1x200x128xf32, #tpu.memory_space<hbm>>
    %dma_wait3A_889 = tpu.memref_squeeze %dma_wait3A_888 : memref<1x200x128xf32, #tpu.memory_space<hbm>> -> memref<200x128xf32, #tpu.memory_space<hbm>>
    %dma_wait3A_890 = arith.constant 0 : i32
    %dma_wait3A_891 = arith.constant 0 : i32
    %dma_wait3A_892 = tpu.memref_slice %dma_wait3A_889[%dma_wait3A_890, %dma_wait3A_891] : memref<200x128xf32, #tpu.memory_space<hbm>> -> memref<200x32xf32, #tpu.memory_space<hbm>>
    %dma_wait3A_893 = arith.constant 0 : i32
    %dma_wait3A_894 = arith.constant 0 : i32
    %dma_wait3A_895 = tpu.memref_slice %arg4[%add3A_880, %dma_wait3A_893, %dma_wait3A_894] : memref<4096x200x128xf32, #tpu.memory_space<hbm>> -> memref<1x200x128xf32, #tpu.memory_space<hbm>>
    %dma_wait3A_896 = tpu.memref_squeeze %dma_wait3A_895 : memref<1x200x128xf32, #tpu.memory_space<hbm>> -> memref<200x128xf32, #tpu.memory_space<hbm>>
    %dma_wait3A_897 = arith.constant 0 : i32
    %dma_wait3A_898 = arith.constant 0 : i32
    %dma_wait3A_899 = tpu.memref_slice %dma_wait3A_896[%dma_wait3A_897, %dma_wait3A_898] : memref<200x128xf32, #tpu.memory_space<hbm>> -> memref<200x32xf32, #tpu.memory_space<hbm>>
    %dma_wait3A_900 = arith.constant 0 : i32
    %dma_wait3A_901 = arith.constant 0 : i32
    %dma_wait3A_902 = tpu.memref_slice %arg6[%dma_wait3A_881, %dma_wait3A_900, %dma_wait3A_901] : memref<8x200x32xf32, #tpu.memory_space<vmem>> -> memref<1x200x32xf32, #tpu.memory_space<vmem>>
    %dma_wait3A_903 = tpu.memref_squeeze %dma_wait3A_902 : memref<1x200x32xf32, #tpu.memory_space<vmem>> -> memref<200x32xf32, #tpu.memory_space<vmem>>
    tpu.wait_dma2 semaphore(%arg15 : memref<!tpu.dma_semaphore, #tpu.memory_space<semaphore_mem>>) src(%dma_wait3A_903 : memref<200x32xf32, #tpu.memory_space<vmem>>) dst(%dma_wait3A_899 : memref<200x32xf32, #tpu.memory_space<hbm>>)
    %dma_wait3A_904 = arith.constant 125 : i32
    %dma_wait3A_905 = arith.constant 5 : i32
    %dma_wait3A_906 = arith.constant 0 : i32
    %dma_wait3A_907 = arith.constant 0 : i32
    %dma_wait3A_908 = tpu.memref_slice %arg6[%dma_wait3A_905, %dma_wait3A_906, %dma_wait3A_907] : memref<8x200x32xf32, #tpu.memory_space<vmem>> -> memref<1x200x32xf32, #tpu.memory_space<vmem>>
    %dma_wait3A_909 = tpu.memref_squeeze %dma_wait3A_908 : memref<1x200x32xf32, #tpu.memory_space<vmem>> -> memref<200x32xf32, #tpu.memory_space<vmem>>
    %dma_wait3A_910 = arith.constant 0 : i32
    %dma_wait3A_911 = tpu.memref_slice %arg5[%dma_wait3A_904, %dma_wait3A_910] : memref<128x200xi32, #tpu.memory_space<vmem>> -> memref<1x200xi32, #tpu.memory_space<vmem>>
    %dma_wait3A_912 = tpu.memref_squeeze %dma_wait3A_911 : memref<1x200xi32, #tpu.memory_space<vmem>> -> memref<200xi32, #tpu.memory_space<vmem>>
    %dma_wait3A_913 = arith.constant 0 : i32
    %dma_wait3A_914 = arith.constant 0 : i32
    %dma_wait3A_915 = tpu.memref_slice %arg2[%dma_wait3A_913, %dma_wait3A_914] : memref<1000000x32xf32, #tpu.memory_space<hbm>> -> memref<1000000x32xf32, #tpu.memory_space<hbm>>
    tpu.wait_indirect_dma semaphore(%arg12 : memref<!tpu.dma_semaphore, #tpu.memory_space<semaphore_mem>>) src(%dma_wait3A_915 : memref<1000000x32xf32, #tpu.memory_space<hbm>>) dst(%dma_wait3A_909 : memref<200x32xf32, #tpu.memory_space<vmem>>)
    %add3A_916 = arith.constant 125 : i32
    %add3A_917 = arith.addi %mul3A_2, %add3A_916 : i32
    %dma_start3A_918 = arith.constant 5 : i32
    %dma_start3A_919 = arith.constant 0 : i32
    %dma_start3A_920 = arith.constant 0 : i32
    %dma_start3A_921 = tpu.memref_slice %arg6[%dma_start3A_918, %dma_start3A_919, %dma_start3A_920] : memref<8x200x32xf32, #tpu.memory_space<vmem>> -> memref<1x200x32xf32, #tpu.memory_space<vmem>>
    %dma_start3A_922 = tpu.memref_squeeze %dma_start3A_921 : memref<1x200x32xf32, #tpu.memory_space<vmem>> -> memref<200x32xf32, #tpu.memory_space<vmem>>
    %dma_start3A_923 = arith.constant 0 : i32
    %dma_start3A_924 = arith.constant 0 : i32
    %dma_start3A_925 = tpu.memref_slice %arg4[%add3A_917, %dma_start3A_923, %dma_start3A_924] : memref<4096x200x128xf32, #tpu.memory_space<hbm>> -> memref<1x200x128xf32, #tpu.memory_space<hbm>>
    %dma_start3A_926 = tpu.memref_squeeze %dma_start3A_925 : memref<1x200x128xf32, #tpu.memory_space<hbm>> -> memref<200x128xf32, #tpu.memory_space<hbm>>
    %dma_start3A_927 = arith.constant 0 : i32
    %dma_start3A_928 = arith.constant 0 : i32
    %dma_start3A_929 = tpu.memref_slice %dma_start3A_926[%dma_start3A_927, %dma_start3A_928] : memref<200x128xf32, #tpu.memory_space<hbm>> -> memref<200x32xf32, #tpu.memory_space<hbm>>
    %dma_start3A_930 = arith.constant 0 : i32
    %dma_start3A_931 = arith.constant 0 : i32
    %dma_start3A_932 = tpu.memref_slice %arg4[%add3A_917, %dma_start3A_930, %dma_start3A_931] : memref<4096x200x128xf32, #tpu.memory_space<hbm>> -> memref<1x200x128xf32, #tpu.memory_space<hbm>>
    %dma_start3A_933 = tpu.memref_squeeze %dma_start3A_932 : memref<1x200x128xf32, #tpu.memory_space<hbm>> -> memref<200x128xf32, #tpu.memory_space<hbm>>
    %dma_start3A_934 = arith.constant 0 : i32
    %dma_start3A_935 = arith.constant 0 : i32
    %dma_start3A_936 = tpu.memref_slice %dma_start3A_933[%dma_start3A_934, %dma_start3A_935] : memref<200x128xf32, #tpu.memory_space<hbm>> -> memref<200x32xf32, #tpu.memory_space<hbm>>
    %dma_start3A_937 = arith.constant 0 : i32
    %dma_start3A_938 = arith.constant 0 : i32
    %dma_start3A_939 = tpu.memref_slice %arg6[%dma_start3A_918, %dma_start3A_937, %dma_start3A_938] : memref<8x200x32xf32, #tpu.memory_space<vmem>> -> memref<1x200x32xf32, #tpu.memory_space<vmem>>
    %dma_start3A_940 = tpu.memref_squeeze %dma_start3A_939 : memref<1x200x32xf32, #tpu.memory_space<vmem>> -> memref<200x32xf32, #tpu.memory_space<vmem>>
    tpu.enqueue_dma source(%dma_start3A_940 : memref<200x32xf32, #tpu.memory_space<vmem>>) target(%dma_start3A_936 : memref<200x32xf32, #tpu.memory_space<hbm>>) target_semaphore(%arg20 : memref<!tpu.dma_semaphore, #tpu.memory_space<semaphore_mem>>)
    %add3A_941 = arith.constant 121 : i32
    %add3A_942 = arith.addi %mul3A_2, %add3A_941 : i32
    %dma_wait3A_943 = arith.constant 1 : i32
    %dma_wait3A_944 = arith.constant 0 : i32
    %dma_wait3A_945 = arith.constant 0 : i32
    %dma_wait3A_946 = tpu.memref_slice %arg6[%dma_wait3A_943, %dma_wait3A_944, %dma_wait3A_945] : memref<8x200x32xf32, #tpu.memory_space<vmem>> -> memref<1x200x32xf32, #tpu.memory_space<vmem>>
    %dma_wait3A_947 = tpu.memref_squeeze %dma_wait3A_946 : memref<1x200x32xf32, #tpu.memory_space<vmem>> -> memref<200x32xf32, #tpu.memory_space<vmem>>
    %dma_wait3A_948 = arith.constant 0 : i32
    %dma_wait3A_949 = arith.constant 0 : i32
    %dma_wait3A_950 = tpu.memref_slice %arg4[%add3A_942, %dma_wait3A_948, %dma_wait3A_949] : memref<4096x200x128xf32, #tpu.memory_space<hbm>> -> memref<1x200x128xf32, #tpu.memory_space<hbm>>
    %dma_wait3A_951 = tpu.memref_squeeze %dma_wait3A_950 : memref<1x200x128xf32, #tpu.memory_space<hbm>> -> memref<200x128xf32, #tpu.memory_space<hbm>>
    %dma_wait3A_952 = arith.constant 0 : i32
    %dma_wait3A_953 = arith.constant 0 : i32
    %dma_wait3A_954 = tpu.memref_slice %dma_wait3A_951[%dma_wait3A_952, %dma_wait3A_953] : memref<200x128xf32, #tpu.memory_space<hbm>> -> memref<200x32xf32, #tpu.memory_space<hbm>>
    %dma_wait3A_955 = arith.constant 0 : i32
    %dma_wait3A_956 = arith.constant 0 : i32
    %dma_wait3A_957 = tpu.memref_slice %arg4[%add3A_942, %dma_wait3A_955, %dma_wait3A_956] : memref<4096x200x128xf32, #tpu.memory_space<hbm>> -> memref<1x200x128xf32, #tpu.memory_space<hbm>>
    %dma_wait3A_958 = tpu.memref_squeeze %dma_wait3A_957 : memref<1x200x128xf32, #tpu.memory_space<hbm>> -> memref<200x128xf32, #tpu.memory_space<hbm>>
    %dma_wait3A_959 = arith.constant 0 : i32
    %dma_wait3A_960 = arith.constant 0 : i32
    %dma_wait3A_961 = tpu.memref_slice %dma_wait3A_958[%dma_wait3A_959, %dma_wait3A_960] : memref<200x128xf32, #tpu.memory_space<hbm>> -> memref<200x32xf32, #tpu.memory_space<hbm>>
    %dma_wait3A_962 = arith.constant 0 : i32
    %dma_wait3A_963 = arith.constant 0 : i32
    %dma_wait3A_964 = tpu.memref_slice %arg6[%dma_wait3A_943, %dma_wait3A_962, %dma_wait3A_963] : memref<8x200x32xf32, #tpu.memory_space<vmem>> -> memref<1x200x32xf32, #tpu.memory_space<vmem>>
    %dma_wait3A_965 = tpu.memref_squeeze %dma_wait3A_964 : memref<1x200x32xf32, #tpu.memory_space<vmem>> -> memref<200x32xf32, #tpu.memory_space<vmem>>
    tpu.wait_dma2 semaphore(%arg16 : memref<!tpu.dma_semaphore, #tpu.memory_space<semaphore_mem>>) src(%dma_wait3A_965 : memref<200x32xf32, #tpu.memory_space<vmem>>) dst(%dma_wait3A_961 : memref<200x32xf32, #tpu.memory_space<hbm>>)
    %dma_wait3A_966 = arith.constant 126 : i32
    %dma_wait3A_967 = arith.constant 6 : i32
    %dma_wait3A_968 = arith.constant 0 : i32
    %dma_wait3A_969 = arith.constant 0 : i32
    %dma_wait3A_970 = tpu.memref_slice %arg6[%dma_wait3A_967, %dma_wait3A_968, %dma_wait3A_969] : memref<8x200x32xf32, #tpu.memory_space<vmem>> -> memref<1x200x32xf32, #tpu.memory_space<vmem>>
    %dma_wait3A_971 = tpu.memref_squeeze %dma_wait3A_970 : memref<1x200x32xf32, #tpu.memory_space<vmem>> -> memref<200x32xf32, #tpu.memory_space<vmem>>
    %dma_wait3A_972 = arith.constant 0 : i32
    %dma_wait3A_973 = tpu.memref_slice %arg5[%dma_wait3A_966, %dma_wait3A_972] : memref<128x200xi32, #tpu.memory_space<vmem>> -> memref<1x200xi32, #tpu.memory_space<vmem>>
    %dma_wait3A_974 = tpu.memref_squeeze %dma_wait3A_973 : memref<1x200xi32, #tpu.memory_space<vmem>> -> memref<200xi32, #tpu.memory_space<vmem>>
    %dma_wait3A_975 = arith.constant 0 : i32
    %dma_wait3A_976 = arith.constant 0 : i32
    %dma_wait3A_977 = tpu.memref_slice %arg2[%dma_wait3A_975, %dma_wait3A_976] : memref<1000000x32xf32, #tpu.memory_space<hbm>> -> memref<1000000x32xf32, #tpu.memory_space<hbm>>
    tpu.wait_indirect_dma semaphore(%arg13 : memref<!tpu.dma_semaphore, #tpu.memory_space<semaphore_mem>>) src(%dma_wait3A_977 : memref<1000000x32xf32, #tpu.memory_space<hbm>>) dst(%dma_wait3A_971 : memref<200x32xf32, #tpu.memory_space<vmem>>)
    %add3A_978 = arith.constant 126 : i32
    %add3A_979 = arith.addi %mul3A_2, %add3A_978 : i32
    %dma_start3A_980 = arith.constant 6 : i32
    %dma_start3A_981 = arith.constant 0 : i32
    %dma_start3A_982 = arith.constant 0 : i32
    %dma_start3A_983 = tpu.memref_slice %arg6[%dma_start3A_980, %dma_start3A_981, %dma_start3A_982] : memref<8x200x32xf32, #tpu.memory_space<vmem>> -> memref<1x200x32xf32, #tpu.memory_space<vmem>>
    %dma_start3A_984 = tpu.memref_squeeze %dma_start3A_983 : memref<1x200x32xf32, #tpu.memory_space<vmem>> -> memref<200x32xf32, #tpu.memory_space<vmem>>
    %dma_start3A_985 = arith.constant 0 : i32
    %dma_start3A_986 = arith.constant 0 : i32
    %dma_start3A_987 = tpu.memref_slice %arg4[%add3A_979, %dma_start3A_985, %dma_start3A_986] : memref<4096x200x128xf32, #tpu.memory_space<hbm>> -> memref<1x200x128xf32, #tpu.memory_space<hbm>>
    %dma_start3A_988 = tpu.memref_squeeze %dma_start3A_987 : memref<1x200x128xf32, #tpu.memory_space<hbm>> -> memref<200x128xf32, #tpu.memory_space<hbm>>
    %dma_start3A_989 = arith.constant 0 : i32
    %dma_start3A_990 = arith.constant 0 : i32
    %dma_start3A_991 = tpu.memref_slice %dma_start3A_988[%dma_start3A_989, %dma_start3A_990] : memref<200x128xf32, #tpu.memory_space<hbm>> -> memref<200x32xf32, #tpu.memory_space<hbm>>
    %dma_start3A_992 = arith.constant 0 : i32
    %dma_start3A_993 = arith.constant 0 : i32
    %dma_start3A_994 = tpu.memref_slice %arg4[%add3A_979, %dma_start3A_992, %dma_start3A_993] : memref<4096x200x128xf32, #tpu.memory_space<hbm>> -> memref<1x200x128xf32, #tpu.memory_space<hbm>>
    %dma_start3A_995 = tpu.memref_squeeze %dma_start3A_994 : memref<1x200x128xf32, #tpu.memory_space<hbm>> -> memref<200x128xf32, #tpu.memory_space<hbm>>
    %dma_start3A_996 = arith.constant 0 : i32
    %dma_start3A_997 = arith.constant 0 : i32
    %dma_start3A_998 = tpu.memref_slice %dma_start3A_995[%dma_start3A_996, %dma_start3A_997] : memref<200x128xf32, #tpu.memory_space<hbm>> -> memref<200x32xf32, #tpu.memory_space<hbm>>
    %dma_start3A_999 = arith.constant 0 : i32
    %dma_start3A_1000 = arith.constant 0 : i32
    %dma_start3A_1001 = tpu.memref_slice %arg6[%dma_start3A_980, %dma_start3A_999, %dma_start3A_1000] : memref<8x200x32xf32, #tpu.memory_space<vmem>> -> memref<1x200x32xf32, #tpu.memory_space<vmem>>
    %dma_start3A_1002 = tpu.memref_squeeze %dma_start3A_1001 : memref<1x200x32xf32, #tpu.memory_space<vmem>> -> memref<200x32xf32, #tpu.memory_space<vmem>>
    tpu.enqueue_dma source(%dma_start3A_1002 : memref<200x32xf32, #tpu.memory_space<vmem>>) target(%dma_start3A_998 : memref<200x32xf32, #tpu.memory_space<hbm>>) target_semaphore(%arg21 : memref<!tpu.dma_semaphore, #tpu.memory_space<semaphore_mem>>)
    %add3A_1003 = arith.constant 122 : i32
    %add3A_1004 = arith.addi %mul3A_2, %add3A_1003 : i32
    %dma_wait3A_1005 = arith.constant 2 : i32
    %dma_wait3A_1006 = arith.constant 0 : i32
    %dma_wait3A_1007 = arith.constant 0 : i32
    %dma_wait3A_1008 = tpu.memref_slice %arg6[%dma_wait3A_1005, %dma_wait3A_1006, %dma_wait3A_1007] : memref<8x200x32xf32, #tpu.memory_space<vmem>> -> memref<1x200x32xf32, #tpu.memory_space<vmem>>
    %dma_wait3A_1009 = tpu.memref_squeeze %dma_wait3A_1008 : memref<1x200x32xf32, #tpu.memory_space<vmem>> -> memref<200x32xf32, #tpu.memory_space<vmem>>
    %dma_wait3A_1010 = arith.constant 0 : i32
    %dma_wait3A_1011 = arith.constant 0 : i32
    %dma_wait3A_1012 = tpu.memref_slice %arg4[%add3A_1004, %dma_wait3A_1010, %dma_wait3A_1011] : memref<4096x200x128xf32, #tpu.memory_space<hbm>> -> memref<1x200x128xf32, #tpu.memory_space<hbm>>
    %dma_wait3A_1013 = tpu.memref_squeeze %dma_wait3A_1012 : memref<1x200x128xf32, #tpu.memory_space<hbm>> -> memref<200x128xf32, #tpu.memory_space<hbm>>
    %dma_wait3A_1014 = arith.constant 0 : i32
    %dma_wait3A_1015 = arith.constant 0 : i32
    %dma_wait3A_1016 = tpu.memref_slice %dma_wait3A_1013[%dma_wait3A_1014, %dma_wait3A_1015] : memref<200x128xf32, #tpu.memory_space<hbm>> -> memref<200x32xf32, #tpu.memory_space<hbm>>
    %dma_wait3A_1017 = arith.constant 0 : i32
    %dma_wait3A_1018 = arith.constant 0 : i32
    %dma_wait3A_1019 = tpu.memref_slice %arg4[%add3A_1004, %dma_wait3A_1017, %dma_wait3A_1018] : memref<4096x200x128xf32, #tpu.memory_space<hbm>> -> memref<1x200x128xf32, #tpu.memory_space<hbm>>
    %dma_wait3A_1020 = tpu.memref_squeeze %dma_wait3A_1019 : memref<1x200x128xf32, #tpu.memory_space<hbm>> -> memref<200x128xf32, #tpu.memory_space<hbm>>
    %dma_wait3A_1021 = arith.constant 0 : i32
    %dma_wait3A_1022 = arith.constant 0 : i32
    %dma_wait3A_1023 = tpu.memref_slice %dma_wait3A_1020[%dma_wait3A_1021, %dma_wait3A_1022] : memref<200x128xf32, #tpu.memory_space<hbm>> -> memref<200x32xf32, #tpu.memory_space<hbm>>
    %dma_wait3A_1024 = arith.constant 0 : i32
    %dma_wait3A_1025 = arith.constant 0 : i32
    %dma_wait3A_1026 = tpu.memref_slice %arg6[%dma_wait3A_1005, %dma_wait3A_1024, %dma_wait3A_1025] : memref<8x200x32xf32, #tpu.memory_space<vmem>> -> memref<1x200x32xf32, #tpu.memory_space<vmem>>
    %dma_wait3A_1027 = tpu.memref_squeeze %dma_wait3A_1026 : memref<1x200x32xf32, #tpu.memory_space<vmem>> -> memref<200x32xf32, #tpu.memory_space<vmem>>
    tpu.wait_dma2 semaphore(%arg17 : memref<!tpu.dma_semaphore, #tpu.memory_space<semaphore_mem>>) src(%dma_wait3A_1027 : memref<200x32xf32, #tpu.memory_space<vmem>>) dst(%dma_wait3A_1023 : memref<200x32xf32, #tpu.memory_space<hbm>>)
    %dma_wait3A_1028 = arith.constant 127 : i32
    %dma_wait3A_1029 = arith.constant 7 : i32
    %dma_wait3A_1030 = arith.constant 0 : i32
    %dma_wait3A_1031 = arith.constant 0 : i32
    %dma_wait3A_1032 = tpu.memref_slice %arg6[%dma_wait3A_1029, %dma_wait3A_1030, %dma_wait3A_1031] : memref<8x200x32xf32, #tpu.memory_space<vmem>> -> memref<1x200x32xf32, #tpu.memory_space<vmem>>
    %dma_wait3A_1033 = tpu.memref_squeeze %dma_wait3A_1032 : memref<1x200x32xf32, #tpu.memory_space<vmem>> -> memref<200x32xf32, #tpu.memory_space<vmem>>
    %dma_wait3A_1034 = arith.constant 0 : i32
    %dma_wait3A_1035 = tpu.memref_slice %arg5[%dma_wait3A_1028, %dma_wait3A_1034] : memref<128x200xi32, #tpu.memory_space<vmem>> -> memref<1x200xi32, #tpu.memory_space<vmem>>
    %dma_wait3A_1036 = tpu.memref_squeeze %dma_wait3A_1035 : memref<1x200xi32, #tpu.memory_space<vmem>> -> memref<200xi32, #tpu.memory_space<vmem>>
    %dma_wait3A_1037 = arith.constant 0 : i32
    %dma_wait3A_1038 = arith.constant 0 : i32
    %dma_wait3A_1039 = tpu.memref_slice %arg2[%dma_wait3A_1037, %dma_wait3A_1038] : memref<1000000x32xf32, #tpu.memory_space<hbm>> -> memref<1000000x32xf32, #tpu.memory_space<hbm>>
    tpu.wait_indirect_dma semaphore(%arg14 : memref<!tpu.dma_semaphore, #tpu.memory_space<semaphore_mem>>) src(%dma_wait3A_1039 : memref<1000000x32xf32, #tpu.memory_space<hbm>>) dst(%dma_wait3A_1033 : memref<200x32xf32, #tpu.memory_space<vmem>>)
    %add3A_1040 = arith.constant 127 : i32
    %add3A_1041 = arith.addi %mul3A_2, %add3A_1040 : i32
    %dma_start3A_1042 = arith.constant 7 : i32
    %dma_start3A_1043 = arith.constant 0 : i32
    %dma_start3A_1044 = arith.constant 0 : i32
    %dma_start3A_1045 = tpu.memref_slice %arg6[%dma_start3A_1042, %dma_start3A_1043, %dma_start3A_1044] : memref<8x200x32xf32, #tpu.memory_space<vmem>> -> memref<1x200x32xf32, #tpu.memory_space<vmem>>
    %dma_start3A_1046 = tpu.memref_squeeze %dma_start3A_1045 : memref<1x200x32xf32, #tpu.memory_space<vmem>> -> memref<200x32xf32, #tpu.memory_space<vmem>>
    %dma_start3A_1047 = arith.constant 0 : i32
    %dma_start3A_1048 = arith.constant 0 : i32
    %dma_start3A_1049 = tpu.memref_slice %arg4[%add3A_1041, %dma_start3A_1047, %dma_start3A_1048] : memref<4096x200x128xf32, #tpu.memory_space<hbm>> -> memref<1x200x128xf32, #tpu.memory_space<hbm>>
    %dma_start3A_1050 = tpu.memref_squeeze %dma_start3A_1049 : memref<1x200x128xf32, #tpu.memory_space<hbm>> -> memref<200x128xf32, #tpu.memory_space<hbm>>
    %dma_start3A_1051 = arith.constant 0 : i32
    %dma_start3A_1052 = arith.constant 0 : i32
    %dma_start3A_1053 = tpu.memref_slice %dma_start3A_1050[%dma_start3A_1051, %dma_start3A_1052] : memref<200x128xf32, #tpu.memory_space<hbm>> -> memref<200x32xf32, #tpu.memory_space<hbm>>
    %dma_start3A_1054 = arith.constant 0 : i32
    %dma_start3A_1055 = arith.constant 0 : i32
    %dma_start3A_1056 = tpu.memref_slice %arg4[%add3A_1041, %dma_start3A_1054, %dma_start3A_1055] : memref<4096x200x128xf32, #tpu.memory_space<hbm>> -> memref<1x200x128xf32, #tpu.memory_space<hbm>>
    %dma_start3A_1057 = tpu.memref_squeeze %dma_start3A_1056 : memref<1x200x128xf32, #tpu.memory_space<hbm>> -> memref<200x128xf32, #tpu.memory_space<hbm>>
    %dma_start3A_1058 = arith.constant 0 : i32
    %dma_start3A_1059 = arith.constant 0 : i32
    %dma_start3A_1060 = tpu.memref_slice %dma_start3A_1057[%dma_start3A_1058, %dma_start3A_1059] : memref<200x128xf32, #tpu.memory_space<hbm>> -> memref<200x32xf32, #tpu.memory_space<hbm>>
    %dma_start3A_1061 = arith.constant 0 : i32
    %dma_start3A_1062 = arith.constant 0 : i32
    %dma_start3A_1063 = tpu.memref_slice %arg6[%dma_start3A_1042, %dma_start3A_1061, %dma_start3A_1062] : memref<8x200x32xf32, #tpu.memory_space<vmem>> -> memref<1x200x32xf32, #tpu.memory_space<vmem>>
    %dma_start3A_1064 = tpu.memref_squeeze %dma_start3A_1063 : memref<1x200x32xf32, #tpu.memory_space<vmem>> -> memref<200x32xf32, #tpu.memory_space<vmem>>
    tpu.enqueue_dma source(%dma_start3A_1064 : memref<200x32xf32, #tpu.memory_space<vmem>>) target(%dma_start3A_1060 : memref<200x32xf32, #tpu.memory_space<hbm>>) target_semaphore(%arg22 : memref<!tpu.dma_semaphore, #tpu.memory_space<semaphore_mem>>)
    %add3A_1065 = arith.constant 123 : i32
    %add3A_1066 = arith.addi %mul3A_2, %add3A_1065 : i32
    %dma_wait3A_1067 = arith.constant 3 : i32
    %dma_wait3A_1068 = arith.constant 0 : i32
    %dma_wait3A_1069 = arith.constant 0 : i32
    %dma_wait3A_1070 = tpu.memref_slice %arg6[%dma_wait3A_1067, %dma_wait3A_1068, %dma_wait3A_1069] : memref<8x200x32xf32, #tpu.memory_space<vmem>> -> memref<1x200x32xf32, #tpu.memory_space<vmem>>
    %dma_wait3A_1071 = tpu.memref_squeeze %dma_wait3A_1070 : memref<1x200x32xf32, #tpu.memory_space<vmem>> -> memref<200x32xf32, #tpu.memory_space<vmem>>
    %dma_wait3A_1072 = arith.constant 0 : i32
    %dma_wait3A_1073 = arith.constant 0 : i32
    %dma_wait3A_1074 = tpu.memref_slice %arg4[%add3A_1066, %dma_wait3A_1072, %dma_wait3A_1073] : memref<4096x200x128xf32, #tpu.memory_space<hbm>> -> memref<1x200x128xf32, #tpu.memory_space<hbm>>
    %dma_wait3A_1075 = tpu.memref_squeeze %dma_wait3A_1074 : memref<1x200x128xf32, #tpu.memory_space<hbm>> -> memref<200x128xf32, #tpu.memory_space<hbm>>
    %dma_wait3A_1076 = arith.constant 0 : i32
    %dma_wait3A_1077 = arith.constant 0 : i32
    %dma_wait3A_1078 = tpu.memref_slice %dma_wait3A_1075[%dma_wait3A_1076, %dma_wait3A_1077] : memref<200x128xf32, #tpu.memory_space<hbm>> -> memref<200x32xf32, #tpu.memory_space<hbm>>
    %dma_wait3A_1079 = arith.constant 0 : i32
    %dma_wait3A_1080 = arith.constant 0 : i32
    %dma_wait3A_1081 = tpu.memref_slice %arg4[%add3A_1066, %dma_wait3A_1079, %dma_wait3A_1080] : memref<4096x200x128xf32, #tpu.memory_space<hbm>> -> memref<1x200x128xf32, #tpu.memory_space<hbm>>
    %dma_wait3A_1082 = tpu.memref_squeeze %dma_wait3A_1081 : memref<1x200x128xf32, #tpu.memory_space<hbm>> -> memref<200x128xf32, #tpu.memory_space<hbm>>
    %dma_wait3A_1083 = arith.constant 0 : i32
    %dma_wait3A_1084 = arith.constant 0 : i32
    %dma_wait3A_1085 = tpu.memref_slice %dma_wait3A_1082[%dma_wait3A_1083, %dma_wait3A_1084] : memref<200x128xf32, #tpu.memory_space<hbm>> -> memref<200x32xf32, #tpu.memory_space<hbm>>
    %dma_wait3A_1086 = arith.constant 0 : i32
    %dma_wait3A_1087 = arith.constant 0 : i32
    %dma_wait3A_1088 = tpu.memref_slice %arg6[%dma_wait3A_1067, %dma_wait3A_1086, %dma_wait3A_1087] : memref<8x200x32xf32, #tpu.memory_space<vmem>> -> memref<1x200x32xf32, #tpu.memory_space<vmem>>
    %dma_wait3A_1089 = tpu.memref_squeeze %dma_wait3A_1088 : memref<1x200x32xf32, #tpu.memory_space<vmem>> -> memref<200x32xf32, #tpu.memory_space<vmem>>
    tpu.wait_dma2 semaphore(%arg18 : memref<!tpu.dma_semaphore, #tpu.memory_space<semaphore_mem>>) src(%dma_wait3A_1089 : memref<200x32xf32, #tpu.memory_space<vmem>>) dst(%dma_wait3A_1085 : memref<200x32xf32, #tpu.memory_space<hbm>>)
    %add3A_1090 = arith.constant 124 : i32
    %add3A_1091 = arith.addi %mul3A_2, %add3A_1090 : i32
    %dma_wait3A_1092 = arith.constant 4 : i32
    %dma_wait3A_1093 = arith.constant 0 : i32
    %dma_wait3A_1094 = arith.constant 0 : i32
    %dma_wait3A_1095 = tpu.memref_slice %arg6[%dma_wait3A_1092, %dma_wait3A_1093, %dma_wait3A_1094] : memref<8x200x32xf32, #tpu.memory_space<vmem>> -> memref<1x200x32xf32, #tpu.memory_space<vmem>>
    %dma_wait3A_1096 = tpu.memref_squeeze %dma_wait3A_1095 : memref<1x200x32xf32, #tpu.memory_space<vmem>> -> memref<200x32xf32, #tpu.memory_space<vmem>>
    %dma_wait3A_1097 = arith.constant 0 : i32
    %dma_wait3A_1098 = arith.constant 0 : i32
    %dma_wait3A_1099 = tpu.memref_slice %arg4[%add3A_1091, %dma_wait3A_1097, %dma_wait3A_1098] : memref<4096x200x128xf32, #tpu.memory_space<hbm>> -> memref<1x200x128xf32, #tpu.memory_space<hbm>>
    %dma_wait3A_1100 = tpu.memref_squeeze %dma_wait3A_1099 : memref<1x200x128xf32, #tpu.memory_space<hbm>> -> memref<200x128xf32, #tpu.memory_space<hbm>>
    %dma_wait3A_1101 = arith.constant 0 : i32
    %dma_wait3A_1102 = arith.constant 0 : i32
    %dma_wait3A_1103 = tpu.memref_slice %dma_wait3A_1100[%dma_wait3A_1101, %dma_wait3A_1102] : memref<200x128xf32, #tpu.memory_space<hbm>> -> memref<200x32xf32, #tpu.memory_space<hbm>>
    %dma_wait3A_1104 = arith.constant 0 : i32
    %dma_wait3A_1105 = arith.constant 0 : i32
    %dma_wait3A_1106 = tpu.memref_slice %arg4[%add3A_1091, %dma_wait3A_1104, %dma_wait3A_1105] : memref<4096x200x128xf32, #tpu.memory_space<hbm>> -> memref<1x200x128xf32, #tpu.memory_space<hbm>>
    %dma_wait3A_1107 = tpu.memref_squeeze %dma_wait3A_1106 : memref<1x200x128xf32, #tpu.memory_space<hbm>> -> memref<200x128xf32, #tpu.memory_space<hbm>>
    %dma_wait3A_1108 = arith.constant 0 : i32
    %dma_wait3A_1109 = arith.constant 0 : i32
    %dma_wait3A_1110 = tpu.memref_slice %dma_wait3A_1107[%dma_wait3A_1108, %dma_wait3A_1109] : memref<200x128xf32, #tpu.memory_space<hbm>> -> memref<200x32xf32, #tpu.memory_space<hbm>>
    %dma_wait3A_1111 = arith.constant 0 : i32
    %dma_wait3A_1112 = arith.constant 0 : i32
    %dma_wait3A_1113 = tpu.memref_slice %arg6[%dma_wait3A_1092, %dma_wait3A_1111, %dma_wait3A_1112] : memref<8x200x32xf32, #tpu.memory_space<vmem>> -> memref<1x200x32xf32, #tpu.memory_space<vmem>>
    %dma_wait3A_1114 = tpu.memref_squeeze %dma_wait3A_1113 : memref<1x200x32xf32, #tpu.memory_space<vmem>> -> memref<200x32xf32, #tpu.memory_space<vmem>>
    tpu.wait_dma2 semaphore(%arg19 : memref<!tpu.dma_semaphore, #tpu.memory_space<semaphore_mem>>) src(%dma_wait3A_1114 : memref<200x32xf32, #tpu.memory_space<vmem>>) dst(%dma_wait3A_1110 : memref<200x32xf32, #tpu.memory_space<hbm>>)
    %add3A_1115 = arith.constant 125 : i32
    %add3A_1116 = arith.addi %mul3A_2, %add3A_1115 : i32
    %dma_wait3A_1117 = arith.constant 5 : i32
    %dma_wait3A_1118 = arith.constant 0 : i32
    %dma_wait3A_1119 = arith.constant 0 : i32
    %dma_wait3A_1120 = tpu.memref_slice %arg6[%dma_wait3A_1117, %dma_wait3A_1118, %dma_wait3A_1119] : memref<8x200x32xf32, #tpu.memory_space<vmem>> -> memref<1x200x32xf32, #tpu.memory_space<vmem>>
    %dma_wait3A_1121 = tpu.memref_squeeze %dma_wait3A_1120 : memref<1x200x32xf32, #tpu.memory_space<vmem>> -> memref<200x32xf32, #tpu.memory_space<vmem>>
    %dma_wait3A_1122 = arith.constant 0 : i32
    %dma_wait3A_1123 = arith.constant 0 : i32
    %dma_wait3A_1124 = tpu.memref_slice %arg4[%add3A_1116, %dma_wait3A_1122, %dma_wait3A_1123] : memref<4096x200x128xf32, #tpu.memory_space<hbm>> -> memref<1x200x128xf32, #tpu.memory_space<hbm>>
    %dma_wait3A_1125 = tpu.memref_squeeze %dma_wait3A_1124 : memref<1x200x128xf32, #tpu.memory_space<hbm>> -> memref<200x128xf32, #tpu.memory_space<hbm>>
    %dma_wait3A_1126 = arith.constant 0 : i32
    %dma_wait3A_1127 = arith.constant 0 : i32
    %dma_wait3A_1128 = tpu.memref_slice %dma_wait3A_1125[%dma_wait3A_1126, %dma_wait3A_1127] : memref<200x128xf32, #tpu.memory_space<hbm>> -> memref<200x32xf32, #tpu.memory_space<hbm>>
    %dma_wait3A_1129 = arith.constant 0 : i32
    %dma_wait3A_1130 = arith.constant 0 : i32
    %dma_wait3A_1131 = tpu.memref_slice %arg4[%add3A_1116, %dma_wait3A_1129, %dma_wait3A_1130] : memref<4096x200x128xf32, #tpu.memory_space<hbm>> -> memref<1x200x128xf32, #tpu.memory_space<hbm>>
    %dma_wait3A_1132 = tpu.memref_squeeze %dma_wait3A_1131 : memref<1x200x128xf32, #tpu.memory_space<hbm>> -> memref<200x128xf32, #tpu.memory_space<hbm>>
    %dma_wait3A_1133 = arith.constant 0 : i32
    %dma_wait3A_1134 = arith.constant 0 : i32
    %dma_wait3A_1135 = tpu.memref_slice %dma_wait3A_1132[%dma_wait3A_1133, %dma_wait3A_1134] : memref<200x128xf32, #tpu.memory_space<hbm>> -> memref<200x32xf32, #tpu.memory_space<hbm>>
    %dma_wait3A_1136 = arith.constant 0 : i32
    %dma_wait3A_1137 = arith.constant 0 : i32
    %dma_wait3A_1138 = tpu.memref_slice %arg6[%dma_wait3A_1117, %dma_wait3A_1136, %dma_wait3A_1137] : memref<8x200x32xf32, #tpu.memory_space<vmem>> -> memref<1x200x32xf32, #tpu.memory_space<vmem>>
    %dma_wait3A_1139 = tpu.memref_squeeze %dma_wait3A_1138 : memref<1x200x32xf32, #tpu.memory_space<vmem>> -> memref<200x32xf32, #tpu.memory_space<vmem>>
    tpu.wait_dma2 semaphore(%arg20 : memref<!tpu.dma_semaphore, #tpu.memory_space<semaphore_mem>>) src(%dma_wait3A_1139 : memref<200x32xf32, #tpu.memory_space<vmem>>) dst(%dma_wait3A_1135 : memref<200x32xf32, #tpu.memory_space<hbm>>)
    %add3A_1140 = arith.constant 126 : i32
    %add3A_1141 = arith.addi %mul3A_2, %add3A_1140 : i32
    %dma_wait3A_1142 = arith.constant 6 : i32
    %dma_wait3A_1143 = arith.constant 0 : i32
    %dma_wait3A_1144 = arith.constant 0 : i32
    %dma_wait3A_1145 = tpu.memref_slice %arg6[%dma_wait3A_1142, %dma_wait3A_1143, %dma_wait3A_1144] : memref<8x200x32xf32, #tpu.memory_space<vmem>> -> memref<1x200x32xf32, #tpu.memory_space<vmem>>
    %dma_wait3A_1146 = tpu.memref_squeeze %dma_wait3A_1145 : memref<1x200x32xf32, #tpu.memory_space<vmem>> -> memref<200x32xf32, #tpu.memory_space<vmem>>
    %dma_wait3A_1147 = arith.constant 0 : i32
    %dma_wait3A_1148 = arith.constant 0 : i32
    %dma_wait3A_1149 = tpu.memref_slice %arg4[%add3A_1141, %dma_wait3A_1147, %dma_wait3A_1148] : memref<4096x200x128xf32, #tpu.memory_space<hbm>> -> memref<1x200x128xf32, #tpu.memory_space<hbm>>
    %dma_wait3A_1150 = tpu.memref_squeeze %dma_wait3A_1149 : memref<1x200x128xf32, #tpu.memory_space<hbm>> -> memref<200x128xf32, #tpu.memory_space<hbm>>
    %dma_wait3A_1151 = arith.constant 0 : i32
    %dma_wait3A_1152 = arith.constant 0 : i32
    %dma_wait3A_1153 = tpu.memref_slice %dma_wait3A_1150[%dma_wait3A_1151, %dma_wait3A_1152] : memref<200x128xf32, #tpu.memory_space<hbm>> -> memref<200x32xf32, #tpu.memory_space<hbm>>
    %dma_wait3A_1154 = arith.constant 0 : i32
    %dma_wait3A_1155 = arith.constant 0 : i32
    %dma_wait3A_1156 = tpu.memref_slice %arg4[%add3A_1141, %dma_wait3A_1154, %dma_wait3A_1155] : memref<4096x200x128xf32, #tpu.memory_space<hbm>> -> memref<1x200x128xf32, #tpu.memory_space<hbm>>
    %dma_wait3A_1157 = tpu.memref_squeeze %dma_wait3A_1156 : memref<1x200x128xf32, #tpu.memory_space<hbm>> -> memref<200x128xf32, #tpu.memory_space<hbm>>
    %dma_wait3A_1158 = arith.constant 0 : i32
    %dma_wait3A_1159 = arith.constant 0 : i32
    %dma_wait3A_1160 = tpu.memref_slice %dma_wait3A_1157[%dma_wait3A_1158, %dma_wait3A_1159] : memref<200x128xf32, #tpu.memory_space<hbm>> -> memref<200x32xf32, #tpu.memory_space<hbm>>
    %dma_wait3A_1161 = arith.constant 0 : i32
    %dma_wait3A_1162 = arith.constant 0 : i32
    %dma_wait3A_1163 = tpu.memref_slice %arg6[%dma_wait3A_1142, %dma_wait3A_1161, %dma_wait3A_1162] : memref<8x200x32xf32, #tpu.memory_space<vmem>> -> memref<1x200x32xf32, #tpu.memory_space<vmem>>
    %dma_wait3A_1164 = tpu.memref_squeeze %dma_wait3A_1163 : memref<1x200x32xf32, #tpu.memory_space<vmem>> -> memref<200x32xf32, #tpu.memory_space<vmem>>
    tpu.wait_dma2 semaphore(%arg21 : memref<!tpu.dma_semaphore, #tpu.memory_space<semaphore_mem>>) src(%dma_wait3A_1164 : memref<200x32xf32, #tpu.memory_space<vmem>>) dst(%dma_wait3A_1160 : memref<200x32xf32, #tpu.memory_space<hbm>>)
    %add3A_1165 = arith.constant 127 : i32
    %add3A_1166 = arith.addi %mul3A_2, %add3A_1165 : i32
    %dma_wait3A_1167 = arith.constant 7 : i32
    %dma_wait3A_1168 = arith.constant 0 : i32
    %dma_wait3A_1169 = arith.constant 0 : i32
    %dma_wait3A_1170 = tpu.memref_slice %arg6[%dma_wait3A_1167, %dma_wait3A_1168, %dma_wait3A_1169] : memref<8x200x32xf32, #tpu.memory_space<vmem>> -> memref<1x200x32xf32, #tpu.memory_space<vmem>>
    %dma_wait3A_1171 = tpu.memref_squeeze %dma_wait3A_1170 : memref<1x200x32xf32, #tpu.memory_space<vmem>> -> memref<200x32xf32, #tpu.memory_space<vmem>>
    %dma_wait3A_1172 = arith.constant 0 : i32
    %dma_wait3A_1173 = arith.constant 0 : i32
    %dma_wait3A_1174 = tpu.memref_slice %arg4[%add3A_1166, %dma_wait3A_1172, %dma_wait3A_1173] : memref<4096x200x128xf32, #tpu.memory_space<hbm>> -> memref<1x200x128xf32, #tpu.memory_space<hbm>>
    %dma_wait3A_1175 = tpu.memref_squeeze %dma_wait3A_1174 : memref<1x200x128xf32, #tpu.memory_space<hbm>> -> memref<200x128xf32, #tpu.memory_space<hbm>>
    %dma_wait3A_1176 = arith.constant 0 : i32
    %dma_wait3A_1177 = arith.constant 0 : i32
    %dma_wait3A_1178 = tpu.memref_slice %dma_wait3A_1175[%dma_wait3A_1176, %dma_wait3A_1177] : memref<200x128xf32, #tpu.memory_space<hbm>> -> memref<200x32xf32, #tpu.memory_space<hbm>>
    %dma_wait3A_1179 = arith.constant 0 : i32
    %dma_wait3A_1180 = arith.constant 0 : i32
    %dma_wait3A_1181 = tpu.memref_slice %arg4[%add3A_1166, %dma_wait3A_1179, %dma_wait3A_1180] : memref<4096x200x128xf32, #tpu.memory_space<hbm>> -> memref<1x200x128xf32, #tpu.memory_space<hbm>>
    %dma_wait3A_1182 = tpu.memref_squeeze %dma_wait3A_1181 : memref<1x200x128xf32, #tpu.memory_space<hbm>> -> memref<200x128xf32, #tpu.memory_space<hbm>>
    %dma_wait3A_1183 = arith.constant 0 : i32
    %dma_wait3A_1184 = arith.constant 0 : i32
    %dma_wait3A_1185 = tpu.memref_slice %dma_wait3A_1182[%dma_wait3A_1183, %dma_wait3A_1184] : memref<200x128xf32, #tpu.memory_space<hbm>> -> memref<200x32xf32, #tpu.memory_space<hbm>>
    %dma_wait3A_1186 = arith.constant 0 : i32
    %dma_wait3A_1187 = arith.constant 0 : i32
    %dma_wait3A_1188 = tpu.memref_slice %arg6[%dma_wait3A_1167, %dma_wait3A_1186, %dma_wait3A_1187] : memref<8x200x32xf32, #tpu.memory_space<vmem>> -> memref<1x200x32xf32, #tpu.memory_space<vmem>>
    %dma_wait3A_1189 = tpu.memref_squeeze %dma_wait3A_1188 : memref<1x200x32xf32, #tpu.memory_space<vmem>> -> memref<200x32xf32, #tpu.memory_space<vmem>>
    tpu.wait_dma2 semaphore(%arg22 : memref<!tpu.dma_semaphore, #tpu.memory_space<semaphore_mem>>) src(%dma_wait3A_1189 : memref<200x32xf32, #tpu.memory_space<vmem>>) dst(%dma_wait3A_1185 : memref<200x32xf32, #tpu.memory_space<hbm>>)
    return
  }
}

</mosaic_0001>

<sc_bundles>
// kernel: kernel.3.cloned.1.call-start
scs
__scs_entry_jumppad:
0x0: {  	(pc) =	sbr.rel $0x88, $3  }
0x1: {  	(tag) =	ssettag $0x0;
	lr =	simm.s32 $0x1  }
0x2: {  	[smem:$0x3F9F] =	sst lr;
	_ =	strace $0xD0000000  }
0x3: {  	_ = 	snop  }
0x4: {  	_ = 	snop  }
0x5: {  	_ = 	snop  }
0x6: {  	_ = 	snop  }
0x7: {  	_ = 	snop  }
__scs_overlays_trampoline_lowered:
0x8: {  	[smem:$0x3FAE] =	sst s0  }
0x9: {  	[smem:$0x3FAF] =	sst s1  }
0xa: {  	[smem:$0x3FB0] =	sst s2  }
0xb: {  	[smem:$0x3FB1] =	sst s3  }
0xc: {  	[smem:$0x3FB2] =	sst s4  }
0xd: {  	[smem:$0x3FB3] =	sst s5  }
0xe: {  	[smem:$0x3FB4] =	sst s6  }
0xf: {  	[smem:$0x3FB5] =	sst s7  }
0x10: {  	[smem:$0x3FB6] =	sst s8  }
0x11: {  	[smem:$0x3FB7] =	sst s9;
	s0 =	simm.s32 @!p0 $0x0  }
0x12: {  	s1 =	sld [smem:$0x3F9D];
	s0 =	simm.s32 @p0 $0x1  }
0x13: {  	[smem:$0x3FB8] =	sst s0;
	s0 =	simm.s32 @!p1 $0x0  }
0x14: {  	s2 =	sld [smem:$0x3F9C];
	s0 =	simm.s32 @p1 $0x1  }
0x15: {  	[smem:$0x3FB9] =	sst s0;
	s0 =	simm.s32 @!p2 $0x0  }
0x16: {  	s3 =	sld [smem:$0x3FDB];
	s0 =	simm.s32 @p2 $0x1  }
0x17: {  	s4 =	simm.s32 $0x1BF5;
	[smem:$0x3FBB] =	sst s0  }
0x18: {  	s0 =	sld [smem:$0x3F9E];
	_ =	swait.ge [sflag:s4], $0x0  }
0x19: {  	s7 =	sld [smem:$0x3F9F]  }
0x1a: {  	s8 =	sadd.s32 $0xFFFFE003, lr  }
0x1b: {  	s9 =	sadd.s32 $0xFFFFFEF7, lr;
	s5 =	simm.s32 $0xFFFFFFFF;
	p2 =	slt.u32 s8, $0xFFFFF086  }
0x1c: {  	p1 =	slt.u32 s9, $0xF7A;
	s5 =	simm.s32 @!p2 $0x0  }
0x1d: {  	s5 =	simm.s32 @p1 $0x1;
	p0 =	seq.s32 s7, s2  }
0x1e: {  	s7 =	smul.u32 @!p0 $0xF7A, s2;
	p2 =	seq.s32 @!p0 s5, $0x0  }
0x1f: {  	s9 =	smul.u32 $0xF7A, s1;
	s8 =	simm.s32 @!p0 $0x1BF5;
	p2 =	por !p2, p0  }
0x20: {  	[sflag:s8] =	ssyncset.s32 @!p0 $0xFFFFF086;
	s6 =	sadd.s32 @!p0 s3, s7;
	s7 =	simm.s32 @!p0 $0x108  }
0x21: {  	s3 =	sadd.s32 s3, s9;
	s6 =	sadd.s32 @!p0 $0x88, s6;
	s7 =	simm.s32 @p2 $0x1082  }
0x22: {  	[simem:s7], [sflag:s8] =	dma.local @!p0 [hbm:s6], $0xF7A  }
0x23: {  	s9 =	sor.u32 $0xD0000000, s2;
	s6 =	simm.s32 $0x108;
	_ =	swait.ge @!p0 [sflag:s8], $0x0  }
0x24: {  	s3 =	sadd.s32 $0x88, s3;
	s6 =	simm.s32 @!p1 $0x1082;
	[sflag:s4] =	ssyncset.s32 $0xFFFFF086  }
0x25: {  	[simem:s6], [sflag:s4] =	dma.local [hbm:s3], $0xF7A  }
0x26: {  	[smem:$0x3F9F] =	sst s1;
	(tag) =	ssettag s2;
	_ =	strace s9  }
0x27: {  	s1 =	sld [smem:$0x3FAF]  }
0x28: {  	s2 =	sld [smem:$0x3FB0]  }
0x29: {  	s4 =	sld [smem:$0x3FB2]  }
0x2a: {  	p0 =	seq.s32 s5, $0x0;
	s5 =	sld [smem:$0x3FB3]  }
0x2b: {  	s6 =	sld [smem:$0x3FB4]  }
0x2c: {  	s7 =	sld [smem:$0x3FB5]  }
0x2d: {  	s3 =	simm.s32 $0x108;
	s8 =	sld [smem:$0x3FB6]  }
0x2e: {  	s3 =	simm.s32 @!p0 $0x1082;
	s9 =	sld [smem:$0x3FB7]  }
0x2f: {  	lr =	sadd.s32 s0, s3;
	s0 =	sld [smem:$0x3FAE]  }
0x30: {  	s3 =	sld [smem:$0x3FB1]  }
0x31: {  	[smem:$0x3FBA] =	sst s10  }
0x32: {  	s10 =	sld [smem:$0x3FB8];
	_ =	sdelay $0x3  }
0x33: {  	p0 =	seq.s32 s10, $0x1;
	s10 =	sld [smem:$0x3FBA];
	_ =	sdelay $0x3  }
0x34: {  	[smem:$0x3FBA] =	sst s10  }
0x35: {  	s10 =	sld [smem:$0x3FB9];
	_ =	sdelay $0x3  }
0x36: {  	p1 =	seq.s32 s10, $0x1;
	s10 =	sld [smem:$0x3FBA];
	_ =	sdelay $0x3  }
0x37: {  	[smem:$0x3FBA] =	sst s10  }
0x38: {  	s10 =	sld [smem:$0x3FBB]  }
0x39: {  	_ = 	snop;
	(pc) =	sbr.ind lr, $3  }
0x3a: {  	_ = 	snop  }
0x3b: {  	_ = 	snop  }
0x3c: {  	p2 =	seq.s32 s10, $0x1;
	s10 =	sld [smem:$0x3FBA]  }
0x3d: {  	_ =	shalt  }
0x3e: {  	_ =	shalt  }
0x3f: {  	_ =	shalt  }
0x40: {  	_ =	shalt  }
0x41: {  	_ =	shalt  }
0x42: {  	_ =	shalt  }
0x43: {  	_ =	shalt  }
0x44: {  	_ =	shalt  }
0x45: {  	_ =	shalt  }
0x46: {  	_ =	shalt  }
0x47: {  	_ =	shalt  }
0x48: {  	_ =	shalt  }
0x49: {  	_ =	shalt  }
0x4a: {  	_ =	shalt  }
0x4b: {  	_ =	shalt  }
0x4c: {  	_ =	shalt  }
0x4d: {  	_ =	shalt  }
0x4e: {  	_ =	shalt  }
0x4f: {  	_ =	shalt  }
0x50: {  	_ =	shalt  }
0x51: {  	_ =	shalt  }
0x52: {  	_ =	shalt  }
0x53: {  	_ =	shalt  }
0x54: {  	_ =	shalt  }
0x55: {  	_ =	shalt  }
0x56: {  	_ =	shalt  }
0x57: {  	_ =	shalt  }
0x58: {  	_ =	shalt  }
0x59: {  	_ =	shalt  }
0x5a: {  	_ =	shalt  }
0x5b: {  	_ =	shalt  }
0x5c: {  	_ =	shalt  }
0x5d: {  	_ =	shalt  }
0x5e: {  	_ =	shalt  }
0x5f: {  	_ =	shalt  }
0x60: {  	_ =	shalt  }
0x61: {  	_ =	shalt  }
0x62: {  	_ =	shalt  }
0x63: {  	_ =	shalt  }
0x64: {  	_ =	shalt  }
0x65: {  	_ =	shalt  }
0x66: {  	_ =	shalt  }
0x67: {  	_ =	shalt  }
0x68: {  	_ =	shalt  }
0x69: {  	_ =	shalt  }
0x6a: {  	_ =	shalt  }
0x6b: {  	_ =	shalt  }
0x6c: {  	_ =	shalt  }
0x6d: {  	_ =	shalt  }
0x6e: {  	_ =	shalt  }
0x6f: {  	_ =	shalt  }
0x70: {  	_ =	shalt  }
0x71: {  	_ =	shalt  }
0x72: {  	_ =	shalt  }
0x73: {  	_ =	shalt  }
0x74: {  	_ =	shalt  }
0x75: {  	_ =	shalt  }
0x76: {  	_ =	shalt  }
0x77: {  	_ =	shalt  }
0x78: {  	_ =	shalt  }
0x79: {  	_ =	shalt  }
0x7a: {  	_ =	shalt  }
0x7b: {  	_ =	shalt  }
0x7c: {  	_ =	shalt  }
0x7d: {  	_ =	shalt  }
0x7e: {  	_ =	shalt  }
0x7f: {  	_ =	shalt  }
0x80: {  	_ =	shalt  }
0x81: {  	_ =	shalt  }
0x82: {  	_ =	shalt  }
0x83: {  	_ =	shalt  }
0x84: {  	_ =	shalt  }
0x85: {  	_ =	shalt  }
0x86: {  	_ =	shalt  }
0x87: {  	_ =	shalt  }
.Lfunc_end0:
.L_simem_size_0:
called_computation.1_lowered:
.L_overlay_start_0:
0x88: {  	s2 =	sld [smem:$0x3FD9]  }
0x89: {  	s3 =	sld [smem:$0x3FFE];
	_ =	sdelay $0x1  }
0x8a: {  	s1 =	srdreg.scid  }
0x8b: {  	s0 =	sand.u32 $0x1, s1  }
0x8c: {  	s17 =	sshll.u32 s0, $0xA;
	s2 =	sadd.s32 s3, s2  }
0x8d: {  	s2 =	sadd.s32 s2, s17  }
0x8e: {  	[smem:$0x3FC6] =	sst s2  }
0x8f: {  	_ = 	snop  }
0x90: {  	s2 =	sld [smem:$0x3FD0];
	(tm) =	ssettm $0x1  }
0x91: {  	s18 =	sld [smem:$0x3FFB];
	_ =	sdelay $0x3  }
0x92: {  	_ =	strace s18  }
0x93: {  	s3 =	sld [smem:$0x3FFC];
	_ =	sdelay $0x3  }
0x94: {  	_ =	strace s3  }
0x95: {  	s3 =	sld [smem:$0x3FFD];
	_ =	sdelay $0x3  }
0x96: {  	_ =	strace s3  }
0x97: {  	_ =	strace $0x8FFFFFFF  }
0x98: {  	s19 =	sld [smem:$0x3FDB];
	_ =	sdelay $0x1  }
0x99: {  	s4 =	simm.s32 $_scs_section_size  }
0x9a: {  	s5 =	simm.s32 $_size__tile_overlayer_lowered;
	s6 =	simm.s32 $_tile_overlayer_lowered  }
0x9b: {  	s22 =	simm.s32 $0x1BFF;
	s21 =	sshll.u32 s6, $0x1;
	s3 =	sadd.s32 s4, s19  }
0x9c: {  	s7 =	simm.s32 $0x0;
	s20 =	sshll.u32 s5, $0x1;
	s5 =	sadd.s32 s21, s3  }
0x9d: {  	[timem:s7], [sflag:s22] =	dma.local [hbm:s5], s20  }
0x9e: {  	_ =	swait.ge [sflag:s22], s20  }
0x9f: {  	s4 =	ssub.s32 $0x0, s20;
	[sflag:s22] =	ssyncset.done $0x0  }
0xa0: {  	[sflag:s22] =	ssyncadd.s32 s4;
	_ =	sdelay $0x1  }
0xa1: {  	s23 =	simm.s32 $0x1B8B  }
0xa2: {  	_ =	swait.ge [sflag:s23], $0x1  }
0xa3: {  	[sflag:s23] =	ssyncset.done $0x0  }
0xa4: {  	s25 =	simm.s32 $0x1B8E;
	s24 =	sld [smem:$0x3FFE];
	[sflag:s23] =	ssyncadd.s32 $0xFFFFFFFF  }
0xa5: {  	s26 =	simm.s32 $execute0_lowered;
	[smem:$0x3FD2] =	sst s25  }
0xa6: {  	s5 =	sshll.u32 s26, $0x1;
	_ =	strace $0x80000046;
	[dreg:$0x1] =	wrdreg $0xFFFFFFFF  }
0xa7: {  	s28 =	simm.s32 $_size_execute0_lowered;
	s3 =	sadd.s32 s3, s5;
	[dreg:$0x0] =	wrdreg $0x0  }
0xa8: {  	s5 =	sshll.u32 s28, $0x1;
	[dreg:$0x2] =	wrdreg s3  }
0xa9: {  	[dreg:$0x3] =	wrdreg s5  }
0xaa: {  	[dreg:$0x4] =	wrdreg $0xC0  }
0xab: {  	_ =	task [dreg:s7], $0x5FFFF  }
0xac: {  	[dreg:$0x1] =	wrdreg $0xFFFFFFFF  }
0xad: {  	[dreg:$0x0] =	wrdreg $0x60  }
0xae: {  	[dreg:$0x2] =	wrdreg s24  }
0xaf: {  	[dreg:$0x3] =	wrdreg s2  }
0xb0: {  	[dreg:$0x4] =	wrdreg $0x9  }
0xb1: {  	_ =	task.clear_ibuf [dreg:s7], $0x5FFFF;
	_ =	strace $0x90000046  }
0xb2: {  	s29 =	simm.s32 $0x9;
	_ =	strace $0x80000048  }
0xb3: {  	_ =	swait.ge [sflag:s29], $0x1  }
0xb4: {  	[sflag:s29] =	ssyncadd.s32 $0xFFFFFFFF  }
0xb5: {  	_ =	strace $0x90000048  }
0xb6: {  	_ =	sfence  }
0xb7: {  	s30 =	sld [smem:$0x0];
	_ =	sdelay $0x2  }
0xb8: {  	s31 =	sshll.u32 s1, $0xD;
	s1 =	sshrl.u32 s1, $0x2  }
0xb9: {  	s3 =	sand.u32 $0x4000, s31;
	s1 =	sadd.s32 s1, s30  }
0xba: {  	s0 =	sor.u32 s3, s0;
	s1 =	sshll.u32 s1, $0x11  }
0xbb: {  	s0 =	sor.u32 s1, s0  }
0xbc: {  	s0 =	sadd.s32 $0x8F2B, s0  }
0xbd: {  	[sflag:s0] =	ssyncadd.remote.s32 $0x1  }
0xbe: {  	_ =	sfence.sel $0xFFFF  }
0xbf: {  	[dreg:$0x0] =	wrdreg $0xFFFFFFFF;
	(pc) =	sbr.abs _section_cstart, $3  }
0xc0: {  	[dreg:$0x1] =	wrdreg $0xFFFFFFFF  }
0xc1: {  	_ =	task.clear_ibuf [dreg:s7], $0x2FFFF;
	_ =	strace $0x9FFFFFFF  }
0xc2: {  	(tm) =	ssettm $0x7FFFFFFF  }
0xc3: {  	_ =	shalt  }
tec
execute0_lowered:
.L_overlay_start_1:
0x0: {  	(tag) =	ssettag $0x1  }
0x1: {  	s0 =	rddreg [dreg:$0x0]  }
0x2: {  	s1 =	rddreg [dreg:$0x1]  }
0x3: {  	s2 =	srdreg.scid;
	s9 =	stileid.u32  }
0x4: {  	s5 =	simm.s32 $0x0;
	s28 =	simm.s32 $0x80;
	s10 =	simm.s32 $0x5  }
0x5: {  	s2 =	sand.u32 $0x1, s2;
	s3 =	sshll.u32 s9, $0x8;
	[smem:$0x7FF] =	sst s5  }
0x6: {  	s23 =	smul.u32 $0xC8000, s9;
	s4 =	sshll.u32 s2, $0x7;
	s6 =	ssub.s32 $0x2, s2  }
0x7: {  	s2 =	smul.u32 $0x64000, s2;
	s4 =	sor.u32 s4, s3;
	s8 =	sshrl.u32 s6, $0x1  }
0x8: {  	_ =	strace $0x80000047;
	s11 =	smul.u32 $0x19, s4;
	s6 =	ssub.s32 s6, s8  }
0x9: {  	s3 =	sadd.s32 $0xF42E00, s0;
	s7 =	smul.u32 $0xC80, s4;
	s31 =	smax.u32 s6, $0x1  }
0xa: {  	s0 =	sadd.s32 $0xA00, s0;
	s1 =	sadd.s32 s1, s11;
	[dreg:$0x14] =	wrdreg s31  }
0xb: {  	s4 =	smul.u32 $0x6400, s4;
	s12 =	sadd.s32 s0, s7;
	[dreg:$0x3] =	wrdreg s1  }
0xc: {  	s8 =	simm.s32 $0x4;
	s13 =	sadd.s32 $0xC80, s12;
	[dreg:$0x4] =	wrdreg s12  }
0xd: {  	s6 =	simm.s32 $0x3;
	s14 =	sadd.s32 $0x1900, s12;
	[dreg:$0x5] =	wrdreg s13  }
0xe: {  	s15 =	sshrl.u32 s4, $0x3;
	s16 =	sadd.s32 $0x2580, s12;
	[dreg:$0x6] =	wrdreg s14  }
0xf: {  	s11 =	simm.s32 $0x9;
	s17 =	sadd.s32 $0x3200, s12;
	[dreg:$0x7] =	wrdreg s16  }
0x10: {  	s1 =	sadd.s32 s0, s15;
	s18 =	sadd.s32 $0x3E80, s12;
	[dreg:$0x8] =	wrdreg s17  }
0x11: {  	s0 =	sadd.s32 s23, s0;
	[dreg:$0x9] =	wrdreg s18;
	s19 =	sadd.s32 $0x4B00, s1  }
0x12: {  	s12 =	simm.s32 $0x6;
	s20 =	sadd.s32 $0x5780, s1;
	[dreg:$0xa] =	wrdreg s19  }
0x13: {  	s15 =	simm.s32 $0xB;
	s21 =	sadd.s32 $0x5DC00, s1;
	[dreg:$0xb] =	wrdreg s20  }
0x14: {  	s22 =	sadd.s32 $0x5E880, s1;
	s24 =	sadd.s32 $0x5F500, s1;
	[dreg:$0xc] =	wrdreg s21  }
0x15: {  	s25 =	sadd.s32 $0x60180, s1;
	s26 =	sadd.s32 $0x60E00, s1;
	[dreg:$0xd] =	wrdreg s22  }
0x16: {  	s29 =	sadd.s32 $0x61A80, s1;
	s30 =	sadd.s32 $0x62700, s1;
	[dreg:$0xe] =	wrdreg s24  }
0x17: {  	s1 =	sadd.s32 $0x63380, s1;
	s0 =	sadd.s32 s2, s0;
	[dreg:$0xf] =	wrdreg s25  }
0x18: {  	s2 =	simm.s32 $0x2;
	s13 =	simm.s32 $0xA;
	[dreg:$0x10] =	wrdreg s26  }
0x19: {  	s14 =	simm.s32 $0x7;
	s16 =	simm.s32 $0x8;
	[dreg:$0x11] =	wrdreg s29  }
0x1a: {  	s17 =	simm.s32 $0xC;
	s18 =	simm.s32 $0xD;
	[dreg:$0x12] =	wrdreg s30  }
0x1b: {  	[dreg:$0x13] =	wrdreg s1;
	s0 =	sadd.s32 $0x6400, s0;
	s24 =	simm.s32 $0xC8  }
0x1c: {  	s1 =	simm.s32 $0x20;
	s19 =	simm.s32 $0xE;
	s20 =	simm.s32 $0xF  }
0x1d: {  	s21 =	simm.s32 $0x10;
	[dreg:$0x15] =	wrdreg s0;
	s0 =	simm.s32 $0x0  }
.LBB2_1:
0x1e: {  	[dreg:$0x16] =	wrdreg s0  }
0x1f: {  	s5 =	simm.s32 $0x0;
	s22 =	rddreg [dreg:$0x3];
	s0 =	simm.s32 $0x11  }
0x20: {  	[tilespmem:s5], [sflag:$0x11] =	stream.linear.gather [hbm4b:s22+s5], $0x6400, $0x38;
	[tilespmem:$0x12C00] =	vst v63  }
0x21: {  	_ =	swait.ge [sflag:s0], $0x6400  }
0x22: {  	[sflag:s0] =	ssyncset.done $0x0  }
0x23: {  	s22 =	simm.s32 $0x6400;
	[sflag:s0] =	ssyncadd.s32 $0xFFFF9C00  }
0x24: {  	[tilespmem:s22], [sflag:$0x1] =	stream.indirect.gather [hbm4b:s3+s24], $0x20, s5, s24, $0xb8;
	[tilespmem:$0x12C00] =	vst v63  }
0x25: {  	s23 =	simm.s32 $0x7D00  }
0x26: {  	[tilespmem:s23], [sflag:$0x2] =	stream.indirect.gather [hbm4b:s3+s24], $0x20, s24, s24, $0xb8;
	[tilespmem:$0x12C00] =	vst v63  }
0x27: {  	s4 =	simm.s32 $0x190;
	s26 =	simm.s32 $0x9600  }
0x28: {  	[tilespmem:s26], [sflag:$0x3] =	stream.indirect.gather [hbm4b:s3+s24], $0x20, s4, s24, $0xb8;
	[tilespmem:$0x12C00] =	vst v63  }
0x29: {  	s7 =	simm.s32 $0x258;
	s29 =	simm.s32 $0xAF00;
	s0 =	simm.s32 $0x1  }
0x2a: {  	[tilespmem:s29], [sflag:$0x4] =	stream.indirect.gather [hbm4b:s3+s24], $0x20, s7, s24, $0xb8;
	[tilespmem:$0x12C00] =	vst v63  }
0x2b: {  	_ =	swait.ge [sflag:s0], $0x1900  }
0x2c: {  	[sflag:s0] =	ssyncset.done $0x0  }
0x2d: {  	s9 =	rddreg [dreg:$0x4];
	[sflag:s0] =	ssyncadd.s32 $0xFFFFE700  }
0x2e: {  	[hbm4b:s9+s1] =	stream.strided.scatter [tilespmem:s22], [sflag:$0x9], $0x1900, s28, s1, $0x38;
	[tilespmem:$0x12C00] =	vst v63  }
0x2f: {  	s25 =	simm.s32 $0x320;
	s30 =	simm.s32 $0xC800  }
0x30: {  	[tilespmem:s30], [sflag:$0x5] =	stream.indirect.gather [hbm4b:s3+s24], $0x20, s25, s24, $0xb8;
	[tilespmem:$0x12C00] =	vst v63  }
0x31: {  	_ =	swait.ge [sflag:s2], $0x1900  }
0x32: {  	[sflag:s2] =	ssyncset.done $0x0  }
0x33: {  	s31 =	rddreg [dreg:$0x5];
	[sflag:s2] =	ssyncadd.s32 $0xFFFFE700  }
0x34: {  	[hbm4b:s31+s1] =	stream.strided.scatter [tilespmem:s23], [sflag:$0xA], $0x1900, s28, s1, $0x38;
	[tilespmem:$0x12C00] =	vst v63  }
0x35: {  	s4 =	simm.s32 $0x3E8;
	s31 =	simm.s32 $0xE100  }
0x36: {  	[tilespmem:s31], [sflag:$0x6] =	stream.indirect.gather [hbm4b:s3+s24], $0x20, s4, s24, $0xb8;
	[tilespmem:$0x12C00] =	vst v63  }
0x37: {  	_ =	swait.ge [sflag:s6], $0x1900  }
0x38: {  	[sflag:s6] =	ssyncset.done $0x0  }
0x39: {  	s4 =	rddreg [dreg:$0x6];
	[sflag:s6] =	ssyncadd.s32 $0xFFFFE700  }
0x3a: {  	[hbm4b:s4+s1] =	stream.strided.scatter [tilespmem:s26], [sflag:$0xB], $0x1900, s28, s1, $0x38;
	[tilespmem:$0x12C00] =	vst v63  }
0x3b: {  	s5 =	simm.s32 $0x4B0;
	s7 =	simm.s32 $0xFA00  }
0x3c: {  	[tilespmem:s7], [sflag:$0x7] =	stream.indirect.gather [hbm4b:s3+s24], $0x20, s5, s24, $0xb8;
	[tilespmem:$0x12C00] =	vst v63  }
0x3d: {  	_ =	swait.ge [sflag:s8], $0x1900  }
0x3e: {  	[sflag:s8] =	ssyncset.done $0x0  }
0x3f: {  	s9 =	rddreg [dreg:$0x7];
	[sflag:s8] =	ssyncadd.s32 $0xFFFFE700  }
0x40: {  	[hbm4b:s9+s1] =	stream.strided.scatter [tilespmem:s29], [sflag:$0xC], $0x1900, s28, s1, $0x38;
	[tilespmem:$0x12C00] =	vst v63  }
0x41: {  	s25 =	simm.s32 $0x578;
	s9 =	simm.s32 $0x11300  }
0x42: {  	[tilespmem:s9], [sflag:$0x8] =	stream.indirect.gather [hbm4b:s3+s24], $0x20, s25, s24, $0xb8;
	[tilespmem:$0x12C00] =	vst v63  }
0x43: {  	_ =	swait.ge [sflag:s10], $0x1900  }
0x44: {  	[sflag:s10] =	ssyncset.done $0x0  }
0x45: {  	s4 =	rddreg [dreg:$0x8];
	[sflag:s10] =	ssyncadd.s32 $0xFFFFE700  }
0x46: {  	[hbm4b:s4+s1] =	stream.strided.scatter [tilespmem:s30], [sflag:$0xD], $0x1900, s28, s1, $0x38;
	[tilespmem:$0x12C00] =	vst v63  }
0x47: {  	_ =	swait.ge [sflag:s11], $0x1900  }
0x48: {  	[sflag:s11] =	ssyncset.done $0x0  }
0x49: {  	s25 =	simm.s32 $0x640;
	[sflag:s11] =	ssyncadd.s32 $0xFFFFE700  }
0x4a: {  	[tilespmem:s22], [sflag:$0x1] =	stream.indirect.gather [hbm4b:s3+s24], $0x20, s25, s24, $0xb8;
	[tilespmem:$0x12C00] =	vst v63  }
0x4b: {  	_ =	swait.ge [sflag:s12], $0x1900  }
0x4c: {  	[sflag:s12] =	ssyncset.done $0x0  }
0x4d: {  	s4 =	rddreg [dreg:$0x9];
	[sflag:s12] =	ssyncadd.s32 $0xFFFFE700  }
0x4e: {  	[hbm4b:s4+s1] =	stream.strided.scatter [tilespmem:s31], [sflag:$0xE], $0x1900, s28, s1, $0x38;
	[tilespmem:$0x12C00] =	vst v63  }
0x4f: {  	_ =	swait.ge [sflag:s13], $0x1900  }
0x50: {  	[sflag:s13] =	ssyncset.done $0x0  }
0x51: {  	s25 =	simm.s32 $0x708;
	[sflag:s13] =	ssyncadd.s32 $0xFFFFE700  }
0x52: {  	[tilespmem:s23], [sflag:$0x2] =	stream.indirect.gather [hbm4b:s3+s24], $0x20, s25, s24, $0xb8;
	[tilespmem:$0x12C00] =	vst v63  }
0x53: {  	_ =	swait.ge [sflag:s14], $0x1900  }
0x54: {  	[sflag:s14] =	ssyncset.done $0x0  }
0x55: {  	s4 =	rddreg [dreg:$0xa];
	[sflag:s14] =	ssyncadd.s32 $0xFFFFE700  }
0x56: {  	[hbm4b:s4+s1] =	stream.strided.scatter [tilespmem:s7], [sflag:$0xF], $0x1900, s28, s1, $0x38;
	[tilespmem:$0x12C00] =	vst v63  }
0x57: {  	_ =	swait.ge [sflag:s15], $0x1900  }
0x58: {  	[sflag:s15] =	ssyncset.done $0x0  }
0x59: {  	s25 =	simm.s32 $0x7D0;
	[sflag:s15] =	ssyncadd.s32 $0xFFFFE700  }
0x5a: {  	[tilespmem:s26], [sflag:$0x3] =	stream.indirect.gather [hbm4b:s3+s24], $0x20, s25, s24, $0xb8;
	[tilespmem:$0x12C00] =	vst v63  }
0x5b: {  	_ =	swait.ge [sflag:s16], $0x1900  }
0x5c: {  	[sflag:s16] =	ssyncset.done $0x0  }
0x5d: {  	s4 =	rddreg [dreg:$0xb];
	[sflag:s16] =	ssyncadd.s32 $0xFFFFE700  }
0x5e: {  	[hbm4b:s4+s1] =	stream.strided.scatter [tilespmem:s9], [sflag:$0x10], $0x1900, s28, s1, $0x38;
	[tilespmem:$0x12C00] =	vst v63  }
0x5f: {  	_ =	swait.ge [sflag:s17], $0x1900  }
0x60: {  	[sflag:s17] =	ssyncset.done $0x0  }
0x61: {  	s25 =	simm.s32 $0x898;
	[sflag:s17] =	ssyncadd.s32 $0xFFFFE700  }
0x62: {  	[tilespmem:s29], [sflag:$0x4] =	stream.indirect.gather [hbm4b:s3+s24], $0x20, s25, s24, $0xb8;
	[tilespmem:$0x12C00] =	vst v63  }
0x63: {  	_ =	swait.ge [sflag:s0], $0x1900  }
0x64: {  	[sflag:s0] =	ssyncset.done $0x0  }
0x65: {  	s25 =	rddreg [dreg:$0x15];
	[sflag:s0] =	ssyncadd.s32 $0xFFFFE700  }
0x66: {  	[hbm4b:s25+s1] =	stream.strided.scatter [tilespmem:s22], [sflag:$0x9], $0x1900, s28, s1, $0x38;
	[tilespmem:$0x12C00] =	vst v63  }
0x67: {  	_ =	swait.ge [sflag:s18], $0x1900  }
0x68: {  	[sflag:s18] =	ssyncset.done $0x0  }
0x69: {  	s4 =	simm.s32 $0x960;
	[sflag:s18] =	ssyncadd.s32 $0xFFFFE700  }
0x6a: {  	[tilespmem:s30], [sflag:$0x5] =	stream.indirect.gather [hbm4b:s3+s24], $0x20, s4, s24, $0xb8;
	[tilespmem:$0x12C00] =	vst v63  }
0x6b: {  	_ =	swait.ge [sflag:s2], $0x1900  }
0x6c: {  	[sflag:s2] =	ssyncset.done $0x0  }
0x6d: {  	s0 =	sadd.s32 $0xC80, s25;
	[sflag:s2] =	ssyncadd.s32 $0xFFFFE700  }
0x6e: {  	[hbm4b:s0+s1] =	stream.strided.scatter [tilespmem:s23], [sflag:$0xA], $0x1900, s28, s1, $0x38;
	[tilespmem:$0x12C00] =	vst v63  }
0x6f: {  	_ =	swait.ge [sflag:s19], $0x1900  }
0x70: {  	[sflag:s19] =	ssyncset.done $0x0  }
0x71: {  	s4 =	simm.s32 $0xA28;
	[sflag:s19] =	ssyncadd.s32 $0xFFFFE700  }
0x72: {  	[tilespmem:s31], [sflag:$0x6] =	stream.indirect.gather [hbm4b:s3+s24], $0x20, s4, s24, $0xb8;
	[tilespmem:$0x12C00] =	vst v63  }
0x73: {  	_ =	swait.ge [sflag:s6], $0x1900  }
0x74: {  	[sflag:s6] =	ssyncset.done $0x0  }
0x75: {  	s0 =	sadd.s32 $0x1900, s25;
	[sflag:s6] =	ssyncadd.s32 $0xFFFFE700  }
0x76: {  	[hbm4b:s0+s1] =	stream.strided.scatter [tilespmem:s26], [sflag:$0xB], $0x1900, s28, s1, $0x38;
	[tilespmem:$0x12C00] =	vst v63  }
0x77: {  	_ =	swait.ge [sflag:s20], $0x1900  }
0x78: {  	[sflag:s20] =	ssyncset.done $0x0  }
0x79: {  	s4 =	simm.s32 $0xAF0;
	[sflag:s20] =	ssyncadd.s32 $0xFFFFE700  }
0x7a: {  	[tilespmem:s7], [sflag:$0x7] =	stream.indirect.gather [hbm4b:s3+s24], $0x20, s4, s24, $0xb8;
	[tilespmem:$0x12C00] =	vst v63  }
0x7b: {  	_ =	swait.ge [sflag:s8], $0x1900  }
0x7c: {  	[sflag:s8] =	ssyncset.done $0x0  }
0x7d: {  	s0 =	sadd.s32 $0x2580, s25;
	[sflag:s8] =	ssyncadd.s32 $0xFFFFE700  }
0x7e: {  	[hbm4b:s0+s1] =	stream.strided.scatter [tilespmem:s29], [sflag:$0xC], $0x1900, s28, s1, $0x38;
	[tilespmem:$0x12C00] =	vst v63  }
0x7f: {  	_ =	swait.ge [sflag:s21], $0x1900  }
0x80: {  	[sflag:s21] =	ssyncset.done $0x0  }
0x81: {  	s4 =	simm.s32 $0xBB8;
	[sflag:s21] =	ssyncadd.s32 $0xFFFFE700  }
0x82: {  	[tilespmem:s9], [sflag:$0x8] =	stream.indirect.gather [hbm4b:s3+s24], $0x20, s4, s24, $0xb8;
	[tilespmem:$0x12C00] =	vst v63  }
0x83: {  	_ =	swait.ge [sflag:s10], $0x1900  }
0x84: {  	[sflag:s10] =	ssyncset.done $0x0  }
0x85: {  	s29 =	sadd.s32 $0x3200, s25;
	[sflag:s10] =	ssyncadd.s32 $0xFFFFE700  }
0x86: {  	[hbm4b:s29+s1] =	stream.strided.scatter [tilespmem:s30], [sflag:$0xD], $0x1900, s28, s1, $0x38;
	[tilespmem:$0x12C00] =	vst v63  }
0x87: {  	_ =	swait.ge [sflag:s11], $0x1900  }
0x88: {  	[sflag:s11] =	ssyncset.done $0x0  }
0x89: {  	s0 =	simm.s32 $0xC80;
	[sflag:s11] =	ssyncadd.s32 $0xFFFFE700  }
0x8a: {  	[tilespmem:s22], [sflag:$0x1] =	stream.indirect.gather [hbm4b:s3+s24], $0x20, s0, s24, $0xb8;
	[tilespmem:$0x12C00] =	vst v63  }
0x8b: {  	_ =	swait.ge [sflag:s12], $0x1900  }
0x8c: {  	[sflag:s12] =	ssyncset.done $0x0  }
0x8d: {  	s4 =	sadd.s32 $0x3E80, s25;
	[sflag:s12] =	ssyncadd.s32 $0xFFFFE700  }
0x8e: {  	[hbm4b:s4+s1] =	stream.strided.scatter [tilespmem:s31], [sflag:$0xE], $0x1900, s28, s1, $0x38;
	[tilespmem:$0x12C00] =	vst v63  }
0x8f: {  	_ =	swait.ge [sflag:s13], $0x1900  }
0x90: {  	[sflag:s13] =	ssyncset.done $0x0  }
0x91: {  	s22 =	simm.s32 $0xD48;
	[sflag:s13] =	ssyncadd.s32 $0xFFFFE700  }
0x92: {  	[tilespmem:s23], [sflag:$0x2] =	stream.indirect.gather [hbm4b:s3+s24], $0x20, s22, s24, $0xb8;
	[tilespmem:$0x12C00] =	vst v63  }
0x93: {  	_ =	swait.ge [sflag:s14], $0x1900  }
0x94: {  	[sflag:s14] =	ssyncset.done $0x0  }
0x95: {  	s29 =	sadd.s32 $0x4B00, s25;
	[sflag:s14] =	ssyncadd.s32 $0xFFFFE700  }
0x96: {  	[hbm4b:s29+s1] =	stream.strided.scatter [tilespmem:s7], [sflag:$0xF], $0x1900, s28, s1, $0x38;
	[tilespmem:$0x12C00] =	vst v63  }
0x97: {  	_ =	swait.ge [sflag:s15], $0x1900  }
0x98: {  	[sflag:s15] =	ssyncset.done $0x0  }
0x99: {  	s30 =	simm.s32 $0xE10;
	[sflag:s15] =	ssyncadd.s32 $0xFFFFE700  }
0x9a: {  	[tilespmem:s26], [sflag:$0x3] =	stream.indirect.gather [hbm4b:s3+s24], $0x20, s30, s24, $0xb8;
	[tilespmem:$0x12C00] =	vst v63  }
0x9b: {  	_ =	swait.ge [sflag:s16], $0x1900  }
0x9c: {  	[sflag:s16] =	ssyncset.done $0x0  }
0x9d: {  	s31 =	sadd.s32 $0x5780, s25;
	[sflag:s16] =	ssyncadd.s32 $0xFFFFE700  }
0x9e: {  	[hbm4b:s31+s1] =	stream.strided.scatter [tilespmem:s9], [sflag:$0x10], $0x1900, s28, s1, $0x38;
	[tilespmem:$0x12C00] =	vst v63  }
0x9f: {  	_ =	swait.ge [sflag:s17], $0x1900  }
0xa0: {  	s5 =	sadd.s32 $0x6400, s25;
	[sflag:s17] =	ssyncset.done $0x0  }
0xa1: {  	s23 =	simm.s32 $0x1900;
	s22 =	simm.s32 $0xED8;
	[sflag:s17] =	ssyncadd.s32 $0xFFFFE700  }
.LBB2_2:
0xa2: {  	s29 =	simm.s32 $0xAF00  }
0xa3: {  	[tilespmem:s29], [sflag:$0x4] =	stream.indirect.gather [hbm4b:s3+s24], $0x20, s22, s24, $0xb8;
	[tilespmem:$0x12C00] =	vst v63  }
0xa4: {  	s0 =	simm.s32 $0x1;
	s22 =	smov.u32 s23  }
0xa5: {  	p0 =	sne.s32 s23, $0x14500;
	s23 =	sadd.s32 $0x1900, s23;
	_ =	swait.ge [sflag:s0], $0x1900  }
0xa6: {  	[sflag:s0] =	ssyncset.done $0x0  }
0xa7: {  	s26 =	simm.s32 $0x6400;
	[sflag:s0] =	ssyncadd.s32 $0xFFFFE700  }
0xa8: {  	[hbm4b:s5+s1] =	stream.strided.scatter [tilespmem:s26], [sflag:$0x9], $0x1900, s28, s1, $0x38;
	[tilespmem:$0x12C00] =	vst v63  }
0xa9: {  	_ =	swait.ge [sflag:s18], $0x1900  }
0xaa: {  	s22 =	sshra.s32 s22, $0x2;
	[sflag:s18] =	ssyncset.done $0x0  }
0xab: {  	s4 =	simm.s32 $0xC800;
	s25 =	sadd.s32 $0x960, s22;
	[sflag:s18] =	ssyncadd.s32 $0xFFFFE700  }
0xac: {  	[tilespmem:s4], [sflag:$0x5] =	stream.indirect.gather [hbm4b:s3+s24], $0x20, s25, s24, $0xb8;
	[tilespmem:$0x12C00] =	vst v63  }
0xad: {  	_ =	swait.ge [sflag:s2], $0x1900  }
0xae: {  	[sflag:s2] =	ssyncset.done $0x0  }
0xaf: {  	s31 =	simm.s32 $0x7D00;
	s25 =	sadd.s32 $0xC80, s5;
	[sflag:s2] =	ssyncadd.s32 $0xFFFFE700  }
0xb0: {  	[hbm4b:s25+s1] =	stream.strided.scatter [tilespmem:s31], [sflag:$0xA], $0x1900, s28, s1, $0x38;
	[tilespmem:$0x12C00] =	vst v63  }
0xb1: {  	_ =	swait.ge [sflag:s19], $0x1900  }
0xb2: {  	[sflag:s19] =	ssyncset.done $0x0  }
0xb3: {  	s7 =	simm.s32 $0xE100;
	s25 =	sadd.s32 $0xA28, s22;
	[sflag:s19] =	ssyncadd.s32 $0xFFFFE700  }
0xb4: {  	[tilespmem:s7], [sflag:$0x6] =	stream.indirect.gather [hbm4b:s3+s24], $0x20, s25, s24, $0xb8;
	[tilespmem:$0x12C00] =	vst v63  }
0xb5: {  	_ =	swait.ge [sflag:s6], $0x1900  }
0xb6: {  	[sflag:s6] =	ssyncset.done $0x0  }
0xb7: {  	s30 =	simm.s32 $0x9600;
	s25 =	sadd.s32 $0x1900, s5;
	[sflag:s6] =	ssyncadd.s32 $0xFFFFE700  }
0xb8: {  	[hbm4b:s25+s1] =	stream.strided.scatter [tilespmem:s30], [sflag:$0xB], $0x1900, s28, s1, $0x38;
	[tilespmem:$0x12C00] =	vst v63  }
0xb9: {  	_ =	swait.ge [sflag:s20], $0x1900  }
0xba: {  	[sflag:s20] =	ssyncset.done $0x0  }
0xbb: {  	s9 =	simm.s32 $0xFA00;
	s25 =	sadd.s32 $0xAF0, s22;
	[sflag:s20] =	ssyncadd.s32 $0xFFFFE700  }
0xbc: {  	[tilespmem:s9], [sflag:$0x7] =	stream.indirect.gather [hbm4b:s3+s24], $0x20, s25, s24, $0xb8;
	[tilespmem:$0x12C00] =	vst v63  }
0xbd: {  	_ =	swait.ge [sflag:s8], $0x1900  }
0xbe: {  	[sflag:s8] =	ssyncset.done $0x0  }
0xbf: {  	s25 =	sadd.s32 $0x2580, s5;
	[sflag:s8] =	ssyncadd.s32 $0xFFFFE700  }
0xc0: {  	[hbm4b:s25+s1] =	stream.strided.scatter [tilespmem:s29], [sflag:$0xC], $0x1900, s28, s1, $0x38;
	[tilespmem:$0x12C00] =	vst v63  }
0xc1: {  	_ =	swait.ge [sflag:s21], $0x1900  }
0xc2: {  	[sflag:s21] =	ssyncset.done $0x0  }
0xc3: {  	s0 =	simm.s32 $0x11300;
	s25 =	sadd.s32 $0xBB8, s22;
	[sflag:s21] =	ssyncadd.s32 $0xFFFFE700  }
0xc4: {  	[tilespmem:s0], [sflag:$0x8] =	stream.indirect.gather [hbm4b:s3+s24], $0x20, s25, s24, $0xb8;
	[tilespmem:$0x12C00] =	vst v63  }
0xc5: {  	_ =	swait.ge [sflag:s10], $0x1900  }
0xc6: {  	[sflag:s10] =	ssyncset.done $0x0  }
0xc7: {  	s25 =	sadd.s32 $0x3200, s5;
	[sflag:s10] =	ssyncadd.s32 $0xFFFFE700  }
0xc8: {  	[hbm4b:s25+s1] =	stream.strided.scatter [tilespmem:s4], [sflag:$0xD], $0x1900, s28, s1, $0x38;
	[tilespmem:$0x12C00] =	vst v63  }
0xc9: {  	_ =	swait.ge [sflag:s11], $0x1900  }
0xca: {  	[sflag:s11] =	ssyncset.done $0x0  }
0xcb: {  	s29 =	simm.s32 $0x6400;
	s25 =	sadd.s32 $0xC80, s22;
	[sflag:s11] =	ssyncadd.s32 $0xFFFFE700  }
0xcc: {  	[tilespmem:s26], [sflag:$0x1] =	stream.indirect.gather [hbm4b:s3+s24], $0x20, s25, s24, $0xb8;
	[tilespmem:$0x12C00] =	vst v63  }
0xcd: {  	_ =	swait.ge [sflag:s12], $0x1900  }
0xce: {  	[sflag:s12] =	ssyncset.done $0x0  }
0xcf: {  	s25 =	sadd.s32 $0x3E80, s5;
	[sflag:s12] =	ssyncadd.s32 $0xFFFFE700  }
0xd0: {  	[hbm4b:s25+s1] =	stream.strided.scatter [tilespmem:s7], [sflag:$0xE], $0x1900, s28, s1, $0x38;
	[tilespmem:$0x12C00] =	vst v63  }
0xd1: {  	_ =	swait.ge [sflag:s13], $0x1900  }
0xd2: {  	[sflag:s13] =	ssyncset.done $0x0  }
0xd3: {  	s26 =	simm.s32 $0x7D00;
	s25 =	sadd.s32 $0xD48, s22;
	[sflag:s13] =	ssyncadd.s32 $0xFFFFE700  }
0xd4: {  	[tilespmem:s31], [sflag:$0x2] =	stream.indirect.gather [hbm4b:s3+s24], $0x20, s25, s24, $0xb8;
	[tilespmem:$0x12C00] =	vst v63  }
0xd5: {  	_ =	swait.ge [sflag:s14], $0x1900  }
0xd6: {  	[sflag:s14] =	ssyncset.done $0x0  }
0xd7: {  	s25 =	sadd.s32 $0x4B00, s5;
	[sflag:s14] =	ssyncadd.s32 $0xFFFFE700  }
0xd8: {  	[hbm4b:s25+s1] =	stream.strided.scatter [tilespmem:s9], [sflag:$0xF], $0x1900, s28, s1, $0x38;
	[tilespmem:$0x12C00] =	vst v63  }
0xd9: {  	_ =	swait.ge [sflag:s15], $0x1900  }
0xda: {  	[sflag:s15] =	ssyncset.done $0x0  }
0xdb: {  	s31 =	simm.s32 $0x9600;
	s25 =	sadd.s32 $0xE10, s22;
	[sflag:s15] =	ssyncadd.s32 $0xFFFFE700  }
0xdc: {  	[tilespmem:s30], [sflag:$0x3] =	stream.indirect.gather [hbm4b:s3+s24], $0x20, s25, s24, $0xb8;
	[tilespmem:$0x12C00] =	vst v63  }
0xdd: {  	_ =	swait.ge [sflag:s16], $0x1900  }
0xde: {  	[sflag:s16] =	ssyncset.done $0x0  }
.Ltmp0:
0xdf: {  	s25 =	sadd.s32 $0x5780, s5;
	[sflag:s16] =	ssyncadd.s32 $0xFFFFE700;
	(pc) =	sbr.rel @p0 .LBB2_2-.Ltmp0, $4  }
0xe0: {  	[hbm4b:s25+s1] =	stream.strided.scatter [tilespmem:s0], [sflag:$0x10], $0x1900, s28, s1, $0x38;
	[tilespmem:$0x12C00] =	vst v63  }
0xe1: {  	_ =	swait.ge [sflag:s17], $0x1900  }
0xe2: {  	[sflag:s17] =	ssyncset.done $0x0  }
0xe3: {  	s22 =	sadd.s32 $0xED8, s22;
	s5 =	sadd.s32 $0x6400, s5;
	[sflag:s17] =	ssyncadd.s32 $0xFFFFE700  }
0xe4: {  	s23 =	simm.s32 $0xAF00;
	s0 =	simm.s32 $0x1  }
0xe5: {  	[tilespmem:s23], [sflag:$0x4] =	stream.indirect.gather [hbm4b:s3+s24], $0x20, s22, s24, $0xb8;
	[tilespmem:$0x12C00] =	vst v63  }
0xe6: {  	_ =	swait.ge [sflag:s0], $0x1900  }
0xe7: {  	[sflag:s0] =	ssyncset.done $0x0  }
0xe8: {  	s5 =	rddreg [dreg:$0xc];
	[sflag:s0] =	ssyncadd.s32 $0xFFFFE700  }
0xe9: {  	[hbm4b:s5+s1] =	stream.strided.scatter [tilespmem:s29], [sflag:$0x9], $0x1900, s28, s1, $0x38;
	[tilespmem:$0x12C00] =	vst v63  }
0xea: {  	_ =	swait.ge [sflag:s18], $0x1900  }
0xeb: {  	[sflag:s18] =	ssyncset.done $0x0  }
0xec: {  	s4 =	simm.s32 $0xC800;
	s9 =	simm.s32 $0x60E0;
	[sflag:s18] =	ssyncadd.s32 $0xFFFFE700  }
0xed: {  	[tilespmem:s4], [sflag:$0x5] =	stream.indirect.gather [hbm4b:s3+s24], $0x20, s9, s24, $0xb8;
	[tilespmem:$0x12C00] =	vst v63  }
0xee: {  	_ =	swait.ge [sflag:s2], $0x1900  }
0xef: {  	[sflag:s2] =	ssyncset.done $0x0  }
0xf0: {  	s22 =	rddreg [dreg:$0xd];
	[sflag:s2] =	ssyncadd.s32 $0xFFFFE700  }
0xf1: {  	[hbm4b:s22+s1] =	stream.strided.scatter [tilespmem:s26], [sflag:$0xA], $0x1900, s28, s1, $0x38;
	[tilespmem:$0x12C00] =	vst v63  }
0xf2: {  	_ =	swait.ge [sflag:s19], $0x1900  }
0xf3: {  	[sflag:s19] =	ssyncset.done $0x0  }
0xf4: {  	s7 =	simm.s32 $0xE100;
	s25 =	simm.s32 $0x61A8;
	[sflag:s19] =	ssyncadd.s32 $0xFFFFE700  }
0xf5: {  	[tilespmem:s7], [sflag:$0x6] =	stream.indirect.gather [hbm4b:s3+s24], $0x20, s25, s24, $0xb8;
	[tilespmem:$0x12C00] =	vst v63  }
0xf6: {  	_ =	swait.ge [sflag:s6], $0x1900  }
0xf7: {  	[sflag:s6] =	ssyncset.done $0x0  }
0xf8: {  	s26 =	rddreg [dreg:$0xe];
	[sflag:s6] =	ssyncadd.s32 $0xFFFFE700  }
0xf9: {  	[hbm4b:s26+s1] =	stream.strided.scatter [tilespmem:s31], [sflag:$0xB], $0x1900, s28, s1, $0x38;
	[tilespmem:$0x12C00] =	vst v63  }
0xfa: {  	_ =	swait.ge [sflag:s20], $0x1900  }
0xfb: {  	[sflag:s20] =	ssyncset.done $0x0  }
0xfc: {  	s29 =	simm.s32 $0x6270;
	s9 =	simm.s32 $0xFA00;
	[sflag:s20] =	ssyncadd.s32 $0xFFFFE700  }
0xfd: {  	[tilespmem:s9], [sflag:$0x7] =	stream.indirect.gather [hbm4b:s3+s24], $0x20, s29, s24, $0xb8;
	[tilespmem:$0x12C00] =	vst v63  }
0xfe: {  	_ =	swait.ge [sflag:s8], $0x1900  }
0xff: {  	[sflag:s8] =	ssyncset.done $0x0  }
0x100: {  	s30 =	rddreg [dreg:$0xf];
	[sflag:s8] =	ssyncadd.s32 $0xFFFFE700  }
0x101: {  	[hbm4b:s30+s1] =	stream.strided.scatter [tilespmem:s23], [sflag:$0xC], $0x1900, s28, s1, $0x38;
	[tilespmem:$0x12C00] =	vst v63  }
0x102: {  	_ =	swait.ge [sflag:s21], $0x1900  }
0x103: {  	[sflag:s21] =	ssyncset.done $0x0  }
0x104: {  	s22 =	simm.s32 $0x6338;
	s31 =	simm.s32 $0x11300;
	[sflag:s21] =	ssyncadd.s32 $0xFFFFE700  }
0x105: {  	[tilespmem:s31], [sflag:$0x8] =	stream.indirect.gather [hbm4b:s3+s24], $0x20, s22, s24, $0xb8;
	[tilespmem:$0x12C00] =	vst v63  }
0x106: {  	_ =	swait.ge [sflag:s10], $0x1900  }
0x107: {  	[sflag:s10] =	ssyncset.done $0x0  }
0x108: {  	s23 =	rddreg [dreg:$0x10];
	[sflag:s10] =	ssyncadd.s32 $0xFFFFE700  }
0x109: {  	[hbm4b:s23+s1] =	stream.strided.scatter [tilespmem:s4], [sflag:$0xD], $0x1900, s28, s1, $0x38;
	[tilespmem:$0x12C00] =	vst v63  }
0x10a: {  	_ =	swait.ge [sflag:s11], $0x1900  }
0x10b: {  	[sflag:s11] =	ssyncset.done $0x0  }
0x10c: {  	[sflag:s11] =	ssyncadd.s32 $0xFFFFE700  }
0x10d: {  	_ =	swait.ge [sflag:s12], $0x1900  }
0x10e: {  	[sflag:s12] =	ssyncset.done $0x0  }
0x10f: {  	s25 =	rddreg [dreg:$0x11];
	[sflag:s12] =	ssyncadd.s32 $0xFFFFE700  }
0x110: {  	[hbm4b:s25+s1] =	stream.strided.scatter [tilespmem:s7], [sflag:$0xE], $0x1900, s28, s1, $0x38;
	[tilespmem:$0x12C00] =	vst v63  }
0x111: {  	_ =	swait.ge [sflag:s13], $0x1900  }
0x112: {  	[sflag:s13] =	ssyncset.done $0x0  }
0x113: {  	[sflag:s13] =	ssyncadd.s32 $0xFFFFE700  }
0x114: {  	_ =	swait.ge [sflag:s14], $0x1900  }
0x115: {  	[sflag:s14] =	ssyncset.done $0x0  }
0x116: {  	s26 =	rddreg [dreg:$0x12];
	[sflag:s14] =	ssyncadd.s32 $0xFFFFE700  }
0x117: {  	[hbm4b:s26+s1] =	stream.strided.scatter [tilespmem:s9], [sflag:$0xF], $0x1900, s28, s1, $0x38;
	[tilespmem:$0x12C00] =	vst v63  }
0x118: {  	_ =	swait.ge [sflag:s15], $0x1900  }
0x119: {  	[sflag:s15] =	ssyncset.done $0x0  }
0x11a: {  	[sflag:s15] =	ssyncadd.s32 $0xFFFFE700  }
0x11b: {  	_ =	swait.ge [sflag:s16], $0x1900  }
0x11c: {  	[sflag:s16] =	ssyncset.done $0x0  }
0x11d: {  	s29 =	rddreg [dreg:$0x13];
	[sflag:s16] =	ssyncadd.s32 $0xFFFFE700  }
0x11e: {  	[hbm4b:s29+s1] =	stream.strided.scatter [tilespmem:s31], [sflag:$0x10], $0x1900, s28, s1, $0x38;
	[tilespmem:$0x12C00] =	vst v63  }
0x11f: {  	_ =	swait.ge [sflag:s17], $0x1900  }
0x120: {  	[sflag:s17] =	ssyncset.done $0x0  }
0x121: {  	[sflag:s17] =	ssyncadd.s32 $0xFFFFE700  }
0x122: {  	_ =	swait.ge [sflag:s18], $0x1900  }
0x123: {  	[sflag:s18] =	ssyncset.done $0x0  }
0x124: {  	[sflag:s18] =	ssyncadd.s32 $0xFFFFE700  }
0x125: {  	_ =	swait.ge [sflag:s19], $0x1900  }
0x126: {  	[sflag:s19] =	ssyncset.done $0x0  }
0x127: {  	[sflag:s19] =	ssyncadd.s32 $0xFFFFE700  }
0x128: {  	_ =	swait.ge [sflag:s20], $0x1900  }
0x129: {  	[sflag:s20] =	ssyncset.done $0x0  }
0x12a: {  	[sflag:s20] =	ssyncadd.s32 $0xFFFFE700  }
0x12b: {  	_ =	swait.ge [sflag:s21], $0x1900  }
0x12c: {  	s30 =	rddreg [dreg:$0x16]  }
0x12d: {  	s31 =	rddreg [dreg:$0x14];
	s0 =	sadd.s32 $0x1, s30  }
0x12e: {  	p0 =	sne.s32 s0, s31  }
.Ltmp1:
0x12f: {  	_ = 	snop;
	(pc) =	sbr.rel @p0 .LBB2_1-.Ltmp1, $3  }
0x130: {  	_ =	sdelay $0x1  }
0x131: {  	[sflag:s21] =	ssyncset.done $0x0  }
0x132: {  	[sflag:s21] =	ssyncadd.s32 $0xFFFFE700  }
0x133: {  	_ =	sfence.sel $0x180000  }
0x134: {  	[bflag:$0x0] =	sbarrier.arrive $0xFFFF  }
0x135: {  	_ =	strace $0x90000047  }
0x136: {  	s0 =	stileid.u32;
	[bflag:$0x2] =	sbarrier.arrive $0xFFFF  }
0x137: {  	p0 =	sne.s32 s0, $0x0;
	s0 =	rddreg [dreg:$0x2]  }
0x138: {  	s0 =	sadd.s32 @!p0 $0x100000, s0  }
0x139: {  	[sflag:s0] =	ssyncadd.tile.s32 @!p0 $0x1;
	_ =	shalt  }
.Lfunc_end2:
_tile_overlayer_lowered:
.L_overlay_start_2:
0x13a: {  	(tag) =	ssettag $0x2  }
0x13b: {  	s0 =	rddreg [dreg:$0x0];
	s2 =	stileid.u32  }
0x13c: {  	s1 =	rddreg [dreg:$0x1];
	p0 =	sne.s32 s2, $0x0  }
0x13d: {  	s3 =	rddreg [dreg:$0x2];
	[bflag:$0x3] =	sbarrier.arrive $0xFFFF;
	s2 =	simm.s32 @!p0 $0x1C11  }
0x13e: {  	[timem:s3], [sflag:s2] =	dma.local @!p0 [hbm:s0], s1  }
0x13f: {  	s0 =	simm.s32 @!p0 $0x11  }
0x140: {  	_ =	swait.ge @!p0 [sflag:s0], s1  }
0x141: {  	s1 =	ssub.s32 @!p0 $0x0, s1;
	[sflag:s0] =	ssyncset.done @!p0 $0x0  }
0x142: {  	[sflag:s0] =	ssyncadd.s32 @!p0 s1  }
0x143: {  	[bflag:$0x3] =	sbarrier.arrive $0xFFFF  }
0x144: {  	_ =	shalt  }

// kernel: sparse-core-data-format-call.cloned.1.call-start
scs
called_computation_lowered:
.L_overlay_start_0:
0x0: {  	s2 =	sld [smem:$0x3FD9]  }
0x1: {  	s3 =	sld [smem:$0x3FFE];
	_ =	sdelay $0x1  }
0x2: {  	s1 =	srdreg.scid  }
0x3: {  	s0 =	sand.u32 $0x1, s1  }
0x4: {  	s18 =	sshll.u32 s0, $0xA;
	s2 =	sadd.s32 s3, s2  }
0x5: {  	s2 =	sadd.s32 s2, s18  }
0x6: {  	[smem:$0x3FC6] =	sst s2  }
0x7: {  	_ = 	snop  }
0x8: {  	s2 =	sld [smem:$0x3FD0];
	(tm) =	ssettm $0x1  }
0x9: {  	s19 =	sld [smem:$0x3FFB];
	_ =	sdelay $0x3  }
0xa: {  	_ =	strace s19  }
0xb: {  	s3 =	sld [smem:$0x3FFC];
	_ =	sdelay $0x3  }
0xc: {  	_ =	strace s3  }
0xd: {  	s3 =	sld [smem:$0x3FFD];
	_ =	sdelay $0x3  }
0xe: {  	_ =	strace s3  }
0xf: {  	_ =	strace $0x8FFFFFFF  }
0x10: {  	s20 =	sld [smem:$0x3FDB];
	_ =	sdelay $0x1  }
0x11: {  	s4 =	simm.s32 $_scs_section_size  }
0x12: {  	s5 =	simm.s32 $_size__tile_overlayer_lowered;
	s6 =	simm.s32 $_tile_overlayer_lowered  }
0x13: {  	s23 =	simm.s32 $0x1BFF;
	s22 =	sshll.u32 s6, $0x1;
	s3 =	sadd.s32 s4, s20  }
0x14: {  	s7 =	simm.s32 $0x0;
	s21 =	sshll.u32 s5, $0x1;
	s5 =	sadd.s32 s22, s3  }
0x15: {  	[timem:s7], [sflag:s23] =	dma.local [hbm:s5], s21  }
0x16: {  	_ =	swait.ge [sflag:s23], s21  }
0x17: {  	s4 =	ssub.s32 $0x0, s21;
	[sflag:s23] =	ssyncset.done $0x0  }
0x18: {  	[sflag:s23] =	ssyncadd.s32 s4;
	_ =	sdelay $0x1  }
0x19: {  	s24 =	simm.s32 $0x1B8B  }
0x1a: {  	_ =	swait.ge [sflag:s24], $0x1  }
0x1b: {  	[sflag:s24] =	ssyncset.done $0x0  }
0x1c: {  	s26 =	simm.s32 $0x1B8E;
	s25 =	sld [smem:$0x3FFE];
	[sflag:s24] =	ssyncadd.s32 $0xFFFFFFFF  }
0x1d: {  	s27 =	simm.s32 $execute0_lowered;
	[smem:$0x3FD2] =	sst s26  }
0x1e: {  	s5 =	sshll.u32 s27, $0x1;
	_ =	strace $0x80000049;
	[dreg:$0x1] =	wrdreg $0xFFFFFFFF  }
0x1f: {  	s28 =	simm.s32 $_size_execute0_lowered;
	s3 =	sadd.s32 s3, s5;
	[dreg:$0x0] =	wrdreg $0x0  }
0x20: {  	s5 =	sshll.u32 s28, $0x1;
	[dreg:$0x2] =	wrdreg s3  }
0x21: {  	[dreg:$0x3] =	wrdreg s5  }
0x22: {  	[dreg:$0x4] =	wrdreg $0xC0  }
0x23: {  	_ =	task [dreg:s7], $0x5FFFF  }
0x24: {  	[dreg:$0x1] =	wrdreg $0xFFFFFFFF  }
0x25: {  	[dreg:$0x0] =	wrdreg $0x60  }
0x26: {  	[dreg:$0x2] =	wrdreg s25  }
0x27: {  	[dreg:$0x3] =	wrdreg s2  }
0x28: {  	[dreg:$0x4] =	wrdreg $0x9  }
0x29: {  	_ =	task.clear_ibuf [dreg:s7], $0x5FFFF;
	_ =	strace $0x90000049  }
0x2a: {  	s29 =	simm.s32 $0x9;
	_ =	strace $0x8000004B  }
0x2b: {  	_ =	swait.ge [sflag:s29], $0x1  }
0x2c: {  	[sflag:s29] =	ssyncadd.s32 $0xFFFFFFFF  }
0x2d: {  	_ =	strace $0x9000004B  }
0x2e: {  	_ =	sfence  }
0x2f: {  	s30 =	sld [smem:$0x0];
	_ =	sdelay $0x2  }
0x30: {  	s31 =	sshll.u32 s1, $0xD;
	s1 =	sshrl.u32 s1, $0x2  }
0x31: {  	s3 =	sand.u32 $0x4000, s31;
	s1 =	sadd.s32 s1, s30  }
0x32: {  	s0 =	sor.u32 s3, s0;
	s1 =	sshll.u32 s1, $0x11  }
0x33: {  	s0 =	sor.u32 s1, s0  }
0x34: {  	s0 =	sadd.s32 $0x8F2B, s0  }
0x35: {  	[sflag:s0] =	ssyncadd.remote.s32 $0x1  }
0x36: {  	_ =	sfence.sel $0xFFFF  }
0x37: {  	[dreg:$0x0] =	wrdreg $0xFFFFFFFF;
	(pc) =	sbr.abs _section_cstart, $3  }
0x38: {  	[dreg:$0x1] =	wrdreg $0xFFFFFFFF  }
0x39: {  	_ =	task.clear_ibuf [dreg:s7], $0x2FFFF;
	_ =	strace $0x9FFFFFFF  }
0x3a: {  	(tm) =	ssettm $0x7FFFFFFF  }
0x3b: {  	_ =	shalt  }
tec
execute0_lowered:
.L_overlay_start_1:
0x0: {  	(tag) =	ssettag $0x1  }
0x1: {  	s0 =	srdreg.scid  }
0x2: {  	s1 =	sshll.u32 s0, $0x4  }
0x3: {  	s0 =	stileid.u32;
	s1 =	sand.u32 $0x10, s1  }
0x4: {  	s1 =	sor.u32 s0, s1  }
0x5: {  	s6 =	rddreg [dreg:$0x0];
	s4 =	simm.s32 $0x1;
	s2 =	sshll.u32 s1, $0x7  }
0x6: {  	s7 =	simm.s32 $0x2;
	s12 =	simm.s32 $0x0;
	s1 =	ssub.s32 $0x1000, s2  }
0x7: {  	s8 =	simm.s32 $0x8000;
	s13 =	simm.s32 $0x0;
	s3 =	sand.u32 $0xF80, s1  }
0x8: {  	s9 =	simm.s32 $0x0;
	s5 =	sshrl.u32 s1, $0xC;
	p0 =	sne.s32 s3, $0x0  }
.Ltmp0:
0x9: {  	s1 =	rddreg [dreg:$0x2];
	s4 =	simm.s32 @!p0 $0x0;
	(pc) =	sbr.rel .LBB1_1-.Ltmp0, $4  }
0xa: {  	s11 =	simm.s32 $0x0;
	s3 =	rddreg [dreg:$0x1];
	s5 =	sadd.s32 s4, s5  }
0xb: {  	_ =	strace $0x8000004A;
	s4 =	simm.s32 $0x1;
	s5 =	smul.u32 $0xC8, s5  }
0xc: {  	s6 =	sadd.s32 $0xA00, s6;
	s10 =	smov.u32 s2;
	[sflag:s4] =	ssyncpa.u1 $0x0  }
0xd: {  	p0 =	por $0x0, $0x0;
	[sflag:s7] =	ssyncpa.u1 $0x0;
	s7 =	sor.u32 $0x1, s5  }
.LBB1_4:
0xe: {  	s16 =	sshll.u32 s13, $0x3;
	s17 =	sand.u32 $0x78, s13  }
0xf: {  	s30 =	sand.u32 $0x3E00, s13;
	s12 =	sshll.u32 s12, $0xE;
	s16 =	sand.u32 $0xC00, s16  }
0x10: {  	s31 =	sand.u32 $0x7, s13;
	s16 =	sor.u32 s17, s16;
	s17 =	sadd.s32 s3, s30  }
0x11: {  	s13 =	sshll.u32 s31, $0x12;
	s16 =	sshrl.u32 s16, $0x3;
	s12 =	sadd.s32 s12, s17  }
0x12: {  	[tilespmem:s15+$0x0 ss:$0x81] =	vst.msk $0xffff, v0;
	s13 =	sor.u32 $0x400, s13;
	s12 =	sadd.s32 s16, s12  }
0x13: {  	[hbm4b:s12+s13] =	stream.strided.scatter [tilespmem:s14], [sflag:$0x2], $0x1000, s8, s13, $0x20;
	[tilespmem:$0x4040] =	vst v63  }
.LBB1_5:
0x14: {  	s14 =	sadd.s32 $0x1, s9  }
0x15: {  	s12 =	sadd.s32 $0x1000, s10;
	s16 =	smov.u32 s10;
	p2 =	sgt.s32 s14, $0xC7  }
0x16: {  	s16 =	smov.u32 @p2 s12  }
0x17: {  	s14 =	simm.s32 @p2 $0x0;
	p2 =	sgt.s32 s16, $0xFFF  }
0x18: {  	s16 =	smov.u32 @p2 s2;
	p2 =	sne.s32 s11, s7  }
.Ltmp1:
0x19: {  	p1 =	slt.u32 s11, $0x2;
	(pc) =	sbr.rel @!p2 .LBB1_6-.Ltmp1, $4  }
0x1a: {  	s15 =	simm.s32 @!p1 $0x2  }
0x1b: {  	s13 =	smov.u32 s10;
	p0 =	por !p0, !p0;
	_ =	swait.ge @!p1 [sflag:s15], $0x1000  }
0x1c: {  	s12 =	smov.u32 s9;
	[sflag:s15] =	ssyncset.done @!p1 $0x0;
	s9 =	smov.u32 s14  }
0x1d: {  	s11 =	sadd.s32 $0x1, s11;
	[sflag:s15] =	ssyncadd.s32 @!p1 $0xFFFFF000;
	s10 =	smov.u32 s16  }
.LBB1_1:
0x1e: {  	p1 =	sge.u32 s11, s5  }
0x1f: {  	s14 =	sand.u32 @!p1 $0x1FFFFFF, s9  }
0x20: {  	s15 =	smulhi.u32 @!p1 $0x147AE15, s14;
	_ =	sdelay $0x1  }
0x21: {  	s15 =	smul.u32 @!p1 $0xC8, s15  }
0x22: {  	s16 =	sxor.u32 @!p1 $0xFFFFFFFF, s11;
	s17 =	smul.u32 @!p1 $0xC80, s10  }
0x23: {  	s31 =	sadd.s32 $0xFFFFFFFF, s11;
	s16 =	sshll.u32 @!p1 s16, $0xC;
	s14 =	ssub.s32 @!p1 s14, s15  }
0x24: {  	s15 =	sand.u32 @!p1 $0x1000, s16;
	s16 =	sadd.s32 @!p1 s6, s17;
	s14 =	sshll.u32 @!p1 s14, $0x4  }
0x25: {  	s17 =	simm.s32 @!p1 $0x6400;
	s14 =	sadd.s32 @!p1 s14, s16;
	s16 =	simm.s32 @!p1 $0x20  }
0x26: {  	[tilespmem:s15], [sflag:$0x1] =	stream.strided.gather @!p1 [hbm4b:s14+s16], $0x1000, s17, s16, $0x38;
	[tilespmem:$0x4040] =	vst v63  }
0x27: {  	p1 =	sge.u32 s31, s5  }
.Ltmp2:
0x28: {  	_ = 	snop;
	(pc) =	sbr.rel @p1 .LBB1_5-.Ltmp2, $1  }
0x29: {  	_ =	sdelay $0x3  }
0x2a: {  	s14 =	simm.s32 $0x1  }
0x2b: {  	_ =	swait.ge [sflag:s4], $0x1000;
	s14 =	simm.s32 @!p0 $0x0  }
0x2c: {  	[sflag:s4] =	ssyncset.done $0x0;
	s15 =	sshll.u32 s14, $0xC  }
0x2d: {  	[sflag:s4] =	ssyncadd.s32 $0xFFFFF000;
	s18 =	sor.u32 $0x10, s15  }
0x2e: {  	s14 =	smul.u32 $0x4080, s14;
	v1 =	vld [tilespmem:s18+$0x0]  }
0x2f: {  	s30 =	sand.u32 $0x1, s11;
	v0 =	vld [tilespmem:s18+$0xFFFFFFF0]  }
0x30: {  	s15 =	smul.u32 $0x4080, s30;
	s14 =	sshrl.u32 s14, $0x2  }
0x31: {  	s16 =	sor.u32 $0x2000, s14  }
0x32: {  	s31 =	sshrl.u32 s15, $0x2;
	s15 =	sadd.s32 $0x0, s16  }
0x33: {  	s17 =	simm.s32 $0x4;
	s18 =	sadd.s32 $0x20, s18;
	s14 =	sor.u32 $0x2000, s31;
	[tilespmem:s15+$0x810 ss:$0x81] =	vst.msk $0xffff, v1  }
.LBB1_3:
0x34: {  	v1 =	vld [tilespmem:s18+$0x0];
	p1 =	sne.s32 s17, $0x1FC;
	[tilespmem:s15+$0x0 ss:$0x81] =	vst.msk $0xffff, v0;
	s15 =	smov.u32 s17;
	s17 =	sadd.s32 $0x4, s17  }
.Ltmp3:
0x35: {  	v0 =	vld [tilespmem:s18+$0xFFFFFFF0];
	(pc) =	sbr.rel @p1 .LBB1_3-.Ltmp3, $4  }
0x36: {  	_ = 	snop  }
0x37: {  	s15 =	sshra.s32 s15, $0x2  }
0x38: {  	s15 =	sadd.s32 s15, s16  }
0x39: {  	s18 =	sadd.s32 $0x20, s18;
	[tilespmem:s15+$0x810 ss:$0x81] =	vst.msk $0xffff, v1  }
.Ltmp4:
0x3a: {  	_ = 	snop;
	(pc) =	sbr.rel .LBB1_4-.Ltmp4, $1  }
0x3b: {  	_ =	sdelay $0x3  }
.LBB1_6:
0x3c: {  	_ =	sfence.sel $0x180000  }
0x3d: {  	s2 =	simm.s32 $0x1;
	[bflag:$0x0] =	sbarrier.arrive $0xFFFF  }
0x3e: {  	s31 =	simm.s32 $0x2;
	[sflag:s2] =	ssyncpa.u1 $0x1  }
0x3f: {  	[sflag:s31] =	ssyncpa.u1 $0x1  }
0x40: {  	p0 =	sne.s32 s0, $0x0;
	_ =	strace $0x9000004A  }
0x41: {  	s0 =	sadd.s32 @!p0 $0x100000, s1;
	[bflag:$0x2] =	sbarrier.arrive $0xFFFF  }
0x42: {  	[sflag:s0] =	ssyncadd.tile.s32 @!p0 $0x1;
	_ =	shalt  }
.Lfunc_end1:
_tile_overlayer_lowered:
.L_overlay_start_2:
0x43: {  	(tag) =	ssettag $0x2  }
0x44: {  	s0 =	rddreg [dreg:$0x0];
	s2 =	stileid.u32  }
0x45: {  	s1 =	rddreg [dreg:$0x1];
	p0 =	sne.s32 s2, $0x0  }
0x46: {  	s3 =	rddreg [dreg:$0x2];
	[bflag:$0x3] =	sbarrier.arrive $0xFFFF;
	s2 =	simm.s32 @!p0 $0x1C01  }
0x47: {  	[timem:s3], [sflag:s2] =	dma.local @!p0 [hbm:s0], s1  }
0x48: {  	s0 =	simm.s32 @!p0 $0x1  }
0x49: {  	_ =	swait.ge @!p0 [sflag:s0], s1  }
0x4a: {  	s1 =	ssub.s32 @!p0 $0x0, s1;
	[sflag:s0] =	ssyncset.done @!p0 $0x0  }
0x4b: {  	[sflag:s0] =	ssyncadd.s32 @!p0 s1  }
0x4c: {  	[bflag:$0x3] =	sbarrier.arrive $0xFFFF  }
0x4d: {  	_ =	shalt  }

</sc_bundles>
